<compile_context>
chip_gen: v7x
topology: tpu7x:2x2x1
jax: 0.10.2.dev20260603
libtpu: 0.0.44.dev20260713+nightly
codegen_flags: <defaults>
</compile_context>

<pallas_src>
import functools

import jax
import jax.numpy as jnp
from jax import lax
from jax.experimental import pallas as pl
from jax.experimental.pallas import tpu as pltpu
from jax.experimental.pallas import tpu_sc as plsc

B = 16384
N_VAC = 2734130
NP_VAC = (N_VAC * 32) // 128
DIMS = (32, 16, 16, 8, 4, 4, 4, 4, 16)
ADIMS = (16, 16, 16, 16, 16, 16, 16, 16)
NC, NS = 2, 16
NW = NC * NS
BPW = B // NW
NCHUNK = BPW // 128

_F32 = jnp.float32


def _sc_vac_kernel():
    mesh = plsc.VectorSubcoreMesh(core_axis_name="c", subcore_axis_name="s")

    @functools.partial(
        pl.kernel,
        out_type=jax.ShapeDtypeStruct((B, 128), _F32),
        mesh=mesh,
        scratch_types=(
            pltpu.VMEM((NCHUNK, 128), jnp.int32),
            pltpu.VMEM((128, 128), _F32),
            pltpu.VMEM((128, 128), _F32),
            pltpu.SemaphoreType.DMA,
            pltpu.SemaphoreType.DMA,
        ),
        compiler_params=pltpu.CompilerParams(use_tc_tiling_on_sc=True),
    )
    def body(xp, vac_p, o_vac, xpv, vb0, vb1, s0, s1):
        wid = lax.axis_index("s") * NC + lax.axis_index("c")
        base = wid * BPW
        pltpu.sync_copy(xp.at[pl.ds(wid * NCHUNK, NCHUNK)], xpv)

        vbufs = (vb0, vb1)
        vsems = (s0, s1)
        pend = []

        def drain_one():
            cp0, k0 = pend.pop(0)
            cp0.wait()
            pltpu.sync_copy(vbufs[k0 % 2], o_vac.at[pl.ds(base + k0 * 128, 128)])

        for ck in range(NCHUNK):
            if len(pend) == 2:
                drain_one()
            cp = pltpu.async_copy(vac_p.at[xpv.at[ck]], vbufs[ck % 2],
                                  vsems[ck % 2])
            pend.append((cp, ck))
        while pend:
            drain_one()

    return body


def _sc_attr_kernel():
    mesh = plsc.VectorSubcoreMesh(core_axis_name="c", subcore_axis_name="s")
    out_type = tuple(jax.ShapeDtypeStruct((B, d), _F32) for d in ADIMS)
    scratch = (
        [pltpu.VMEM((BPW,), jnp.int32)]
        + [pltpu.VMEM((BPW,), jnp.int32)] * 8
        + [pltpu.VMEM((BPW, d), _F32) for d in ADIMS]
        + [pltpu.SemaphoreType.DMA]
    )

    @functools.partial(
        pl.kernel,
        out_type=out_type,
        mesh=mesh,
        scratch_types=scratch,
        compiler_params=pltpu.CompilerParams(use_tc_tiling_on_sc=False),
    )
    def body(x, d_company, d_area, d_region, d_ws, d_emp, d_we, d_cur, d_name,
             comp_t, area_t, reg_t, emp_t, ws_t, we_t, cur_t, name_t,
             o_comp, o_area, o_reg, o_ws, o_emp, o_we, o_cur, o_name,
             xv, i_comp, i_area, i_reg, i_ws, i_emp, i_we, i_cur, i_name,
             r_comp, r_area, r_reg, r_ws, r_emp, r_we, r_cur, r_name,
             sem):
        wid = lax.axis_index("s") * NC + lax.axis_index("c")
        base = wid * BPW
        pltpu.sync_copy(x.at[pl.ds(base, BPW)], xv)

        def gather(tbl, idx, dst):
            cps = []
            for ck in range(NCHUNK):
                sl = pl.ds(ck * 128, 128)
                cps.append(pltpu.async_copy(tbl.at[idx.at[sl]], dst.at[sl], sem))
            return cps

        lvl1 = []
        attr_tables = (d_company, d_area, d_region, d_ws, d_emp, d_we, d_cur, d_name)
        attr_idx = (i_comp, i_area, i_reg, i_ws, i_emp, i_we, i_cur, i_name)
        for tbl, dst in zip(attr_tables, attr_idx):
            lvl1 += gather(tbl, xv, dst)
        for cp in lvl1:
            cp.wait()

        emb_tables = (comp_t, area_t, reg_t, ws_t, emp_t, we_t, cur_t, name_t)
        emb_idx = (i_comp, i_area, i_reg, i_ws, i_emp, i_we, i_cur, i_name)
        emb_rows = (r_comp, r_area, r_reg, r_ws, r_emp, r_we, r_cur, r_name)
        lvl2 = []
        for t, i, r in zip(emb_tables, emb_idx, emb_rows):
            lvl2 += gather(t, i, r)
        for cp in lvl2:
            cp.wait()

        outs = (o_comp, o_area, o_reg, o_ws, o_emp, o_we, o_cur, o_name)
        for r, o in zip(emb_rows, outs):
            pltpu.sync_copy(r, o.at[pl.ds(base, BPW)])

    return body


_VAC_GATHER = _sc_vac_kernel()
_ATTR_GATHER = _sc_attr_kernel()

_RP_IN = 4096
_RP_OUT = _RP_IN // 4
_RP_GRID = -(-N_VAC // _RP_IN)
NP_PAD = _RP_GRID * _RP_OUT


def _repack_body(src, dst):
    v = src[...]
    for j in range(4):
        dst[:, 32 * j:32 * (j + 1)] = v[_RP_OUT * j:_RP_OUT * (j + 1), :]


def _repack(vac_t):
    return pl.pallas_call(
        _repack_body,
        grid=(_RP_GRID,),
        in_specs=[pl.BlockSpec((_RP_IN, 32), lambda i: (i, 0))],
        out_specs=pl.BlockSpec((_RP_OUT, 128), lambda i: (i, 0)),
        out_shape=jax.ShapeDtypeStruct((NP_PAD, 128), _F32),
    )(vac_t)


_BLK = 2048


def _mm_body(xr, fv, f1, f2, f3, f4, f5, f6, f7, f8,
             wv, w1, w2, w3, w4, w5, w6, w7, w8, b, out):
    xj = xr[...]
    cols = lax.broadcasted_iota(jnp.int32, (_BLK, 128), 1)
    fv_sel = jnp.where(cols // 32 == xj, fv[...], 0.0)
    acc = jnp.dot(fv_sel, wv[...], preferred_element_type=_F32)
    for f, w in ((f1, w1), (f2, w2), (f3, w3), (f4, w4),
                 (f5, w5), (f6, w6), (f7, w7), (f8, w8)):
        acc = acc + jnp.dot(f[...], w[...], preferred_element_type=_F32)
    out[...] = acc + b[...]


def _projection(xj, feats, wv, ws, b):
    n_blk = B // _BLK
    in_specs = (
        [pl.BlockSpec((_BLK, 1), lambda i: (i, 0)),
         pl.BlockSpec((_BLK, 128), lambda i: (i, 0))]
        + [pl.BlockSpec((_BLK, d), lambda i: (i, 0)) for d in ADIMS]
        + [pl.BlockSpec((128, 64), lambda i: (0, 0))]
        + [pl.BlockSpec((d, 64), lambda i: (0, 0)) for d in ADIMS]
        + [pl.BlockSpec((1, 64), lambda i: (0, 0))]
    )
    return pl.pallas_call(
        _mm_body,
        grid=(n_blk,),
        in_specs=in_specs,
        out_specs=pl.BlockSpec((_BLK, 64), lambda i: (i, 0)),
        out_shape=jax.ShapeDtypeStruct((B, 64), _F32),
    )(xj.reshape(B, 1), *feats, wv, *ws, b.reshape(1, 64))


def kernel(x, d_company, d_area, d_region, d_ws, d_emp, d_we, d_cur, d_name,
           vac_t, comp_t, area_t, reg_t, emp_t, ws_t, we_t, cur_t, name_t, W, b):
    x = x.astype(jnp.int32)
    vac_p = _repack(vac_t)
    r_in = x % _RP_IN
    xp = ((x // _RP_IN) * _RP_OUT + r_in % _RP_OUT).reshape(B // 128, 128)
    xj = r_in // _RP_OUT
    f_vac = _VAC_GATHER(xp, vac_p)

    def pad16(t):
        return jnp.pad(t, ((0, 0), (0, 16 - t.shape[1])))

    tables = (comp_t, area_t, pad16(reg_t), pad16(emp_t), pad16(ws_t),
              pad16(we_t), pad16(cur_t), name_t)
    feats = _ATTR_GATHER(x, d_company, d_area, d_region, d_ws, d_emp, d_we,
                         d_cur, d_name, *tables)

    wv = jnp.tile(W[:32, :], (4, 1))
    offs, ws = 32, []
    for d, pd in zip(DIMS[1:], ADIMS):
        w = W[offs:offs + d, :]
        if pd != d:
            w = jnp.pad(w, ((0, pd - d), (0, 0)))
        ws.append(w)
        offs += d
    return _projection(xj, (f_vac,) + feats, wv, ws, b)

# --- scband reference (transcript-rebuilt; emitter-appended) ---
"""Pipeline reference for scband-embed-single-vac-69449621176378 (READ-ONLY COPY).

The authoritative reference and input builder live on the scoring server;
editing this copy changes nothing except your own understanding.
"""

import jax, jax.numpy as jnp
import numpy as np

N_VAC = 2734130
N_COMP = 278913
N_AREA = 7015
N_REG = 107
N_EMP = 6
N_WS = 6
N_WE = 5
N_CUR = 11
N_NAME = 18060
B = 16384

D_VAC, D_COMP, D_AREA, D_REG, D_EMP, D_WS, D_WE, D_CUR, D_NAME = 32, 16, 16, 8, 4, 4, 4, 4, 16
D_IN = D_VAC + D_COMP + D_AREA + D_REG + D_EMP + D_WS + D_WE + D_CUR + D_NAME  # 104
D_OUT = 64


def setup_inputs(seed: int = 0) -> dict:
    key = jax.random.key(seed)
    ks = jax.random.split(key, 24)
    x = jax.random.randint(ks[0], (B,), 0, N_VAC, dtype=jnp.int64) if jax.config.read('jax_enable_x64') else jax.random.randint(ks[0], (B,), 0, N_VAC, dtype=jnp.int32)
    # description lookup tables (vacancy_id -> attribute id)
    d_company = jax.random.randint(ks[1], (N_VAC,), 0, N_COMP, dtype=jnp.int32)
    d_area = jax.random.randint(ks[2], (N_VAC,), 0, N_AREA, dtype=jnp.int32)
    d_region = jax.random.randint(ks[3], (N_VAC,), 0, N_REG, dtype=jnp.int32)
    d_ws = jax.random.randint(ks[4], (N_VAC,), 0, N_WS, dtype=jnp.int32)
    d_emp = jax.random.randint(ks[5], (N_VAC,), 0, N_EMP, dtype=jnp.int32)
    d_we = jax.random.randint(ks[6], (N_VAC,), 0, N_WE, dtype=jnp.int32)
    d_cur = jax.random.randint(ks[7], (N_VAC,), 0, N_CUR, dtype=jnp.int32)
    d_name = jax.random.randint(ks[8], (N_VAC,), 0, N_NAME, dtype=jnp.int32)
    # embedding tables
    vac_t = jax.random.normal(ks[9], (N_VAC, D_VAC), jnp.float32) * 0.02
    comp_t = jax.random.normal(ks[10], (N_COMP, D_COMP), jnp.float32) * 0.02
    area_t = jax.random.normal(ks[11], (N_AREA, D_AREA), jnp.float32) * 0.02
    reg_t = jax.random.normal(ks[12], (N_REG, D_REG), jnp.float32) * 0.02
    emp_t = jax.random.normal(ks[13], (N_EMP, D_EMP), jnp.float32) * 0.02
    ws_t = jax.random.normal(ks[14], (N_WS, D_WS), jnp.float32) * 0.02
    we_t = jax.random.normal(ks[15], (N_WE, D_WE), jnp.float32) * 0.02
    cur_t = jax.random.normal(ks[16], (N_CUR, D_CUR), jnp.float32) * 0.02
    name_t = jax.random.normal(ks[17], (N_NAME, D_NAME), jnp.float32) * 0.02
    # fc layer
    W = jax.random.normal(ks[18], (D_IN, D_OUT), jnp.float32) * (1.0 / np.sqrt(D_IN))
    b = jnp.zeros((D_OUT,), jnp.float32)
    return {
        'x': x,
        'd_company': d_company, 'd_area': d_area, 'd_region': d_region,
        'd_ws': d_ws, 'd_emp': d_emp, 'd_we': d_we, 'd_cur': d_cur, 'd_name': d_name,
        'vac_t': vac_t, 'comp_t': comp_t, 'area_t': area_t, 'reg_t': reg_t,
        'emp_t': emp_t, 'ws_t': ws_t, 'we_t': we_t, 'cur_t': cur_t, 'name_t': name_t,
        'W': W, 'b': b,
    }


def reference(x, d_company, d_area, d_region, d_ws, d_emp, d_we, d_cur, d_name,
              vac_t, comp_t, area_t, reg_t, emp_t, ws_t, we_t, cur_t, name_t, W, b):
    feats = jnp.concatenate([
        jnp.take(vac_t, x, axis=0),
        jnp.take(comp_t, jnp.take(d_company, x), axis=0),
        jnp.take(area_t, jnp.take(d_area, x), axis=0),
        jnp.take(reg_t, jnp.take(d_region, x), axis=0),
        jnp.take(ws_t, jnp.take(d_ws, x), axis=0),
        jnp.take(emp_t, jnp.take(d_emp, x), axis=0),
        jnp.take(we_t, jnp.take(d_we, x), axis=0),
        jnp.take(cur_t, jnp.take(d_cur, x), axis=0),
        jnp.take(name_t, jnp.take(d_name, x), axis=0),
    ], axis=1)
    return feats @ W + b

if __name__ == "__main__":
    import jax
    _d = setup_inputs()
    print(jax.jit(kernel)(*tuple(_d.values())))

</pallas_src>

<mosaic_0001>
#map = affine_map<(d0, d1) -> (0, 0)>
module attributes {stable_mosaic.version = 14 : i64} {
  func.func @body(%arg0: i32, %arg1: i32, %arg2: memref<128x128xi32, #tpu.memory_space<hbm>>, %arg3: memref<684032x128xf32, #tpu.memory_space<hbm>>, %arg4: memref<16384x128xf32, #tpu.memory_space<hbm>>, %arg5: memref<4x128xi32, #tpu.memory_space<vmem>>, %arg6: memref<128x128xf32, #tpu.memory_space<vmem>>, %arg7: memref<128x128xf32, #tpu.memory_space<vmem>>, %arg8: memref<!tpu.dma_semaphore, #tpu.memory_space<semaphore_mem>>, %arg9: memref<!tpu.dma_semaphore, #tpu.memory_space<semaphore_mem>>) attributes {dimension_semantics = [#tpu.dimension_semantics<core_parallel>, #tpu.dimension_semantics<subcore_parallel>], iteration_bounds = array<i64: 2, 16>, scalar_prefetch = 0 : i64, scratch_operands = 5 : i64, tpu.core_type = #tpu.core_type<sc_vector_subcore>, window_params = [{transform_indices = #map}, {transform_indices = #map}, {transform_indices = #map}]} {
    %mul3A = arith.constant 2 : i32
    %mul3A_0 = arith.muli %arg1, %mul3A : i32
    %add3A = arith.addi %mul3A_0, %arg0 : i32
    %mul3A_1 = arith.constant 512 : i32
    %mul3A_2 = arith.muli %add3A, %mul3A_1 : i32
    %mul3A_3 = arith.constant 4 : i32
    %mul3A_4 = arith.muli %add3A, %mul3A_3 : i32
    "tpu.region"() ({
      %run_scoped3A = tpu.sem_alloc : memref<!tpu.dma_semaphore, #tpu.memory_space<semaphore_mem>>
      %dma_start3A_67 = arith.constant 0 : i32
      %dma_start3A_68 = tpu.memref_slice %arg2[%mul3A_4, %dma_start3A_67] : memref<128x128xi32, #tpu.memory_space<hbm>> -> memref<4x128xi32, #tpu.memory_space<hbm>>
      %dma_start3A_69 = arith.constant 0 : i32
      %dma_start3A_70 = tpu.memref_slice %arg2[%mul3A_4, %dma_start3A_69] : memref<128x128xi32, #tpu.memory_space<hbm>> -> memref<4x128xi32, #tpu.memory_space<hbm>>
      tpu.enqueue_dma source(%dma_start3A_70 : memref<4x128xi32, #tpu.memory_space<hbm>>) target(%arg5 : memref<4x128xi32, #tpu.memory_space<vmem>>) target_semaphore(%run_scoped3A : memref<!tpu.dma_semaphore, #tpu.memory_space<semaphore_mem>>)
      %dma_wait3A_71 = arith.constant 0 : i32
      %dma_wait3A_72 = tpu.memref_slice %arg2[%mul3A_4, %dma_wait3A_71] : memref<128x128xi32, #tpu.memory_space<hbm>> -> memref<4x128xi32, #tpu.memory_space<hbm>>
      %dma_wait3A_73 = arith.constant 0 : i32
      %dma_wait3A_74 = tpu.memref_slice %arg2[%mul3A_4, %dma_wait3A_73] : memref<128x128xi32, #tpu.memory_space<hbm>> -> memref<4x128xi32, #tpu.memory_space<hbm>>
      tpu.wait_dma2 semaphore(%run_scoped3A : memref<!tpu.dma_semaphore, #tpu.memory_space<semaphore_mem>>) src(%dma_wait3A_74 : memref<4x128xi32, #tpu.memory_space<hbm>>) dst(%arg5 : memref<4x128xi32, #tpu.memory_space<vmem>>)
      tpu.yield
    }) : () -> ()
    %dma_start3A = arith.constant 0 : i32
    %dma_start3A_5 = arith.constant 0 : i32
    %dma_start3A_6 = tpu.memref_slice %arg5[%dma_start3A, %dma_start3A_5] : memref<4x128xi32, #tpu.memory_space<vmem>> -> memref<1x128xi32, #tpu.memory_space<vmem>>
    %dma_start3A_7 = tpu.memref_squeeze %dma_start3A_6 : memref<1x128xi32, #tpu.memory_space<vmem>> -> memref<128xi32, #tpu.memory_space<vmem>>
    %dma_start3A_8 = arith.constant 0 : i32
    %dma_start3A_9 = arith.constant 0 : i32
    %dma_start3A_10 = tpu.memref_slice %arg3[%dma_start3A_8, %dma_start3A_9] : memref<684032x128xf32, #tpu.memory_space<hbm>> -> memref<684032x128xf32, #tpu.memory_space<hbm>>
    tpu.enqueue_indirect_dma source(%dma_start3A_10 : memref<684032x128xf32, #tpu.memory_space<hbm>>) target(%arg6 : memref<128x128xf32, #tpu.memory_space<vmem>>) offsets(%dma_start3A_7 : memref<128xi32, #tpu.memory_space<vmem>>) semaphore(%arg8 : memref<!tpu.dma_semaphore, #tpu.memory_space<semaphore_mem>>)
    %dma_start3A_11 = arith.constant 1 : i32
    %dma_start3A_12 = arith.constant 0 : i32
    %dma_start3A_13 = tpu.memref_slice %arg5[%dma_start3A_11, %dma_start3A_12] : memref<4x128xi32, #tpu.memory_space<vmem>> -> memref<1x128xi32, #tpu.memory_space<vmem>>
    %dma_start3A_14 = tpu.memref_squeeze %dma_start3A_13 : memref<1x128xi32, #tpu.memory_space<vmem>> -> memref<128xi32, #tpu.memory_space<vmem>>
    %dma_start3A_15 = arith.constant 0 : i32
    %dma_start3A_16 = arith.constant 0 : i32
    %dma_start3A_17 = tpu.memref_slice %arg3[%dma_start3A_15, %dma_start3A_16] : memref<684032x128xf32, #tpu.memory_space<hbm>> -> memref<684032x128xf32, #tpu.memory_space<hbm>>
    tpu.enqueue_indirect_dma source(%dma_start3A_17 : memref<684032x128xf32, #tpu.memory_space<hbm>>) target(%arg7 : memref<128x128xf32, #tpu.memory_space<vmem>>) offsets(%dma_start3A_14 : memref<128xi32, #tpu.memory_space<vmem>>) semaphore(%arg9 : memref<!tpu.dma_semaphore, #tpu.memory_space<semaphore_mem>>)
    %dma_wait3A = arith.constant 0 : i32
    %dma_wait3A_18 = arith.constant 0 : i32
    %dma_wait3A_19 = tpu.memref_slice %arg5[%dma_wait3A, %dma_wait3A_18] : memref<4x128xi32, #tpu.memory_space<vmem>> -> memref<1x128xi32, #tpu.memory_space<vmem>>
    %dma_wait3A_20 = tpu.memref_squeeze %dma_wait3A_19 : memref<1x128xi32, #tpu.memory_space<vmem>> -> memref<128xi32, #tpu.memory_space<vmem>>
    %dma_wait3A_21 = arith.constant 0 : i32
    %dma_wait3A_22 = arith.constant 0 : i32
    %dma_wait3A_23 = tpu.memref_slice %arg3[%dma_wait3A_21, %dma_wait3A_22] : memref<684032x128xf32, #tpu.memory_space<hbm>> -> memref<684032x128xf32, #tpu.memory_space<hbm>>
    tpu.wait_indirect_dma semaphore(%arg8 : memref<!tpu.dma_semaphore, #tpu.memory_space<semaphore_mem>>) src(%dma_wait3A_23 : memref<684032x128xf32, #tpu.memory_space<hbm>>) dst(%arg6 : memref<128x128xf32, #tpu.memory_space<vmem>>)
    %add3A_24 = arith.constant 0 : i32
    %add3A_25 = arith.addi %mul3A_2, %add3A_24 : i32
    "tpu.region"() ({
      %run_scoped3A = tpu.sem_alloc : memref<!tpu.dma_semaphore, #tpu.memory_space<semaphore_mem>>
      %dma_start3A_67 = arith.constant 0 : i32
      %dma_start3A_68 = tpu.memref_slice %arg4[%add3A_25, %dma_start3A_67] : memref<16384x128xf32, #tpu.memory_space<hbm>> -> memref<128x128xf32, #tpu.memory_space<hbm>>
      %dma_start3A_69 = arith.constant 0 : i32
      %dma_start3A_70 = tpu.memref_slice %arg4[%add3A_25, %dma_start3A_69] : memref<16384x128xf32, #tpu.memory_space<hbm>> -> memref<128x128xf32, #tpu.memory_space<hbm>>
      tpu.enqueue_dma source(%arg6 : memref<128x128xf32, #tpu.memory_space<vmem>>) target(%dma_start3A_70 : memref<128x128xf32, #tpu.memory_space<hbm>>) target_semaphore(%run_scoped3A : memref<!tpu.dma_semaphore, #tpu.memory_space<semaphore_mem>>)
      %dma_wait3A_71 = arith.constant 0 : i32
      %dma_wait3A_72 = tpu.memref_slice %arg4[%add3A_25, %dma_wait3A_71] : memref<16384x128xf32, #tpu.memory_space<hbm>> -> memref<128x128xf32, #tpu.memory_space<hbm>>
      %dma_wait3A_73 = arith.constant 0 : i32
      %dma_wait3A_74 = tpu.memref_slice %arg4[%add3A_25, %dma_wait3A_73] : memref<16384x128xf32, #tpu.memory_space<hbm>> -> memref<128x128xf32, #tpu.memory_space<hbm>>
      tpu.wait_dma2 semaphore(%run_scoped3A : memref<!tpu.dma_semaphore, #tpu.memory_space<semaphore_mem>>) src(%arg6 : memref<128x128xf32, #tpu.memory_space<vmem>>) dst(%dma_wait3A_74 : memref<128x128xf32, #tpu.memory_space<hbm>>)
      tpu.yield
    }) : () -> ()
    %dma_start3A_26 = arith.constant 2 : i32
    %dma_start3A_27 = arith.constant 0 : i32
    %dma_start3A_28 = tpu.memref_slice %arg5[%dma_start3A_26, %dma_start3A_27] : memref<4x128xi32, #tpu.memory_space<vmem>> -> memref<1x128xi32, #tpu.memory_space<vmem>>
    %dma_start3A_29 = tpu.memref_squeeze %dma_start3A_28 : memref<1x128xi32, #tpu.memory_space<vmem>> -> memref<128xi32, #tpu.memory_space<vmem>>
    %dma_start3A_30 = arith.constant 0 : i32
    %dma_start3A_31 = arith.constant 0 : i32
    %dma_start3A_32 = tpu.memref_slice %arg3[%dma_start3A_30, %dma_start3A_31] : memref<684032x128xf32, #tpu.memory_space<hbm>> -> memref<684032x128xf32, #tpu.memory_space<hbm>>
    tpu.enqueue_indirect_dma source(%dma_start3A_32 : memref<684032x128xf32, #tpu.memory_space<hbm>>) target(%arg6 : memref<128x128xf32, #tpu.memory_space<vmem>>) offsets(%dma_start3A_29 : memref<128xi32, #tpu.memory_space<vmem>>) semaphore(%arg8 : memref<!tpu.dma_semaphore, #tpu.memory_space<semaphore_mem>>)
    %dma_wait3A_33 = arith.constant 1 : i32
    %dma_wait3A_34 = arith.constant 0 : i32
    %dma_wait3A_35 = tpu.memref_slice %arg5[%dma_wait3A_33, %dma_wait3A_34] : memref<4x128xi32, #tpu.memory_space<vmem>> -> memref<1x128xi32, #tpu.memory_space<vmem>>
    %dma_wait3A_36 = tpu.memref_squeeze %dma_wait3A_35 : memref<1x128xi32, #tpu.memory_space<vmem>> -> memref<128xi32, #tpu.memory_space<vmem>>
    %dma_wait3A_37 = arith.constant 0 : i32
    %dma_wait3A_38 = arith.constant 0 : i32
    %dma_wait3A_39 = tpu.memref_slice %arg3[%dma_wait3A_37, %dma_wait3A_38] : memref<684032x128xf32, #tpu.memory_space<hbm>> -> memref<684032x128xf32, #tpu.memory_space<hbm>>
    tpu.wait_indirect_dma semaphore(%arg9 : memref<!tpu.dma_semaphore, #tpu.memory_space<semaphore_mem>>) src(%dma_wait3A_39 : memref<684032x128xf32, #tpu.memory_space<hbm>>) dst(%arg7 : memref<128x128xf32, #tpu.memory_space<vmem>>)
    %add3A_40 = arith.constant 128 : i32
    %add3A_41 = arith.addi %mul3A_2, %add3A_40 : i32
    "tpu.region"() ({
      %run_scoped3A = tpu.sem_alloc : memref<!tpu.dma_semaphore, #tpu.memory_space<semaphore_mem>>
      %dma_start3A_67 = arith.constant 0 : i32
      %dma_start3A_68 = tpu.memref_slice %arg4[%add3A_41, %dma_start3A_67] : memref<16384x128xf32, #tpu.memory_space<hbm>> -> memref<128x128xf32, #tpu.memory_space<hbm>>
      %dma_start3A_69 = arith.constant 0 : i32
      %dma_start3A_70 = tpu.memref_slice %arg4[%add3A_41, %dma_start3A_69] : memref<16384x128xf32, #tpu.memory_space<hbm>> -> memref<128x128xf32, #tpu.memory_space<hbm>>
      tpu.enqueue_dma source(%arg7 : memref<128x128xf32, #tpu.memory_space<vmem>>) target(%dma_start3A_70 : memref<128x128xf32, #tpu.memory_space<hbm>>) target_semaphore(%run_scoped3A : memref<!tpu.dma_semaphore, #tpu.memory_space<semaphore_mem>>)
      %dma_wait3A_71 = arith.constant 0 : i32
      %dma_wait3A_72 = tpu.memref_slice %arg4[%add3A_41, %dma_wait3A_71] : memref<16384x128xf32, #tpu.memory_space<hbm>> -> memref<128x128xf32, #tpu.memory_space<hbm>>
      %dma_wait3A_73 = arith.constant 0 : i32
      %dma_wait3A_74 = tpu.memref_slice %arg4[%add3A_41, %dma_wait3A_73] : memref<16384x128xf32, #tpu.memory_space<hbm>> -> memref<128x128xf32, #tpu.memory_space<hbm>>
      tpu.wait_dma2 semaphore(%run_scoped3A : memref<!tpu.dma_semaphore, #tpu.memory_space<semaphore_mem>>) src(%arg7 : memref<128x128xf32, #tpu.memory_space<vmem>>) dst(%dma_wait3A_74 : memref<128x128xf32, #tpu.memory_space<hbm>>)
      tpu.yield
    }) : () -> ()
    %dma_start3A_42 = arith.constant 3 : i32
    %dma_start3A_43 = arith.constant 0 : i32
    %dma_start3A_44 = tpu.memref_slice %arg5[%dma_start3A_42, %dma_start3A_43] : memref<4x128xi32, #tpu.memory_space<vmem>> -> memref<1x128xi32, #tpu.memory_space<vmem>>
    %dma_start3A_45 = tpu.memref_squeeze %dma_start3A_44 : memref<1x128xi32, #tpu.memory_space<vmem>> -> memref<128xi32, #tpu.memory_space<vmem>>
    %dma_start3A_46 = arith.constant 0 : i32
    %dma_start3A_47 = arith.constant 0 : i32
    %dma_start3A_48 = tpu.memref_slice %arg3[%dma_start3A_46, %dma_start3A_47] : memref<684032x128xf32, #tpu.memory_space<hbm>> -> memref<684032x128xf32, #tpu.memory_space<hbm>>
    tpu.enqueue_indirect_dma source(%dma_start3A_48 : memref<684032x128xf32, #tpu.memory_space<hbm>>) target(%arg7 : memref<128x128xf32, #tpu.memory_space<vmem>>) offsets(%dma_start3A_45 : memref<128xi32, #tpu.memory_space<vmem>>) semaphore(%arg9 : memref<!tpu.dma_semaphore, #tpu.memory_space<semaphore_mem>>)
    %dma_wait3A_49 = arith.constant 2 : i32
    %dma_wait3A_50 = arith.constant 0 : i32
    %dma_wait3A_51 = tpu.memref_slice %arg5[%dma_wait3A_49, %dma_wait3A_50] : memref<4x128xi32, #tpu.memory_space<vmem>> -> memref<1x128xi32, #tpu.memory_space<vmem>>
    %dma_wait3A_52 = tpu.memref_squeeze %dma_wait3A_51 : memref<1x128xi32, #tpu.memory_space<vmem>> -> memref<128xi32, #tpu.memory_space<vmem>>
    %dma_wait3A_53 = arith.constant 0 : i32
    %dma_wait3A_54 = arith.constant 0 : i32
    %dma_wait3A_55 = tpu.memref_slice %arg3[%dma_wait3A_53, %dma_wait3A_54] : memref<684032x128xf32, #tpu.memory_space<hbm>> -> memref<684032x128xf32, #tpu.memory_space<hbm>>
    tpu.wait_indirect_dma semaphore(%arg8 : memref<!tpu.dma_semaphore, #tpu.memory_space<semaphore_mem>>) src(%dma_wait3A_55 : memref<684032x128xf32, #tpu.memory_space<hbm>>) dst(%arg6 : memref<128x128xf32, #tpu.memory_space<vmem>>)
    %add3A_56 = arith.constant 256 : i32
    %add3A_57 = arith.addi %mul3A_2, %add3A_56 : i32
    "tpu.region"() ({
      %run_scoped3A = tpu.sem_alloc : memref<!tpu.dma_semaphore, #tpu.memory_space<semaphore_mem>>
      %dma_start3A_67 = arith.constant 0 : i32
      %dma_start3A_68 = tpu.memref_slice %arg4[%add3A_57, %dma_start3A_67] : memref<16384x128xf32, #tpu.memory_space<hbm>> -> memref<128x128xf32, #tpu.memory_space<hbm>>
      %dma_start3A_69 = arith.constant 0 : i32
      %dma_start3A_70 = tpu.memref_slice %arg4[%add3A_57, %dma_start3A_69] : memref<16384x128xf32, #tpu.memory_space<hbm>> -> memref<128x128xf32, #tpu.memory_space<hbm>>
      tpu.enqueue_dma source(%arg6 : memref<128x128xf32, #tpu.memory_space<vmem>>) target(%dma_start3A_70 : memref<128x128xf32, #tpu.memory_space<hbm>>) target_semaphore(%run_scoped3A : memref<!tpu.dma_semaphore, #tpu.memory_space<semaphore_mem>>)
      %dma_wait3A_71 = arith.constant 0 : i32
      %dma_wait3A_72 = tpu.memref_slice %arg4[%add3A_57, %dma_wait3A_71] : memref<16384x128xf32, #tpu.memory_space<hbm>> -> memref<128x128xf32, #tpu.memory_space<hbm>>
      %dma_wait3A_73 = arith.constant 0 : i32
      %dma_wait3A_74 = tpu.memref_slice %arg4[%add3A_57, %dma_wait3A_73] : memref<16384x128xf32, #tpu.memory_space<hbm>> -> memref<128x128xf32, #tpu.memory_space<hbm>>
      tpu.wait_dma2 semaphore(%run_scoped3A : memref<!tpu.dma_semaphore, #tpu.memory_space<semaphore_mem>>) src(%arg6 : memref<128x128xf32, #tpu.memory_space<vmem>>) dst(%dma_wait3A_74 : memref<128x128xf32, #tpu.memory_space<hbm>>)
      tpu.yield
    }) : () -> ()
    %dma_wait3A_58 = arith.constant 3 : i32
    %dma_wait3A_59 = arith.constant 0 : i32
    %dma_wait3A_60 = tpu.memref_slice %arg5[%dma_wait3A_58, %dma_wait3A_59] : memref<4x128xi32, #tpu.memory_space<vmem>> -> memref<1x128xi32, #tpu.memory_space<vmem>>
    %dma_wait3A_61 = tpu.memref_squeeze %dma_wait3A_60 : memref<1x128xi32, #tpu.memory_space<vmem>> -> memref<128xi32, #tpu.memory_space<vmem>>
    %dma_wait3A_62 = arith.constant 0 : i32
    %dma_wait3A_63 = arith.constant 0 : i32
    %dma_wait3A_64 = tpu.memref_slice %arg3[%dma_wait3A_62, %dma_wait3A_63] : memref<684032x128xf32, #tpu.memory_space<hbm>> -> memref<684032x128xf32, #tpu.memory_space<hbm>>
    tpu.wait_indirect_dma semaphore(%arg9 : memref<!tpu.dma_semaphore, #tpu.memory_space<semaphore_mem>>) src(%dma_wait3A_64 : memref<684032x128xf32, #tpu.memory_space<hbm>>) dst(%arg7 : memref<128x128xf32, #tpu.memory_space<vmem>>)
    %add3A_65 = arith.constant 384 : i32
    %add3A_66 = arith.addi %mul3A_2, %add3A_65 : i32
    "tpu.region"() ({
      %run_scoped3A = tpu.sem_alloc : memref<!tpu.dma_semaphore, #tpu.memory_space<semaphore_mem>>
      %dma_start3A_67 = arith.constant 0 : i32
      %dma_start3A_68 = tpu.memref_slice %arg4[%add3A_66, %dma_start3A_67] : memref<16384x128xf32, #tpu.memory_space<hbm>> -> memref<128x128xf32, #tpu.memory_space<hbm>>
      %dma_start3A_69 = arith.constant 0 : i32
      %dma_start3A_70 = tpu.memref_slice %arg4[%add3A_66, %dma_start3A_69] : memref<16384x128xf32, #tpu.memory_space<hbm>> -> memref<128x128xf32, #tpu.memory_space<hbm>>
      tpu.enqueue_dma source(%arg7 : memref<128x128xf32, #tpu.memory_space<vmem>>) target(%dma_start3A_70 : memref<128x128xf32, #tpu.memory_space<hbm>>) target_semaphore(%run_scoped3A : memref<!tpu.dma_semaphore, #tpu.memory_space<semaphore_mem>>)
      %dma_wait3A_71 = arith.constant 0 : i32
      %dma_wait3A_72 = tpu.memref_slice %arg4[%add3A_66, %dma_wait3A_71] : memref<16384x128xf32, #tpu.memory_space<hbm>> -> memref<128x128xf32, #tpu.memory_space<hbm>>
      %dma_wait3A_73 = arith.constant 0 : i32
      %dma_wait3A_74 = tpu.memref_slice %arg4[%add3A_66, %dma_wait3A_73] : memref<16384x128xf32, #tpu.memory_space<hbm>> -> memref<128x128xf32, #tpu.memory_space<hbm>>
      tpu.wait_dma2 semaphore(%run_scoped3A : memref<!tpu.dma_semaphore, #tpu.memory_space<semaphore_mem>>) src(%arg7 : memref<128x128xf32, #tpu.memory_space<vmem>>) dst(%dma_wait3A_74 : memref<128x128xf32, #tpu.memory_space<hbm>>)
      tpu.yield
    }) : () -> ()
    return
  }
}

#map = affine_map<(d0, d1) -> (0)>
#map1 = affine_map<(d0, d1) -> (0, 0)>
module attributes {stable_mosaic.version = 14 : i64} {
  func.func @body(%arg0: i32, %arg1: i32, %arg2: memref<16384xi32, #tpu.memory_space<hbm>>, %arg3: memref<2734130xi32, #tpu.memory_space<hbm>>, %arg4: memref<2734130xi32, #tpu.memory_space<hbm>>, %arg5: memref<2734130xi32, #tpu.memory_space<hbm>>, %arg6: memref<2734130xi32, #tpu.memory_space<hbm>>, %arg7: memref<2734130xi32, #tpu.memory_space<hbm>>, %arg8: memref<2734130xi32, #tpu.memory_space<hbm>>, %arg9: memref<2734130xi32, #tpu.memory_space<hbm>>, %arg10: memref<2734130xi32, #tpu.memory_space<hbm>>, %arg11: memref<278913x16xf32, #tpu.memory_space<hbm>>, %arg12: memref<7015x16xf32, #tpu.memory_space<hbm>>, %arg13: memref<107x16xf32, #tpu.memory_space<hbm>>, %arg14: memref<6x16xf32, #tpu.memory_space<hbm>>, %arg15: memref<6x16xf32, #tpu.memory_space<hbm>>, %arg16: memref<5x16xf32, #tpu.memory_space<hbm>>, %arg17: memref<11x16xf32, #tpu.memory_space<hbm>>, %arg18: memref<18060x16xf32, #tpu.memory_space<hbm>>, %arg19: memref<16384x16xf32, #tpu.memory_space<hbm>>, %arg20: memref<16384x16xf32, #tpu.memory_space<hbm>>, %arg21: memref<16384x16xf32, #tpu.memory_space<hbm>>, %arg22: memref<16384x16xf32, #tpu.memory_space<hbm>>, %arg23: memref<16384x16xf32, #tpu.memory_space<hbm>>, %arg24: memref<16384x16xf32, #tpu.memory_space<hbm>>, %arg25: memref<16384x16xf32, #tpu.memory_space<hbm>>, %arg26: memref<16384x16xf32, #tpu.memory_space<hbm>>, %arg27: memref<512xi32, #tpu.memory_space<vmem>>, %arg28: memref<512xi32, #tpu.memory_space<vmem>>, %arg29: memref<512xi32, #tpu.memory_space<vmem>>, %arg30: memref<512xi32, #tpu.memory_space<vmem>>, %arg31: memref<512xi32, #tpu.memory_space<vmem>>, %arg32: memref<512xi32, #tpu.memory_space<vmem>>, %arg33: memref<512xi32, #tpu.memory_space<vmem>>, %arg34: memref<512xi32, #tpu.memory_space<vmem>>, %arg35: memref<512xi32, #tpu.memory_space<vmem>>, %arg36: memref<512x16xf32, #tpu.memory_space<vmem>>, %arg37: memref<512x16xf32, #tpu.memory_space<vmem>>, %arg38: memref<512x16xf32, #tpu.memory_space<vmem>>, %arg39: memref<512x16xf32, #tpu.memory_space<vmem>>, %arg40: memref<512x16xf32, #tpu.memory_space<vmem>>, %arg41: memref<512x16xf32, #tpu.memory_space<vmem>>, %arg42: memref<512x16xf32, #tpu.memory_space<vmem>>, %arg43: memref<512x16xf32, #tpu.memory_space<vmem>>, %arg44: memref<!tpu.dma_semaphore, #tpu.memory_space<semaphore_mem>>) attributes {dimension_semantics = [#tpu.dimension_semantics<core_parallel>, #tpu.dimension_semantics<subcore_parallel>], iteration_bounds = array<i64: 2, 16>, scalar_prefetch = 0 : i64, scratch_operands = 18 : i64, tpu.core_type = #tpu.core_type<sc_vector_subcore>, window_params = [{transform_indices = #map}, {transform_indices = #map}, {transform_indices = #map}, {transform_indices = #map}, {transform_indices = #map}, {transform_indices = #map}, {transform_indices = #map}, {transform_indices = #map}, {transform_indices = #map}, {transform_indices = #map1}, {transform_indices = #map1}, {transform_indices = #map1}, {transform_indices = #map1}, {transform_indices = #map1}, {transform_indices = #map1}, {transform_indices = #map1}, {transform_indices = #map1}, {transform_indices = #map1}, {transform_indices = #map1}, {transform_indices = #map1}, {transform_indices = #map1}, {transform_indices = #map1}, {transform_indices = #map1}, {transform_indices = #map1}, {transform_indices = #map1}]} {
    %mul3A = arith.constant 2 : i32
    %mul3A_0 = arith.muli %arg1, %mul3A : i32
    %add3A = arith.addi %mul3A_0, %arg0 : i32
    %mul3A_1 = arith.constant 512 : i32
    %mul3A_2 = arith.muli %add3A, %mul3A_1 : i32
    "tpu.region"() ({
      %run_scoped3A = tpu.sem_alloc : memref<!tpu.dma_semaphore, #tpu.memory_space<semaphore_mem>>
      %dma_start3A_897 = tpu.memref_slice %arg2[%mul3A_2] : memref<16384xi32, #tpu.memory_space<hbm>> -> memref<512xi32, #tpu.memory_space<hbm>>
      %dma_start3A_898 = tpu.memref_slice %arg2[%mul3A_2] : memref<16384xi32, #tpu.memory_space<hbm>> -> memref<512xi32, #tpu.memory_space<hbm>>
      tpu.enqueue_dma source(%dma_start3A_898 : memref<512xi32, #tpu.memory_space<hbm>>) target(%arg27 : memref<512xi32, #tpu.memory_space<vmem>>) target_semaphore(%run_scoped3A : memref<!tpu.dma_semaphore, #tpu.memory_space<semaphore_mem>>)
      %dma_wait3A_899 = tpu.memref_slice %arg2[%mul3A_2] : memref<16384xi32, #tpu.memory_space<hbm>> -> memref<512xi32, #tpu.memory_space<hbm>>
      %dma_wait3A_900 = tpu.memref_slice %arg2[%mul3A_2] : memref<16384xi32, #tpu.memory_space<hbm>> -> memref<512xi32, #tpu.memory_space<hbm>>
      tpu.wait_dma2 semaphore(%run_scoped3A : memref<!tpu.dma_semaphore, #tpu.memory_space<semaphore_mem>>) src(%dma_wait3A_900 : memref<512xi32, #tpu.memory_space<hbm>>) dst(%arg27 : memref<512xi32, #tpu.memory_space<vmem>>)
      tpu.yield
    }) : () -> ()
    %dma_start3A = arith.constant 0 : i32
    %dma_start3A_3 = tpu.memref_slice %arg28[%dma_start3A] : memref<512xi32, #tpu.memory_space<vmem>> -> memref<128xi32, #tpu.memory_space<vmem>>
    %dma_start3A_4 = arith.constant 0 : i32
    %dma_start3A_5 = tpu.memref_slice %arg27[%dma_start3A_4] : memref<512xi32, #tpu.memory_space<vmem>> -> memref<128xi32, #tpu.memory_space<vmem>>
    %dma_start3A_6 = arith.constant 0 : i32
    %dma_start3A_7 = tpu.memref_slice %arg3[%dma_start3A_6] : memref<2734130xi32, #tpu.memory_space<hbm>> -> memref<2734130xi32, #tpu.memory_space<hbm>>
    tpu.enqueue_indirect_dma source(%dma_start3A_7 : memref<2734130xi32, #tpu.memory_space<hbm>>) target(%dma_start3A_3 : memref<128xi32, #tpu.memory_space<vmem>>) offsets(%dma_start3A_5 : memref<128xi32, #tpu.memory_space<vmem>>) semaphore(%arg44 : memref<!tpu.dma_semaphore, #tpu.memory_space<semaphore_mem>>)
    %dma_start3A_8 = arith.constant 128 : i32
    %dma_start3A_9 = tpu.memref_slice %arg28[%dma_start3A_8] : memref<512xi32, #tpu.memory_space<vmem>> -> memref<128xi32, #tpu.memory_space<vmem>>
    %dma_start3A_10 = arith.constant 128 : i32
    %dma_start3A_11 = tpu.memref_slice %arg27[%dma_start3A_10] : memref<512xi32, #tpu.memory_space<vmem>> -> memref<128xi32, #tpu.memory_space<vmem>>
    %dma_start3A_12 = arith.constant 0 : i32
    %dma_start3A_13 = tpu.memref_slice %arg3[%dma_start3A_12] : memref<2734130xi32, #tpu.memory_space<hbm>> -> memref<2734130xi32, #tpu.memory_space<hbm>>
    tpu.enqueue_indirect_dma source(%dma_start3A_13 : memref<2734130xi32, #tpu.memory_space<hbm>>) target(%dma_start3A_9 : memref<128xi32, #tpu.memory_space<vmem>>) offsets(%dma_start3A_11 : memref<128xi32, #tpu.memory_space<vmem>>) semaphore(%arg44 : memref<!tpu.dma_semaphore, #tpu.memory_space<semaphore_mem>>)
    %dma_start3A_14 = arith.constant 256 : i32
    %dma_start3A_15 = tpu.memref_slice %arg28[%dma_start3A_14] : memref<512xi32, #tpu.memory_space<vmem>> -> memref<128xi32, #tpu.memory_space<vmem>>
    %dma_start3A_16 = arith.constant 256 : i32
    %dma_start3A_17 = tpu.memref_slice %arg27[%dma_start3A_16] : memref<512xi32, #tpu.memory_space<vmem>> -> memref<128xi32, #tpu.memory_space<vmem>>
    %dma_start3A_18 = arith.constant 0 : i32
    %dma_start3A_19 = tpu.memref_slice %arg3[%dma_start3A_18] : memref<2734130xi32, #tpu.memory_space<hbm>> -> memref<2734130xi32, #tpu.memory_space<hbm>>
    tpu.enqueue_indirect_dma source(%dma_start3A_19 : memref<2734130xi32, #tpu.memory_space<hbm>>) target(%dma_start3A_15 : memref<128xi32, #tpu.memory_space<vmem>>) offsets(%dma_start3A_17 : memref<128xi32, #tpu.memory_space<vmem>>) semaphore(%arg44 : memref<!tpu.dma_semaphore, #tpu.memory_space<semaphore_mem>>)
    %dma_start3A_20 = arith.constant 384 : i32
    %dma_start3A_21 = tpu.memref_slice %arg28[%dma_start3A_20] : memref<512xi32, #tpu.memory_space<vmem>> -> memref<128xi32, #tpu.memory_space<vmem>>
    %dma_start3A_22 = arith.constant 384 : i32
    %dma_start3A_23 = tpu.memref_slice %arg27[%dma_start3A_22] : memref<512xi32, #tpu.memory_space<vmem>> -> memref<128xi32, #tpu.memory_space<vmem>>
    %dma_start3A_24 = arith.constant 0 : i32
    %dma_start3A_25 = tpu.memref_slice %arg3[%dma_start3A_24] : memref<2734130xi32, #tpu.memory_space<hbm>> -> memref<2734130xi32, #tpu.memory_space<hbm>>
    tpu.enqueue_indirect_dma source(%dma_start3A_25 : memref<2734130xi32, #tpu.memory_space<hbm>>) target(%dma_start3A_21 : memref<128xi32, #tpu.memory_space<vmem>>) offsets(%dma_start3A_23 : memref<128xi32, #tpu.memory_space<vmem>>) semaphore(%arg44 : memref<!tpu.dma_semaphore, #tpu.memory_space<semaphore_mem>>)
    %dma_start3A_26 = arith.constant 0 : i32
    %dma_start3A_27 = tpu.memref_slice %arg29[%dma_start3A_26] : memref<512xi32, #tpu.memory_space<vmem>> -> memref<128xi32, #tpu.memory_space<vmem>>
    %dma_start3A_28 = arith.constant 0 : i32
    %dma_start3A_29 = tpu.memref_slice %arg27[%dma_start3A_28] : memref<512xi32, #tpu.memory_space<vmem>> -> memref<128xi32, #tpu.memory_space<vmem>>
    %dma_start3A_30 = arith.constant 0 : i32
    %dma_start3A_31 = tpu.memref_slice %arg4[%dma_start3A_30] : memref<2734130xi32, #tpu.memory_space<hbm>> -> memref<2734130xi32, #tpu.memory_space<hbm>>
    tpu.enqueue_indirect_dma source(%dma_start3A_31 : memref<2734130xi32, #tpu.memory_space<hbm>>) target(%dma_start3A_27 : memref<128xi32, #tpu.memory_space<vmem>>) offsets(%dma_start3A_29 : memref<128xi32, #tpu.memory_space<vmem>>) semaphore(%arg44 : memref<!tpu.dma_semaphore, #tpu.memory_space<semaphore_mem>>)
    %dma_start3A_32 = arith.constant 128 : i32
    %dma_start3A_33 = tpu.memref_slice %arg29[%dma_start3A_32] : memref<512xi32, #tpu.memory_space<vmem>> -> memref<128xi32, #tpu.memory_space<vmem>>
    %dma_start3A_34 = arith.constant 128 : i32
    %dma_start3A_35 = tpu.memref_slice %arg27[%dma_start3A_34] : memref<512xi32, #tpu.memory_space<vmem>> -> memref<128xi32, #tpu.memory_space<vmem>>
    %dma_start3A_36 = arith.constant 0 : i32
    %dma_start3A_37 = tpu.memref_slice %arg4[%dma_start3A_36] : memref<2734130xi32, #tpu.memory_space<hbm>> -> memref<2734130xi32, #tpu.memory_space<hbm>>
    tpu.enqueue_indirect_dma source(%dma_start3A_37 : memref<2734130xi32, #tpu.memory_space<hbm>>) target(%dma_start3A_33 : memref<128xi32, #tpu.memory_space<vmem>>) offsets(%dma_start3A_35 : memref<128xi32, #tpu.memory_space<vmem>>) semaphore(%arg44 : memref<!tpu.dma_semaphore, #tpu.memory_space<semaphore_mem>>)
    %dma_start3A_38 = arith.constant 256 : i32
    %dma_start3A_39 = tpu.memref_slice %arg29[%dma_start3A_38] : memref<512xi32, #tpu.memory_space<vmem>> -> memref<128xi32, #tpu.memory_space<vmem>>
    %dma_start3A_40 = arith.constant 256 : i32
    %dma_start3A_41 = tpu.memref_slice %arg27[%dma_start3A_40] : memref<512xi32, #tpu.memory_space<vmem>> -> memref<128xi32, #tpu.memory_space<vmem>>
    %dma_start3A_42 = arith.constant 0 : i32
    %dma_start3A_43 = tpu.memref_slice %arg4[%dma_start3A_42] : memref<2734130xi32, #tpu.memory_space<hbm>> -> memref<2734130xi32, #tpu.memory_space<hbm>>
    tpu.enqueue_indirect_dma source(%dma_start3A_43 : memref<2734130xi32, #tpu.memory_space<hbm>>) target(%dma_start3A_39 : memref<128xi32, #tpu.memory_space<vmem>>) offsets(%dma_start3A_41 : memref<128xi32, #tpu.memory_space<vmem>>) semaphore(%arg44 : memref<!tpu.dma_semaphore, #tpu.memory_space<semaphore_mem>>)
    %dma_start3A_44 = arith.constant 384 : i32
    %dma_start3A_45 = tpu.memref_slice %arg29[%dma_start3A_44] : memref<512xi32, #tpu.memory_space<vmem>> -> memref<128xi32, #tpu.memory_space<vmem>>
    %dma_start3A_46 = arith.constant 384 : i32
    %dma_start3A_47 = tpu.memref_slice %arg27[%dma_start3A_46] : memref<512xi32, #tpu.memory_space<vmem>> -> memref<128xi32, #tpu.memory_space<vmem>>
    %dma_start3A_48 = arith.constant 0 : i32
    %dma_start3A_49 = tpu.memref_slice %arg4[%dma_start3A_48] : memref<2734130xi32, #tpu.memory_space<hbm>> -> memref<2734130xi32, #tpu.memory_space<hbm>>
    tpu.enqueue_indirect_dma source(%dma_start3A_49 : memref<2734130xi32, #tpu.memory_space<hbm>>) target(%dma_start3A_45 : memref<128xi32, #tpu.memory_space<vmem>>) offsets(%dma_start3A_47 : memref<128xi32, #tpu.memory_space<vmem>>) semaphore(%arg44 : memref<!tpu.dma_semaphore, #tpu.memory_space<semaphore_mem>>)
    %dma_start3A_50 = arith.constant 0 : i32
    %dma_start3A_51 = tpu.memref_slice %arg30[%dma_start3A_50] : memref<512xi32, #tpu.memory_space<vmem>> -> memref<128xi32, #tpu.memory_space<vmem>>
    %dma_start3A_52 = arith.constant 0 : i32
    %dma_start3A_53 = tpu.memref_slice %arg27[%dma_start3A_52] : memref<512xi32, #tpu.memory_space<vmem>> -> memref<128xi32, #tpu.memory_space<vmem>>
    %dma_start3A_54 = arith.constant 0 : i32
    %dma_start3A_55 = tpu.memref_slice %arg5[%dma_start3A_54] : memref<2734130xi32, #tpu.memory_space<hbm>> -> memref<2734130xi32, #tpu.memory_space<hbm>>
    tpu.enqueue_indirect_dma source(%dma_start3A_55 : memref<2734130xi32, #tpu.memory_space<hbm>>) target(%dma_start3A_51 : memref<128xi32, #tpu.memory_space<vmem>>) offsets(%dma_start3A_53 : memref<128xi32, #tpu.memory_space<vmem>>) semaphore(%arg44 : memref<!tpu.dma_semaphore, #tpu.memory_space<semaphore_mem>>)
    %dma_start3A_56 = arith.constant 128 : i32
    %dma_start3A_57 = tpu.memref_slice %arg30[%dma_start3A_56] : memref<512xi32, #tpu.memory_space<vmem>> -> memref<128xi32, #tpu.memory_space<vmem>>
    %dma_start3A_58 = arith.constant 128 : i32
    %dma_start3A_59 = tpu.memref_slice %arg27[%dma_start3A_58] : memref<512xi32, #tpu.memory_space<vmem>> -> memref<128xi32, #tpu.memory_space<vmem>>
    %dma_start3A_60 = arith.constant 0 : i32
    %dma_start3A_61 = tpu.memref_slice %arg5[%dma_start3A_60] : memref<2734130xi32, #tpu.memory_space<hbm>> -> memref<2734130xi32, #tpu.memory_space<hbm>>
    tpu.enqueue_indirect_dma source(%dma_start3A_61 : memref<2734130xi32, #tpu.memory_space<hbm>>) target(%dma_start3A_57 : memref<128xi32, #tpu.memory_space<vmem>>) offsets(%dma_start3A_59 : memref<128xi32, #tpu.memory_space<vmem>>) semaphore(%arg44 : memref<!tpu.dma_semaphore, #tpu.memory_space<semaphore_mem>>)
    %dma_start3A_62 = arith.constant 256 : i32
    %dma_start3A_63 = tpu.memref_slice %arg30[%dma_start3A_62] : memref<512xi32, #tpu.memory_space<vmem>> -> memref<128xi32, #tpu.memory_space<vmem>>
    %dma_start3A_64 = arith.constant 256 : i32
    %dma_start3A_65 = tpu.memref_slice %arg27[%dma_start3A_64] : memref<512xi32, #tpu.memory_space<vmem>> -> memref<128xi32, #tpu.memory_space<vmem>>
    %dma_start3A_66 = arith.constant 0 : i32
    %dma_start3A_67 = tpu.memref_slice %arg5[%dma_start3A_66] : memref<2734130xi32, #tpu.memory_space<hbm>> -> memref<2734130xi32, #tpu.memory_space<hbm>>
    tpu.enqueue_indirect_dma source(%dma_start3A_67 : memref<2734130xi32, #tpu.memory_space<hbm>>) target(%dma_start3A_63 : memref<128xi32, #tpu.memory_space<vmem>>) offsets(%dma_start3A_65 : memref<128xi32, #tpu.memory_space<vmem>>) semaphore(%arg44 : memref<!tpu.dma_semaphore, #tpu.memory_space<semaphore_mem>>)
    %dma_start3A_68 = arith.constant 384 : i32
    %dma_start3A_69 = tpu.memref_slice %arg30[%dma_start3A_68] : memref<512xi32, #tpu.memory_space<vmem>> -> memref<128xi32, #tpu.memory_space<vmem>>
    %dma_start3A_70 = arith.constant 384 : i32
    %dma_start3A_71 = tpu.memref_slice %arg27[%dma_start3A_70] : memref<512xi32, #tpu.memory_space<vmem>> -> memref<128xi32, #tpu.memory_space<vmem>>
    %dma_start3A_72 = arith.constant 0 : i32
    %dma_start3A_73 = tpu.memref_slice %arg5[%dma_start3A_72] : memref<2734130xi32, #tpu.memory_space<hbm>> -> memref<2734130xi32, #tpu.memory_space<hbm>>
    tpu.enqueue_indirect_dma source(%dma_start3A_73 : memref<2734130xi32, #tpu.memory_space<hbm>>) target(%dma_start3A_69 : memref<128xi32, #tpu.memory_space<vmem>>) offsets(%dma_start3A_71 : memref<128xi32, #tpu.memory_space<vmem>>) semaphore(%arg44 : memref<!tpu.dma_semaphore, #tpu.memory_space<semaphore_mem>>)
    %dma_start3A_74 = arith.constant 0 : i32
    %dma_start3A_75 = tpu.memref_slice %arg31[%dma_start3A_74] : memref<512xi32, #tpu.memory_space<vmem>> -> memref<128xi32, #tpu.memory_space<vmem>>
    %dma_start3A_76 = arith.constant 0 : i32
    %dma_start3A_77 = tpu.memref_slice %arg27[%dma_start3A_76] : memref<512xi32, #tpu.memory_space<vmem>> -> memref<128xi32, #tpu.memory_space<vmem>>
    %dma_start3A_78 = arith.constant 0 : i32
    %dma_start3A_79 = tpu.memref_slice %arg6[%dma_start3A_78] : memref<2734130xi32, #tpu.memory_space<hbm>> -> memref<2734130xi32, #tpu.memory_space<hbm>>
    tpu.enqueue_indirect_dma source(%dma_start3A_79 : memref<2734130xi32, #tpu.memory_space<hbm>>) target(%dma_start3A_75 : memref<128xi32, #tpu.memory_space<vmem>>) offsets(%dma_start3A_77 : memref<128xi32, #tpu.memory_space<vmem>>) semaphore(%arg44 : memref<!tpu.dma_semaphore, #tpu.memory_space<semaphore_mem>>)
    %dma_start3A_80 = arith.constant 128 : i32
    %dma_start3A_81 = tpu.memref_slice %arg31[%dma_start3A_80] : memref<512xi32, #tpu.memory_space<vmem>> -> memref<128xi32, #tpu.memory_space<vmem>>
    %dma_start3A_82 = arith.constant 128 : i32
    %dma_start3A_83 = tpu.memref_slice %arg27[%dma_start3A_82] : memref<512xi32, #tpu.memory_space<vmem>> -> memref<128xi32, #tpu.memory_space<vmem>>
    %dma_start3A_84 = arith.constant 0 : i32
    %dma_start3A_85 = tpu.memref_slice %arg6[%dma_start3A_84] : memref<2734130xi32, #tpu.memory_space<hbm>> -> memref<2734130xi32, #tpu.memory_space<hbm>>
    tpu.enqueue_indirect_dma source(%dma_start3A_85 : memref<2734130xi32, #tpu.memory_space<hbm>>) target(%dma_start3A_81 : memref<128xi32, #tpu.memory_space<vmem>>) offsets(%dma_start3A_83 : memref<128xi32, #tpu.memory_space<vmem>>) semaphore(%arg44 : memref<!tpu.dma_semaphore, #tpu.memory_space<semaphore_mem>>)
    %dma_start3A_86 = arith.constant 256 : i32
    %dma_start3A_87 = tpu.memref_slice %arg31[%dma_start3A_86] : memref<512xi32, #tpu.memory_space<vmem>> -> memref<128xi32, #tpu.memory_space<vmem>>
    %dma_start3A_88 = arith.constant 256 : i32
    %dma_start3A_89 = tpu.memref_slice %arg27[%dma_start3A_88] : memref<512xi32, #tpu.memory_space<vmem>> -> memref<128xi32, #tpu.memory_space<vmem>>
    %dma_start3A_90 = arith.constant 0 : i32
    %dma_start3A_91 = tpu.memref_slice %arg6[%dma_start3A_90] : memref<2734130xi32, #tpu.memory_space<hbm>> -> memref<2734130xi32, #tpu.memory_space<hbm>>
    tpu.enqueue_indirect_dma source(%dma_start3A_91 : memref<2734130xi32, #tpu.memory_space<hbm>>) target(%dma_start3A_87 : memref<128xi32, #tpu.memory_space<vmem>>) offsets(%dma_start3A_89 : memref<128xi32, #tpu.memory_space<vmem>>) semaphore(%arg44 : memref<!tpu.dma_semaphore, #tpu.memory_space<semaphore_mem>>)
    %dma_start3A_92 = arith.constant 384 : i32
    %dma_start3A_93 = tpu.memref_slice %arg31[%dma_start3A_92] : memref<512xi32, #tpu.memory_space<vmem>> -> memref<128xi32, #tpu.memory_space<vmem>>
    %dma_start3A_94 = arith.constant 384 : i32
    %dma_start3A_95 = tpu.memref_slice %arg27[%dma_start3A_94] : memref<512xi32, #tpu.memory_space<vmem>> -> memref<128xi32, #tpu.memory_space<vmem>>
    %dma_start3A_96 = arith.constant 0 : i32
    %dma_start3A_97 = tpu.memref_slice %arg6[%dma_start3A_96] : memref<2734130xi32, #tpu.memory_space<hbm>> -> memref<2734130xi32, #tpu.memory_space<hbm>>
    tpu.enqueue_indirect_dma source(%dma_start3A_97 : memref<2734130xi32, #tpu.memory_space<hbm>>) target(%dma_start3A_93 : memref<128xi32, #tpu.memory_space<vmem>>) offsets(%dma_start3A_95 : memref<128xi32, #tpu.memory_space<vmem>>) semaphore(%arg44 : memref<!tpu.dma_semaphore, #tpu.memory_space<semaphore_mem>>)
    %dma_start3A_98 = arith.constant 0 : i32
    %dma_start3A_99 = tpu.memref_slice %arg32[%dma_start3A_98] : memref<512xi32, #tpu.memory_space<vmem>> -> memref<128xi32, #tpu.memory_space<vmem>>
    %dma_start3A_100 = arith.constant 0 : i32
    %dma_start3A_101 = tpu.memref_slice %arg27[%dma_start3A_100] : memref<512xi32, #tpu.memory_space<vmem>> -> memref<128xi32, #tpu.memory_space<vmem>>
    %dma_start3A_102 = arith.constant 0 : i32
    %dma_start3A_103 = tpu.memref_slice %arg7[%dma_start3A_102] : memref<2734130xi32, #tpu.memory_space<hbm>> -> memref<2734130xi32, #tpu.memory_space<hbm>>
    tpu.enqueue_indirect_dma source(%dma_start3A_103 : memref<2734130xi32, #tpu.memory_space<hbm>>) target(%dma_start3A_99 : memref<128xi32, #tpu.memory_space<vmem>>) offsets(%dma_start3A_101 : memref<128xi32, #tpu.memory_space<vmem>>) semaphore(%arg44 : memref<!tpu.dma_semaphore, #tpu.memory_space<semaphore_mem>>)
    %dma_start3A_104 = arith.constant 128 : i32
    %dma_start3A_105 = tpu.memref_slice %arg32[%dma_start3A_104] : memref<512xi32, #tpu.memory_space<vmem>> -> memref<128xi32, #tpu.memory_space<vmem>>
    %dma_start3A_106 = arith.constant 128 : i32
    %dma_start3A_107 = tpu.memref_slice %arg27[%dma_start3A_106] : memref<512xi32, #tpu.memory_space<vmem>> -> memref<128xi32, #tpu.memory_space<vmem>>
    %dma_start3A_108 = arith.constant 0 : i32
    %dma_start3A_109 = tpu.memref_slice %arg7[%dma_start3A_108] : memref<2734130xi32, #tpu.memory_space<hbm>> -> memref<2734130xi32, #tpu.memory_space<hbm>>
    tpu.enqueue_indirect_dma source(%dma_start3A_109 : memref<2734130xi32, #tpu.memory_space<hbm>>) target(%dma_start3A_105 : memref<128xi32, #tpu.memory_space<vmem>>) offsets(%dma_start3A_107 : memref<128xi32, #tpu.memory_space<vmem>>) semaphore(%arg44 : memref<!tpu.dma_semaphore, #tpu.memory_space<semaphore_mem>>)
    %dma_start3A_110 = arith.constant 256 : i32
    %dma_start3A_111 = tpu.memref_slice %arg32[%dma_start3A_110] : memref<512xi32, #tpu.memory_space<vmem>> -> memref<128xi32, #tpu.memory_space<vmem>>
    %dma_start3A_112 = arith.constant 256 : i32
    %dma_start3A_113 = tpu.memref_slice %arg27[%dma_start3A_112] : memref<512xi32, #tpu.memory_space<vmem>> -> memref<128xi32, #tpu.memory_space<vmem>>
    %dma_start3A_114 = arith.constant 0 : i32
    %dma_start3A_115 = tpu.memref_slice %arg7[%dma_start3A_114] : memref<2734130xi32, #tpu.memory_space<hbm>> -> memref<2734130xi32, #tpu.memory_space<hbm>>
    tpu.enqueue_indirect_dma source(%dma_start3A_115 : memref<2734130xi32, #tpu.memory_space<hbm>>) target(%dma_start3A_111 : memref<128xi32, #tpu.memory_space<vmem>>) offsets(%dma_start3A_113 : memref<128xi32, #tpu.memory_space<vmem>>) semaphore(%arg44 : memref<!tpu.dma_semaphore, #tpu.memory_space<semaphore_mem>>)
    %dma_start3A_116 = arith.constant 384 : i32
    %dma_start3A_117 = tpu.memref_slice %arg32[%dma_start3A_116] : memref<512xi32, #tpu.memory_space<vmem>> -> memref<128xi32, #tpu.memory_space<vmem>>
    %dma_start3A_118 = arith.constant 384 : i32
    %dma_start3A_119 = tpu.memref_slice %arg27[%dma_start3A_118] : memref<512xi32, #tpu.memory_space<vmem>> -> memref<128xi32, #tpu.memory_space<vmem>>
    %dma_start3A_120 = arith.constant 0 : i32
    %dma_start3A_121 = tpu.memref_slice %arg7[%dma_start3A_120] : memref<2734130xi32, #tpu.memory_space<hbm>> -> memref<2734130xi32, #tpu.memory_space<hbm>>
    tpu.enqueue_indirect_dma source(%dma_start3A_121 : memref<2734130xi32, #tpu.memory_space<hbm>>) target(%dma_start3A_117 : memref<128xi32, #tpu.memory_space<vmem>>) offsets(%dma_start3A_119 : memref<128xi32, #tpu.memory_space<vmem>>) semaphore(%arg44 : memref<!tpu.dma_semaphore, #tpu.memory_space<semaphore_mem>>)
    %dma_start3A_122 = arith.constant 0 : i32
    %dma_start3A_123 = tpu.memref_slice %arg33[%dma_start3A_122] : memref<512xi32, #tpu.memory_space<vmem>> -> memref<128xi32, #tpu.memory_space<vmem>>
    %dma_start3A_124 = arith.constant 0 : i32
    %dma_start3A_125 = tpu.memref_slice %arg27[%dma_start3A_124] : memref<512xi32, #tpu.memory_space<vmem>> -> memref<128xi32, #tpu.memory_space<vmem>>
    %dma_start3A_126 = arith.constant 0 : i32
    %dma_start3A_127 = tpu.memref_slice %arg8[%dma_start3A_126] : memref<2734130xi32, #tpu.memory_space<hbm>> -> memref<2734130xi32, #tpu.memory_space<hbm>>
    tpu.enqueue_indirect_dma source(%dma_start3A_127 : memref<2734130xi32, #tpu.memory_space<hbm>>) target(%dma_start3A_123 : memref<128xi32, #tpu.memory_space<vmem>>) offsets(%dma_start3A_125 : memref<128xi32, #tpu.memory_space<vmem>>) semaphore(%arg44 : memref<!tpu.dma_semaphore, #tpu.memory_space<semaphore_mem>>)
    %dma_start3A_128 = arith.constant 128 : i32
    %dma_start3A_129 = tpu.memref_slice %arg33[%dma_start3A_128] : memref<512xi32, #tpu.memory_space<vmem>> -> memref<128xi32, #tpu.memory_space<vmem>>
    %dma_start3A_130 = arith.constant 128 : i32
    %dma_start3A_131 = tpu.memref_slice %arg27[%dma_start3A_130] : memref<512xi32, #tpu.memory_space<vmem>> -> memref<128xi32, #tpu.memory_space<vmem>>
    %dma_start3A_132 = arith.constant 0 : i32
    %dma_start3A_133 = tpu.memref_slice %arg8[%dma_start3A_132] : memref<2734130xi32, #tpu.memory_space<hbm>> -> memref<2734130xi32, #tpu.memory_space<hbm>>
    tpu.enqueue_indirect_dma source(%dma_start3A_133 : memref<2734130xi32, #tpu.memory_space<hbm>>) target(%dma_start3A_129 : memref<128xi32, #tpu.memory_space<vmem>>) offsets(%dma_start3A_131 : memref<128xi32, #tpu.memory_space<vmem>>) semaphore(%arg44 : memref<!tpu.dma_semaphore, #tpu.memory_space<semaphore_mem>>)
    %dma_start3A_134 = arith.constant 256 : i32
    %dma_start3A_135 = tpu.memref_slice %arg33[%dma_start3A_134] : memref<512xi32, #tpu.memory_space<vmem>> -> memref<128xi32, #tpu.memory_space<vmem>>
    %dma_start3A_136 = arith.constant 256 : i32
    %dma_start3A_137 = tpu.memref_slice %arg27[%dma_start3A_136] : memref<512xi32, #tpu.memory_space<vmem>> -> memref<128xi32, #tpu.memory_space<vmem>>
    %dma_start3A_138 = arith.constant 0 : i32
    %dma_start3A_139 = tpu.memref_slice %arg8[%dma_start3A_138] : memref<2734130xi32, #tpu.memory_space<hbm>> -> memref<2734130xi32, #tpu.memory_space<hbm>>
    tpu.enqueue_indirect_dma source(%dma_start3A_139 : memref<2734130xi32, #tpu.memory_space<hbm>>) target(%dma_start3A_135 : memref<128xi32, #tpu.memory_space<vmem>>) offsets(%dma_start3A_137 : memref<128xi32, #tpu.memory_space<vmem>>) semaphore(%arg44 : memref<!tpu.dma_semaphore, #tpu.memory_space<semaphore_mem>>)
    %dma_start3A_140 = arith.constant 384 : i32
    %dma_start3A_141 = tpu.memref_slice %arg33[%dma_start3A_140] : memref<512xi32, #tpu.memory_space<vmem>> -> memref<128xi32, #tpu.memory_space<vmem>>
    %dma_start3A_142 = arith.constant 384 : i32
    %dma_start3A_143 = tpu.memref_slice %arg27[%dma_start3A_142] : memref<512xi32, #tpu.memory_space<vmem>> -> memref<128xi32, #tpu.memory_space<vmem>>
    %dma_start3A_144 = arith.constant 0 : i32
    %dma_start3A_145 = tpu.memref_slice %arg8[%dma_start3A_144] : memref<2734130xi32, #tpu.memory_space<hbm>> -> memref<2734130xi32, #tpu.memory_space<hbm>>
    tpu.enqueue_indirect_dma source(%dma_start3A_145 : memref<2734130xi32, #tpu.memory_space<hbm>>) target(%dma_start3A_141 : memref<128xi32, #tpu.memory_space<vmem>>) offsets(%dma_start3A_143 : memref<128xi32, #tpu.memory_space<vmem>>) semaphore(%arg44 : memref<!tpu.dma_semaphore, #tpu.memory_space<semaphore_mem>>)
    %dma_start3A_146 = arith.constant 0 : i32
    %dma_start3A_147 = tpu.memref_slice %arg34[%dma_start3A_146] : memref<512xi32, #tpu.memory_space<vmem>> -> memref<128xi32, #tpu.memory_space<vmem>>
    %dma_start3A_148 = arith.constant 0 : i32
    %dma_start3A_149 = tpu.memref_slice %arg27[%dma_start3A_148] : memref<512xi32, #tpu.memory_space<vmem>> -> memref<128xi32, #tpu.memory_space<vmem>>
    %dma_start3A_150 = arith.constant 0 : i32
    %dma_start3A_151 = tpu.memref_slice %arg9[%dma_start3A_150] : memref<2734130xi32, #tpu.memory_space<hbm>> -> memref<2734130xi32, #tpu.memory_space<hbm>>
    tpu.enqueue_indirect_dma source(%dma_start3A_151 : memref<2734130xi32, #tpu.memory_space<hbm>>) target(%dma_start3A_147 : memref<128xi32, #tpu.memory_space<vmem>>) offsets(%dma_start3A_149 : memref<128xi32, #tpu.memory_space<vmem>>) semaphore(%arg44 : memref<!tpu.dma_semaphore, #tpu.memory_space<semaphore_mem>>)
    %dma_start3A_152 = arith.constant 128 : i32
    %dma_start3A_153 = tpu.memref_slice %arg34[%dma_start3A_152] : memref<512xi32, #tpu.memory_space<vmem>> -> memref<128xi32, #tpu.memory_space<vmem>>
    %dma_start3A_154 = arith.constant 128 : i32
    %dma_start3A_155 = tpu.memref_slice %arg27[%dma_start3A_154] : memref<512xi32, #tpu.memory_space<vmem>> -> memref<128xi32, #tpu.memory_space<vmem>>
    %dma_start3A_156 = arith.constant 0 : i32
    %dma_start3A_157 = tpu.memref_slice %arg9[%dma_start3A_156] : memref<2734130xi32, #tpu.memory_space<hbm>> -> memref<2734130xi32, #tpu.memory_space<hbm>>
    tpu.enqueue_indirect_dma source(%dma_start3A_157 : memref<2734130xi32, #tpu.memory_space<hbm>>) target(%dma_start3A_153 : memref<128xi32, #tpu.memory_space<vmem>>) offsets(%dma_start3A_155 : memref<128xi32, #tpu.memory_space<vmem>>) semaphore(%arg44 : memref<!tpu.dma_semaphore, #tpu.memory_space<semaphore_mem>>)
    %dma_start3A_158 = arith.constant 256 : i32
    %dma_start3A_159 = tpu.memref_slice %arg34[%dma_start3A_158] : memref<512xi32, #tpu.memory_space<vmem>> -> memref<128xi32, #tpu.memory_space<vmem>>
    %dma_start3A_160 = arith.constant 256 : i32
    %dma_start3A_161 = tpu.memref_slice %arg27[%dma_start3A_160] : memref<512xi32, #tpu.memory_space<vmem>> -> memref<128xi32, #tpu.memory_space<vmem>>
    %dma_start3A_162 = arith.constant 0 : i32
    %dma_start3A_163 = tpu.memref_slice %arg9[%dma_start3A_162] : memref<2734130xi32, #tpu.memory_space<hbm>> -> memref<2734130xi32, #tpu.memory_space<hbm>>
    tpu.enqueue_indirect_dma source(%dma_start3A_163 : memref<2734130xi32, #tpu.memory_space<hbm>>) target(%dma_start3A_159 : memref<128xi32, #tpu.memory_space<vmem>>) offsets(%dma_start3A_161 : memref<128xi32, #tpu.memory_space<vmem>>) semaphore(%arg44 : memref<!tpu.dma_semaphore, #tpu.memory_space<semaphore_mem>>)
    %dma_start3A_164 = arith.constant 384 : i32
    %dma_start3A_165 = tpu.memref_slice %arg34[%dma_start3A_164] : memref<512xi32, #tpu.memory_space<vmem>> -> memref<128xi32, #tpu.memory_space<vmem>>
    %dma_start3A_166 = arith.constant 384 : i32
    %dma_start3A_167 = tpu.memref_slice %arg27[%dma_start3A_166] : memref<512xi32, #tpu.memory_space<vmem>> -> memref<128xi32, #tpu.memory_space<vmem>>
    %dma_start3A_168 = arith.constant 0 : i32
    %dma_start3A_169 = tpu.memref_slice %arg9[%dma_start3A_168] : memref<2734130xi32, #tpu.memory_space<hbm>> -> memref<2734130xi32, #tpu.memory_space<hbm>>
    tpu.enqueue_indirect_dma source(%dma_start3A_169 : memref<2734130xi32, #tpu.memory_space<hbm>>) target(%dma_start3A_165 : memref<128xi32, #tpu.memory_space<vmem>>) offsets(%dma_start3A_167 : memref<128xi32, #tpu.memory_space<vmem>>) semaphore(%arg44 : memref<!tpu.dma_semaphore, #tpu.memory_space<semaphore_mem>>)
    %dma_start3A_170 = arith.constant 0 : i32
    %dma_start3A_171 = tpu.memref_slice %arg35[%dma_start3A_170] : memref<512xi32, #tpu.memory_space<vmem>> -> memref<128xi32, #tpu.memory_space<vmem>>
    %dma_start3A_172 = arith.constant 0 : i32
    %dma_start3A_173 = tpu.memref_slice %arg27[%dma_start3A_172] : memref<512xi32, #tpu.memory_space<vmem>> -> memref<128xi32, #tpu.memory_space<vmem>>
    %dma_start3A_174 = arith.constant 0 : i32
    %dma_start3A_175 = tpu.memref_slice %arg10[%dma_start3A_174] : memref<2734130xi32, #tpu.memory_space<hbm>> -> memref<2734130xi32, #tpu.memory_space<hbm>>
    tpu.enqueue_indirect_dma source(%dma_start3A_175 : memref<2734130xi32, #tpu.memory_space<hbm>>) target(%dma_start3A_171 : memref<128xi32, #tpu.memory_space<vmem>>) offsets(%dma_start3A_173 : memref<128xi32, #tpu.memory_space<vmem>>) semaphore(%arg44 : memref<!tpu.dma_semaphore, #tpu.memory_space<semaphore_mem>>)
    %dma_start3A_176 = arith.constant 128 : i32
    %dma_start3A_177 = tpu.memref_slice %arg35[%dma_start3A_176] : memref<512xi32, #tpu.memory_space<vmem>> -> memref<128xi32, #tpu.memory_space<vmem>>
    %dma_start3A_178 = arith.constant 128 : i32
    %dma_start3A_179 = tpu.memref_slice %arg27[%dma_start3A_178] : memref<512xi32, #tpu.memory_space<vmem>> -> memref<128xi32, #tpu.memory_space<vmem>>
    %dma_start3A_180 = arith.constant 0 : i32
    %dma_start3A_181 = tpu.memref_slice %arg10[%dma_start3A_180] : memref<2734130xi32, #tpu.memory_space<hbm>> -> memref<2734130xi32, #tpu.memory_space<hbm>>
    tpu.enqueue_indirect_dma source(%dma_start3A_181 : memref<2734130xi32, #tpu.memory_space<hbm>>) target(%dma_start3A_177 : memref<128xi32, #tpu.memory_space<vmem>>) offsets(%dma_start3A_179 : memref<128xi32, #tpu.memory_space<vmem>>) semaphore(%arg44 : memref<!tpu.dma_semaphore, #tpu.memory_space<semaphore_mem>>)
    %dma_start3A_182 = arith.constant 256 : i32
    %dma_start3A_183 = tpu.memref_slice %arg35[%dma_start3A_182] : memref<512xi32, #tpu.memory_space<vmem>> -> memref<128xi32, #tpu.memory_space<vmem>>
    %dma_start3A_184 = arith.constant 256 : i32
    %dma_start3A_185 = tpu.memref_slice %arg27[%dma_start3A_184] : memref<512xi32, #tpu.memory_space<vmem>> -> memref<128xi32, #tpu.memory_space<vmem>>
    %dma_start3A_186 = arith.constant 0 : i32
    %dma_start3A_187 = tpu.memref_slice %arg10[%dma_start3A_186] : memref<2734130xi32, #tpu.memory_space<hbm>> -> memref<2734130xi32, #tpu.memory_space<hbm>>
    tpu.enqueue_indirect_dma source(%dma_start3A_187 : memref<2734130xi32, #tpu.memory_space<hbm>>) target(%dma_start3A_183 : memref<128xi32, #tpu.memory_space<vmem>>) offsets(%dma_start3A_185 : memref<128xi32, #tpu.memory_space<vmem>>) semaphore(%arg44 : memref<!tpu.dma_semaphore, #tpu.memory_space<semaphore_mem>>)
    %dma_start3A_188 = arith.constant 384 : i32
    %dma_start3A_189 = tpu.memref_slice %arg35[%dma_start3A_188] : memref<512xi32, #tpu.memory_space<vmem>> -> memref<128xi32, #tpu.memory_space<vmem>>
    %dma_start3A_190 = arith.constant 384 : i32
    %dma_start3A_191 = tpu.memref_slice %arg27[%dma_start3A_190] : memref<512xi32, #tpu.memory_space<vmem>> -> memref<128xi32, #tpu.memory_space<vmem>>
    %dma_start3A_192 = arith.constant 0 : i32
    %dma_start3A_193 = tpu.memref_slice %arg10[%dma_start3A_192] : memref<2734130xi32, #tpu.memory_space<hbm>> -> memref<2734130xi32, #tpu.memory_space<hbm>>
    tpu.enqueue_indirect_dma source(%dma_start3A_193 : memref<2734130xi32, #tpu.memory_space<hbm>>) target(%dma_start3A_189 : memref<128xi32, #tpu.memory_space<vmem>>) offsets(%dma_start3A_191 : memref<128xi32, #tpu.memory_space<vmem>>) semaphore(%arg44 : memref<!tpu.dma_semaphore, #tpu.memory_space<semaphore_mem>>)
    %dma_wait3A = arith.constant 0 : i32
    %dma_wait3A_194 = tpu.memref_slice %arg28[%dma_wait3A] : memref<512xi32, #tpu.memory_space<vmem>> -> memref<128xi32, #tpu.memory_space<vmem>>
    %dma_wait3A_195 = arith.constant 0 : i32
    %dma_wait3A_196 = tpu.memref_slice %arg27[%dma_wait3A_195] : memref<512xi32, #tpu.memory_space<vmem>> -> memref<128xi32, #tpu.memory_space<vmem>>
    %dma_wait3A_197 = arith.constant 0 : i32
    %dma_wait3A_198 = tpu.memref_slice %arg3[%dma_wait3A_197] : memref<2734130xi32, #tpu.memory_space<hbm>> -> memref<2734130xi32, #tpu.memory_space<hbm>>
    tpu.wait_indirect_dma semaphore(%arg44 : memref<!tpu.dma_semaphore, #tpu.memory_space<semaphore_mem>>) src(%dma_wait3A_198 : memref<2734130xi32, #tpu.memory_space<hbm>>) dst(%dma_wait3A_194 : memref<128xi32, #tpu.memory_space<vmem>>)
    %dma_wait3A_199 = arith.constant 128 : i32
    %dma_wait3A_200 = tpu.memref_slice %arg28[%dma_wait3A_199] : memref<512xi32, #tpu.memory_space<vmem>> -> memref<128xi32, #tpu.memory_space<vmem>>
    %dma_wait3A_201 = arith.constant 128 : i32
    %dma_wait3A_202 = tpu.memref_slice %arg27[%dma_wait3A_201] : memref<512xi32, #tpu.memory_space<vmem>> -> memref<128xi32, #tpu.memory_space<vmem>>
    %dma_wait3A_203 = arith.constant 0 : i32
    %dma_wait3A_204 = tpu.memref_slice %arg3[%dma_wait3A_203] : memref<2734130xi32, #tpu.memory_space<hbm>> -> memref<2734130xi32, #tpu.memory_space<hbm>>
    tpu.wait_indirect_dma semaphore(%arg44 : memref<!tpu.dma_semaphore, #tpu.memory_space<semaphore_mem>>) src(%dma_wait3A_204 : memref<2734130xi32, #tpu.memory_space<hbm>>) dst(%dma_wait3A_200 : memref<128xi32, #tpu.memory_space<vmem>>)
    %dma_wait3A_205 = arith.constant 256 : i32
    %dma_wait3A_206 = tpu.memref_slice %arg28[%dma_wait3A_205] : memref<512xi32, #tpu.memory_space<vmem>> -> memref<128xi32, #tpu.memory_space<vmem>>
    %dma_wait3A_207 = arith.constant 256 : i32
    %dma_wait3A_208 = tpu.memref_slice %arg27[%dma_wait3A_207] : memref<512xi32, #tpu.memory_space<vmem>> -> memref<128xi32, #tpu.memory_space<vmem>>
    %dma_wait3A_209 = arith.constant 0 : i32
    %dma_wait3A_210 = tpu.memref_slice %arg3[%dma_wait3A_209] : memref<2734130xi32, #tpu.memory_space<hbm>> -> memref<2734130xi32, #tpu.memory_space<hbm>>
    tpu.wait_indirect_dma semaphore(%arg44 : memref<!tpu.dma_semaphore, #tpu.memory_space<semaphore_mem>>) src(%dma_wait3A_210 : memref<2734130xi32, #tpu.memory_space<hbm>>) dst(%dma_wait3A_206 : memref<128xi32, #tpu.memory_space<vmem>>)
    %dma_wait3A_211 = arith.constant 384 : i32
    %dma_wait3A_212 = tpu.memref_slice %arg28[%dma_wait3A_211] : memref<512xi32, #tpu.memory_space<vmem>> -> memref<128xi32, #tpu.memory_space<vmem>>
    %dma_wait3A_213 = arith.constant 384 : i32
    %dma_wait3A_214 = tpu.memref_slice %arg27[%dma_wait3A_213] : memref<512xi32, #tpu.memory_space<vmem>> -> memref<128xi32, #tpu.memory_space<vmem>>
    %dma_wait3A_215 = arith.constant 0 : i32
    %dma_wait3A_216 = tpu.memref_slice %arg3[%dma_wait3A_215] : memref<2734130xi32, #tpu.memory_space<hbm>> -> memref<2734130xi32, #tpu.memory_space<hbm>>
    tpu.wait_indirect_dma semaphore(%arg44 : memref<!tpu.dma_semaphore, #tpu.memory_space<semaphore_mem>>) src(%dma_wait3A_216 : memref<2734130xi32, #tpu.memory_space<hbm>>) dst(%dma_wait3A_212 : memref<128xi32, #tpu.memory_space<vmem>>)
    %dma_wait3A_217 = arith.constant 0 : i32
    %dma_wait3A_218 = tpu.memref_slice %arg29[%dma_wait3A_217] : memref<512xi32, #tpu.memory_space<vmem>> -> memref<128xi32, #tpu.memory_space<vmem>>
    %dma_wait3A_219 = arith.constant 0 : i32
    %dma_wait3A_220 = tpu.memref_slice %arg27[%dma_wait3A_219] : memref<512xi32, #tpu.memory_space<vmem>> -> memref<128xi32, #tpu.memory_space<vmem>>
    %dma_wait3A_221 = arith.constant 0 : i32
    %dma_wait3A_222 = tpu.memref_slice %arg4[%dma_wait3A_221] : memref<2734130xi32, #tpu.memory_space<hbm>> -> memref<2734130xi32, #tpu.memory_space<hbm>>
    tpu.wait_indirect_dma semaphore(%arg44 : memref<!tpu.dma_semaphore, #tpu.memory_space<semaphore_mem>>) src(%dma_wait3A_222 : memref<2734130xi32, #tpu.memory_space<hbm>>) dst(%dma_wait3A_218 : memref<128xi32, #tpu.memory_space<vmem>>)
    %dma_wait3A_223 = arith.constant 128 : i32
    %dma_wait3A_224 = tpu.memref_slice %arg29[%dma_wait3A_223] : memref<512xi32, #tpu.memory_space<vmem>> -> memref<128xi32, #tpu.memory_space<vmem>>
    %dma_wait3A_225 = arith.constant 128 : i32
    %dma_wait3A_226 = tpu.memref_slice %arg27[%dma_wait3A_225] : memref<512xi32, #tpu.memory_space<vmem>> -> memref<128xi32, #tpu.memory_space<vmem>>
    %dma_wait3A_227 = arith.constant 0 : i32
    %dma_wait3A_228 = tpu.memref_slice %arg4[%dma_wait3A_227] : memref<2734130xi32, #tpu.memory_space<hbm>> -> memref<2734130xi32, #tpu.memory_space<hbm>>
    tpu.wait_indirect_dma semaphore(%arg44 : memref<!tpu.dma_semaphore, #tpu.memory_space<semaphore_mem>>) src(%dma_wait3A_228 : memref<2734130xi32, #tpu.memory_space<hbm>>) dst(%dma_wait3A_224 : memref<128xi32, #tpu.memory_space<vmem>>)
    %dma_wait3A_229 = arith.constant 256 : i32
    %dma_wait3A_230 = tpu.memref_slice %arg29[%dma_wait3A_229] : memref<512xi32, #tpu.memory_space<vmem>> -> memref<128xi32, #tpu.memory_space<vmem>>
    %dma_wait3A_231 = arith.constant 256 : i32
    %dma_wait3A_232 = tpu.memref_slice %arg27[%dma_wait3A_231] : memref<512xi32, #tpu.memory_space<vmem>> -> memref<128xi32, #tpu.memory_space<vmem>>
    %dma_wait3A_233 = arith.constant 0 : i32
    %dma_wait3A_234 = tpu.memref_slice %arg4[%dma_wait3A_233] : memref<2734130xi32, #tpu.memory_space<hbm>> -> memref<2734130xi32, #tpu.memory_space<hbm>>
    tpu.wait_indirect_dma semaphore(%arg44 : memref<!tpu.dma_semaphore, #tpu.memory_space<semaphore_mem>>) src(%dma_wait3A_234 : memref<2734130xi32, #tpu.memory_space<hbm>>) dst(%dma_wait3A_230 : memref<128xi32, #tpu.memory_space<vmem>>)
    %dma_wait3A_235 = arith.constant 384 : i32
    %dma_wait3A_236 = tpu.memref_slice %arg29[%dma_wait3A_235] : memref<512xi32, #tpu.memory_space<vmem>> -> memref<128xi32, #tpu.memory_space<vmem>>
    %dma_wait3A_237 = arith.constant 384 : i32
    %dma_wait3A_238 = tpu.memref_slice %arg27[%dma_wait3A_237] : memref<512xi32, #tpu.memory_space<vmem>> -> memref<128xi32, #tpu.memory_space<vmem>>
    %dma_wait3A_239 = arith.constant 0 : i32
    %dma_wait3A_240 = tpu.memref_slice %arg4[%dma_wait3A_239] : memref<2734130xi32, #tpu.memory_space<hbm>> -> memref<2734130xi32, #tpu.memory_space<hbm>>
    tpu.wait_indirect_dma semaphore(%arg44 : memref<!tpu.dma_semaphore, #tpu.memory_space<semaphore_mem>>) src(%dma_wait3A_240 : memref<2734130xi32, #tpu.memory_space<hbm>>) dst(%dma_wait3A_236 : memref<128xi32, #tpu.memory_space<vmem>>)
    %dma_wait3A_241 = arith.constant 0 : i32
    %dma_wait3A_242 = tpu.memref_slice %arg30[%dma_wait3A_241] : memref<512xi32, #tpu.memory_space<vmem>> -> memref<128xi32, #tpu.memory_space<vmem>>
    %dma_wait3A_243 = arith.constant 0 : i32
    %dma_wait3A_244 = tpu.memref_slice %arg27[%dma_wait3A_243] : memref<512xi32, #tpu.memory_space<vmem>> -> memref<128xi32, #tpu.memory_space<vmem>>
    %dma_wait3A_245 = arith.constant 0 : i32
    %dma_wait3A_246 = tpu.memref_slice %arg5[%dma_wait3A_245] : memref<2734130xi32, #tpu.memory_space<hbm>> -> memref<2734130xi32, #tpu.memory_space<hbm>>
    tpu.wait_indirect_dma semaphore(%arg44 : memref<!tpu.dma_semaphore, #tpu.memory_space<semaphore_mem>>) src(%dma_wait3A_246 : memref<2734130xi32, #tpu.memory_space<hbm>>) dst(%dma_wait3A_242 : memref<128xi32, #tpu.memory_space<vmem>>)
    %dma_wait3A_247 = arith.constant 128 : i32
    %dma_wait3A_248 = tpu.memref_slice %arg30[%dma_wait3A_247] : memref<512xi32, #tpu.memory_space<vmem>> -> memref<128xi32, #tpu.memory_space<vmem>>
    %dma_wait3A_249 = arith.constant 128 : i32
    %dma_wait3A_250 = tpu.memref_slice %arg27[%dma_wait3A_249] : memref<512xi32, #tpu.memory_space<vmem>> -> memref<128xi32, #tpu.memory_space<vmem>>
    %dma_wait3A_251 = arith.constant 0 : i32
    %dma_wait3A_252 = tpu.memref_slice %arg5[%dma_wait3A_251] : memref<2734130xi32, #tpu.memory_space<hbm>> -> memref<2734130xi32, #tpu.memory_space<hbm>>
    tpu.wait_indirect_dma semaphore(%arg44 : memref<!tpu.dma_semaphore, #tpu.memory_space<semaphore_mem>>) src(%dma_wait3A_252 : memref<2734130xi32, #tpu.memory_space<hbm>>) dst(%dma_wait3A_248 : memref<128xi32, #tpu.memory_space<vmem>>)
    %dma_wait3A_253 = arith.constant 256 : i32
    %dma_wait3A_254 = tpu.memref_slice %arg30[%dma_wait3A_253] : memref<512xi32, #tpu.memory_space<vmem>> -> memref<128xi32, #tpu.memory_space<vmem>>
    %dma_wait3A_255 = arith.constant 256 : i32
    %dma_wait3A_256 = tpu.memref_slice %arg27[%dma_wait3A_255] : memref<512xi32, #tpu.memory_space<vmem>> -> memref<128xi32, #tpu.memory_space<vmem>>
    %dma_wait3A_257 = arith.constant 0 : i32
    %dma_wait3A_258 = tpu.memref_slice %arg5[%dma_wait3A_257] : memref<2734130xi32, #tpu.memory_space<hbm>> -> memref<2734130xi32, #tpu.memory_space<hbm>>
    tpu.wait_indirect_dma semaphore(%arg44 : memref<!tpu.dma_semaphore, #tpu.memory_space<semaphore_mem>>) src(%dma_wait3A_258 : memref<2734130xi32, #tpu.memory_space<hbm>>) dst(%dma_wait3A_254 : memref<128xi32, #tpu.memory_space<vmem>>)
    %dma_wait3A_259 = arith.constant 384 : i32
    %dma_wait3A_260 = tpu.memref_slice %arg30[%dma_wait3A_259] : memref<512xi32, #tpu.memory_space<vmem>> -> memref<128xi32, #tpu.memory_space<vmem>>
    %dma_wait3A_261 = arith.constant 384 : i32
    %dma_wait3A_262 = tpu.memref_slice %arg27[%dma_wait3A_261] : memref<512xi32, #tpu.memory_space<vmem>> -> memref<128xi32, #tpu.memory_space<vmem>>
    %dma_wait3A_263 = arith.constant 0 : i32
    %dma_wait3A_264 = tpu.memref_slice %arg5[%dma_wait3A_263] : memref<2734130xi32, #tpu.memory_space<hbm>> -> memref<2734130xi32, #tpu.memory_space<hbm>>
    tpu.wait_indirect_dma semaphore(%arg44 : memref<!tpu.dma_semaphore, #tpu.memory_space<semaphore_mem>>) src(%dma_wait3A_264 : memref<2734130xi32, #tpu.memory_space<hbm>>) dst(%dma_wait3A_260 : memref<128xi32, #tpu.memory_space<vmem>>)
    %dma_wait3A_265 = arith.constant 0 : i32
    %dma_wait3A_266 = tpu.memref_slice %arg31[%dma_wait3A_265] : memref<512xi32, #tpu.memory_space<vmem>> -> memref<128xi32, #tpu.memory_space<vmem>>
    %dma_wait3A_267 = arith.constant 0 : i32
    %dma_wait3A_268 = tpu.memref_slice %arg27[%dma_wait3A_267] : memref<512xi32, #tpu.memory_space<vmem>> -> memref<128xi32, #tpu.memory_space<vmem>>
    %dma_wait3A_269 = arith.constant 0 : i32
    %dma_wait3A_270 = tpu.memref_slice %arg6[%dma_wait3A_269] : memref<2734130xi32, #tpu.memory_space<hbm>> -> memref<2734130xi32, #tpu.memory_space<hbm>>
    tpu.wait_indirect_dma semaphore(%arg44 : memref<!tpu.dma_semaphore, #tpu.memory_space<semaphore_mem>>) src(%dma_wait3A_270 : memref<2734130xi32, #tpu.memory_space<hbm>>) dst(%dma_wait3A_266 : memref<128xi32, #tpu.memory_space<vmem>>)
    %dma_wait3A_271 = arith.constant 128 : i32
    %dma_wait3A_272 = tpu.memref_slice %arg31[%dma_wait3A_271] : memref<512xi32, #tpu.memory_space<vmem>> -> memref<128xi32, #tpu.memory_space<vmem>>
    %dma_wait3A_273 = arith.constant 128 : i32
    %dma_wait3A_274 = tpu.memref_slice %arg27[%dma_wait3A_273] : memref<512xi32, #tpu.memory_space<vmem>> -> memref<128xi32, #tpu.memory_space<vmem>>
    %dma_wait3A_275 = arith.constant 0 : i32
    %dma_wait3A_276 = tpu.memref_slice %arg6[%dma_wait3A_275] : memref<2734130xi32, #tpu.memory_space<hbm>> -> memref<2734130xi32, #tpu.memory_space<hbm>>
    tpu.wait_indirect_dma semaphore(%arg44 : memref<!tpu.dma_semaphore, #tpu.memory_space<semaphore_mem>>) src(%dma_wait3A_276 : memref<2734130xi32, #tpu.memory_space<hbm>>) dst(%dma_wait3A_272 : memref<128xi32, #tpu.memory_space<vmem>>)
    %dma_wait3A_277 = arith.constant 256 : i32
    %dma_wait3A_278 = tpu.memref_slice %arg31[%dma_wait3A_277] : memref<512xi32, #tpu.memory_space<vmem>> -> memref<128xi32, #tpu.memory_space<vmem>>
    %dma_wait3A_279 = arith.constant 256 : i32
    %dma_wait3A_280 = tpu.memref_slice %arg27[%dma_wait3A_279] : memref<512xi32, #tpu.memory_space<vmem>> -> memref<128xi32, #tpu.memory_space<vmem>>
    %dma_wait3A_281 = arith.constant 0 : i32
    %dma_wait3A_282 = tpu.memref_slice %arg6[%dma_wait3A_281] : memref<2734130xi32, #tpu.memory_space<hbm>> -> memref<2734130xi32, #tpu.memory_space<hbm>>
    tpu.wait_indirect_dma semaphore(%arg44 : memref<!tpu.dma_semaphore, #tpu.memory_space<semaphore_mem>>) src(%dma_wait3A_282 : memref<2734130xi32, #tpu.memory_space<hbm>>) dst(%dma_wait3A_278 : memref<128xi32, #tpu.memory_space<vmem>>)
    %dma_wait3A_283 = arith.constant 384 : i32
    %dma_wait3A_284 = tpu.memref_slice %arg31[%dma_wait3A_283] : memref<512xi32, #tpu.memory_space<vmem>> -> memref<128xi32, #tpu.memory_space<vmem>>
    %dma_wait3A_285 = arith.constant 384 : i32
    %dma_wait3A_286 = tpu.memref_slice %arg27[%dma_wait3A_285] : memref<512xi32, #tpu.memory_space<vmem>> -> memref<128xi32, #tpu.memory_space<vmem>>
    %dma_wait3A_287 = arith.constant 0 : i32
    %dma_wait3A_288 = tpu.memref_slice %arg6[%dma_wait3A_287] : memref<2734130xi32, #tpu.memory_space<hbm>> -> memref<2734130xi32, #tpu.memory_space<hbm>>
    tpu.wait_indirect_dma semaphore(%arg44 : memref<!tpu.dma_semaphore, #tpu.memory_space<semaphore_mem>>) src(%dma_wait3A_288 : memref<2734130xi32, #tpu.memory_space<hbm>>) dst(%dma_wait3A_284 : memref<128xi32, #tpu.memory_space<vmem>>)
    %dma_wait3A_289 = arith.constant 0 : i32
    %dma_wait3A_290 = tpu.memref_slice %arg32[%dma_wait3A_289] : memref<512xi32, #tpu.memory_space<vmem>> -> memref<128xi32, #tpu.memory_space<vmem>>
    %dma_wait3A_291 = arith.constant 0 : i32
    %dma_wait3A_292 = tpu.memref_slice %arg27[%dma_wait3A_291] : memref<512xi32, #tpu.memory_space<vmem>> -> memref<128xi32, #tpu.memory_space<vmem>>
    %dma_wait3A_293 = arith.constant 0 : i32
    %dma_wait3A_294 = tpu.memref_slice %arg7[%dma_wait3A_293] : memref<2734130xi32, #tpu.memory_space<hbm>> -> memref<2734130xi32, #tpu.memory_space<hbm>>
    tpu.wait_indirect_dma semaphore(%arg44 : memref<!tpu.dma_semaphore, #tpu.memory_space<semaphore_mem>>) src(%dma_wait3A_294 : memref<2734130xi32, #tpu.memory_space<hbm>>) dst(%dma_wait3A_290 : memref<128xi32, #tpu.memory_space<vmem>>)
    %dma_wait3A_295 = arith.constant 128 : i32
    %dma_wait3A_296 = tpu.memref_slice %arg32[%dma_wait3A_295] : memref<512xi32, #tpu.memory_space<vmem>> -> memref<128xi32, #tpu.memory_space<vmem>>
    %dma_wait3A_297 = arith.constant 128 : i32
    %dma_wait3A_298 = tpu.memref_slice %arg27[%dma_wait3A_297] : memref<512xi32, #tpu.memory_space<vmem>> -> memref<128xi32, #tpu.memory_space<vmem>>
    %dma_wait3A_299 = arith.constant 0 : i32
    %dma_wait3A_300 = tpu.memref_slice %arg7[%dma_wait3A_299] : memref<2734130xi32, #tpu.memory_space<hbm>> -> memref<2734130xi32, #tpu.memory_space<hbm>>
    tpu.wait_indirect_dma semaphore(%arg44 : memref<!tpu.dma_semaphore, #tpu.memory_space<semaphore_mem>>) src(%dma_wait3A_300 : memref<2734130xi32, #tpu.memory_space<hbm>>) dst(%dma_wait3A_296 : memref<128xi32, #tpu.memory_space<vmem>>)
    %dma_wait3A_301 = arith.constant 256 : i32
    %dma_wait3A_302 = tpu.memref_slice %arg32[%dma_wait3A_301] : memref<512xi32, #tpu.memory_space<vmem>> -> memref<128xi32, #tpu.memory_space<vmem>>
    %dma_wait3A_303 = arith.constant 256 : i32
    %dma_wait3A_304 = tpu.memref_slice %arg27[%dma_wait3A_303] : memref<512xi32, #tpu.memory_space<vmem>> -> memref<128xi32, #tpu.memory_space<vmem>>
    %dma_wait3A_305 = arith.constant 0 : i32
    %dma_wait3A_306 = tpu.memref_slice %arg7[%dma_wait3A_305] : memref<2734130xi32, #tpu.memory_space<hbm>> -> memref<2734130xi32, #tpu.memory_space<hbm>>
    tpu.wait_indirect_dma semaphore(%arg44 : memref<!tpu.dma_semaphore, #tpu.memory_space<semaphore_mem>>) src(%dma_wait3A_306 : memref<2734130xi32, #tpu.memory_space<hbm>>) dst(%dma_wait3A_302 : memref<128xi32, #tpu.memory_space<vmem>>)
    %dma_wait3A_307 = arith.constant 384 : i32
    %dma_wait3A_308 = tpu.memref_slice %arg32[%dma_wait3A_307] : memref<512xi32, #tpu.memory_space<vmem>> -> memref<128xi32, #tpu.memory_space<vmem>>
    %dma_wait3A_309 = arith.constant 384 : i32
    %dma_wait3A_310 = tpu.memref_slice %arg27[%dma_wait3A_309] : memref<512xi32, #tpu.memory_space<vmem>> -> memref<128xi32, #tpu.memory_space<vmem>>
    %dma_wait3A_311 = arith.constant 0 : i32
    %dma_wait3A_312 = tpu.memref_slice %arg7[%dma_wait3A_311] : memref<2734130xi32, #tpu.memory_space<hbm>> -> memref<2734130xi32, #tpu.memory_space<hbm>>
    tpu.wait_indirect_dma semaphore(%arg44 : memref<!tpu.dma_semaphore, #tpu.memory_space<semaphore_mem>>) src(%dma_wait3A_312 : memref<2734130xi32, #tpu.memory_space<hbm>>) dst(%dma_wait3A_308 : memref<128xi32, #tpu.memory_space<vmem>>)
    %dma_wait3A_313 = arith.constant 0 : i32
    %dma_wait3A_314 = tpu.memref_slice %arg33[%dma_wait3A_313] : memref<512xi32, #tpu.memory_space<vmem>> -> memref<128xi32, #tpu.memory_space<vmem>>
    %dma_wait3A_315 = arith.constant 0 : i32
    %dma_wait3A_316 = tpu.memref_slice %arg27[%dma_wait3A_315] : memref<512xi32, #tpu.memory_space<vmem>> -> memref<128xi32, #tpu.memory_space<vmem>>
    %dma_wait3A_317 = arith.constant 0 : i32
    %dma_wait3A_318 = tpu.memref_slice %arg8[%dma_wait3A_317] : memref<2734130xi32, #tpu.memory_space<hbm>> -> memref<2734130xi32, #tpu.memory_space<hbm>>
    tpu.wait_indirect_dma semaphore(%arg44 : memref<!tpu.dma_semaphore, #tpu.memory_space<semaphore_mem>>) src(%dma_wait3A_318 : memref<2734130xi32, #tpu.memory_space<hbm>>) dst(%dma_wait3A_314 : memref<128xi32, #tpu.memory_space<vmem>>)
    %dma_wait3A_319 = arith.constant 128 : i32
    %dma_wait3A_320 = tpu.memref_slice %arg33[%dma_wait3A_319] : memref<512xi32, #tpu.memory_space<vmem>> -> memref<128xi32, #tpu.memory_space<vmem>>
    %dma_wait3A_321 = arith.constant 128 : i32
    %dma_wait3A_322 = tpu.memref_slice %arg27[%dma_wait3A_321] : memref<512xi32, #tpu.memory_space<vmem>> -> memref<128xi32, #tpu.memory_space<vmem>>
    %dma_wait3A_323 = arith.constant 0 : i32
    %dma_wait3A_324 = tpu.memref_slice %arg8[%dma_wait3A_323] : memref<2734130xi32, #tpu.memory_space<hbm>> -> memref<2734130xi32, #tpu.memory_space<hbm>>
    tpu.wait_indirect_dma semaphore(%arg44 : memref<!tpu.dma_semaphore, #tpu.memory_space<semaphore_mem>>) src(%dma_wait3A_324 : memref<2734130xi32, #tpu.memory_space<hbm>>) dst(%dma_wait3A_320 : memref<128xi32, #tpu.memory_space<vmem>>)
    %dma_wait3A_325 = arith.constant 256 : i32
    %dma_wait3A_326 = tpu.memref_slice %arg33[%dma_wait3A_325] : memref<512xi32, #tpu.memory_space<vmem>> -> memref<128xi32, #tpu.memory_space<vmem>>
    %dma_wait3A_327 = arith.constant 256 : i32
    %dma_wait3A_328 = tpu.memref_slice %arg27[%dma_wait3A_327] : memref<512xi32, #tpu.memory_space<vmem>> -> memref<128xi32, #tpu.memory_space<vmem>>
    %dma_wait3A_329 = arith.constant 0 : i32
    %dma_wait3A_330 = tpu.memref_slice %arg8[%dma_wait3A_329] : memref<2734130xi32, #tpu.memory_space<hbm>> -> memref<2734130xi32, #tpu.memory_space<hbm>>
    tpu.wait_indirect_dma semaphore(%arg44 : memref<!tpu.dma_semaphore, #tpu.memory_space<semaphore_mem>>) src(%dma_wait3A_330 : memref<2734130xi32, #tpu.memory_space<hbm>>) dst(%dma_wait3A_326 : memref<128xi32, #tpu.memory_space<vmem>>)
    %dma_wait3A_331 = arith.constant 384 : i32
    %dma_wait3A_332 = tpu.memref_slice %arg33[%dma_wait3A_331] : memref<512xi32, #tpu.memory_space<vmem>> -> memref<128xi32, #tpu.memory_space<vmem>>
    %dma_wait3A_333 = arith.constant 384 : i32
    %dma_wait3A_334 = tpu.memref_slice %arg27[%dma_wait3A_333] : memref<512xi32, #tpu.memory_space<vmem>> -> memref<128xi32, #tpu.memory_space<vmem>>
    %dma_wait3A_335 = arith.constant 0 : i32
    %dma_wait3A_336 = tpu.memref_slice %arg8[%dma_wait3A_335] : memref<2734130xi32, #tpu.memory_space<hbm>> -> memref<2734130xi32, #tpu.memory_space<hbm>>
    tpu.wait_indirect_dma semaphore(%arg44 : memref<!tpu.dma_semaphore, #tpu.memory_space<semaphore_mem>>) src(%dma_wait3A_336 : memref<2734130xi32, #tpu.memory_space<hbm>>) dst(%dma_wait3A_332 : memref<128xi32, #tpu.memory_space<vmem>>)
    %dma_wait3A_337 = arith.constant 0 : i32
    %dma_wait3A_338 = tpu.memref_slice %arg34[%dma_wait3A_337] : memref<512xi32, #tpu.memory_space<vmem>> -> memref<128xi32, #tpu.memory_space<vmem>>
    %dma_wait3A_339 = arith.constant 0 : i32
    %dma_wait3A_340 = tpu.memref_slice %arg27[%dma_wait3A_339] : memref<512xi32, #tpu.memory_space<vmem>> -> memref<128xi32, #tpu.memory_space<vmem>>
    %dma_wait3A_341 = arith.constant 0 : i32
    %dma_wait3A_342 = tpu.memref_slice %arg9[%dma_wait3A_341] : memref<2734130xi32, #tpu.memory_space<hbm>> -> memref<2734130xi32, #tpu.memory_space<hbm>>
    tpu.wait_indirect_dma semaphore(%arg44 : memref<!tpu.dma_semaphore, #tpu.memory_space<semaphore_mem>>) src(%dma_wait3A_342 : memref<2734130xi32, #tpu.memory_space<hbm>>) dst(%dma_wait3A_338 : memref<128xi32, #tpu.memory_space<vmem>>)
    %dma_wait3A_343 = arith.constant 128 : i32
    %dma_wait3A_344 = tpu.memref_slice %arg34[%dma_wait3A_343] : memref<512xi32, #tpu.memory_space<vmem>> -> memref<128xi32, #tpu.memory_space<vmem>>
    %dma_wait3A_345 = arith.constant 128 : i32
    %dma_wait3A_346 = tpu.memref_slice %arg27[%dma_wait3A_345] : memref<512xi32, #tpu.memory_space<vmem>> -> memref<128xi32, #tpu.memory_space<vmem>>
    %dma_wait3A_347 = arith.constant 0 : i32
    %dma_wait3A_348 = tpu.memref_slice %arg9[%dma_wait3A_347] : memref<2734130xi32, #tpu.memory_space<hbm>> -> memref<2734130xi32, #tpu.memory_space<hbm>>
    tpu.wait_indirect_dma semaphore(%arg44 : memref<!tpu.dma_semaphore, #tpu.memory_space<semaphore_mem>>) src(%dma_wait3A_348 : memref<2734130xi32, #tpu.memory_space<hbm>>) dst(%dma_wait3A_344 : memref<128xi32, #tpu.memory_space<vmem>>)
    %dma_wait3A_349 = arith.constant 256 : i32
    %dma_wait3A_350 = tpu.memref_slice %arg34[%dma_wait3A_349] : memref<512xi32, #tpu.memory_space<vmem>> -> memref<128xi32, #tpu.memory_space<vmem>>
    %dma_wait3A_351 = arith.constant 256 : i32
    %dma_wait3A_352 = tpu.memref_slice %arg27[%dma_wait3A_351] : memref<512xi32, #tpu.memory_space<vmem>> -> memref<128xi32, #tpu.memory_space<vmem>>
    %dma_wait3A_353 = arith.constant 0 : i32
    %dma_wait3A_354 = tpu.memref_slice %arg9[%dma_wait3A_353] : memref<2734130xi32, #tpu.memory_space<hbm>> -> memref<2734130xi32, #tpu.memory_space<hbm>>
    tpu.wait_indirect_dma semaphore(%arg44 : memref<!tpu.dma_semaphore, #tpu.memory_space<semaphore_mem>>) src(%dma_wait3A_354 : memref<2734130xi32, #tpu.memory_space<hbm>>) dst(%dma_wait3A_350 : memref<128xi32, #tpu.memory_space<vmem>>)
    %dma_wait3A_355 = arith.constant 384 : i32
    %dma_wait3A_356 = tpu.memref_slice %arg34[%dma_wait3A_355] : memref<512xi32, #tpu.memory_space<vmem>> -> memref<128xi32, #tpu.memory_space<vmem>>
    %dma_wait3A_357 = arith.constant 384 : i32
    %dma_wait3A_358 = tpu.memref_slice %arg27[%dma_wait3A_357] : memref<512xi32, #tpu.memory_space<vmem>> -> memref<128xi32, #tpu.memory_space<vmem>>
    %dma_wait3A_359 = arith.constant 0 : i32
    %dma_wait3A_360 = tpu.memref_slice %arg9[%dma_wait3A_359] : memref<2734130xi32, #tpu.memory_space<hbm>> -> memref<2734130xi32, #tpu.memory_space<hbm>>
    tpu.wait_indirect_dma semaphore(%arg44 : memref<!tpu.dma_semaphore, #tpu.memory_space<semaphore_mem>>) src(%dma_wait3A_360 : memref<2734130xi32, #tpu.memory_space<hbm>>) dst(%dma_wait3A_356 : memref<128xi32, #tpu.memory_space<vmem>>)
    %dma_wait3A_361 = arith.constant 0 : i32
    %dma_wait3A_362 = tpu.memref_slice %arg35[%dma_wait3A_361] : memref<512xi32, #tpu.memory_space<vmem>> -> memref<128xi32, #tpu.memory_space<vmem>>
    %dma_wait3A_363 = arith.constant 0 : i32
    %dma_wait3A_364 = tpu.memref_slice %arg27[%dma_wait3A_363] : memref<512xi32, #tpu.memory_space<vmem>> -> memref<128xi32, #tpu.memory_space<vmem>>
    %dma_wait3A_365 = arith.constant 0 : i32
    %dma_wait3A_366 = tpu.memref_slice %arg10[%dma_wait3A_365] : memref<2734130xi32, #tpu.memory_space<hbm>> -> memref<2734130xi32, #tpu.memory_space<hbm>>
    tpu.wait_indirect_dma semaphore(%arg44 : memref<!tpu.dma_semaphore, #tpu.memory_space<semaphore_mem>>) src(%dma_wait3A_366 : memref<2734130xi32, #tpu.memory_space<hbm>>) dst(%dma_wait3A_362 : memref<128xi32, #tpu.memory_space<vmem>>)
    %dma_wait3A_367 = arith.constant 128 : i32
    %dma_wait3A_368 = tpu.memref_slice %arg35[%dma_wait3A_367] : memref<512xi32, #tpu.memory_space<vmem>> -> memref<128xi32, #tpu.memory_space<vmem>>
    %dma_wait3A_369 = arith.constant 128 : i32
    %dma_wait3A_370 = tpu.memref_slice %arg27[%dma_wait3A_369] : memref<512xi32, #tpu.memory_space<vmem>> -> memref<128xi32, #tpu.memory_space<vmem>>
    %dma_wait3A_371 = arith.constant 0 : i32
    %dma_wait3A_372 = tpu.memref_slice %arg10[%dma_wait3A_371] : memref<2734130xi32, #tpu.memory_space<hbm>> -> memref<2734130xi32, #tpu.memory_space<hbm>>
    tpu.wait_indirect_dma semaphore(%arg44 : memref<!tpu.dma_semaphore, #tpu.memory_space<semaphore_mem>>) src(%dma_wait3A_372 : memref<2734130xi32, #tpu.memory_space<hbm>>) dst(%dma_wait3A_368 : memref<128xi32, #tpu.memory_space<vmem>>)
    %dma_wait3A_373 = arith.constant 256 : i32
    %dma_wait3A_374 = tpu.memref_slice %arg35[%dma_wait3A_373] : memref<512xi32, #tpu.memory_space<vmem>> -> memref<128xi32, #tpu.memory_space<vmem>>
    %dma_wait3A_375 = arith.constant 256 : i32
    %dma_wait3A_376 = tpu.memref_slice %arg27[%dma_wait3A_375] : memref<512xi32, #tpu.memory_space<vmem>> -> memref<128xi32, #tpu.memory_space<vmem>>
    %dma_wait3A_377 = arith.constant 0 : i32
    %dma_wait3A_378 = tpu.memref_slice %arg10[%dma_wait3A_377] : memref<2734130xi32, #tpu.memory_space<hbm>> -> memref<2734130xi32, #tpu.memory_space<hbm>>
    tpu.wait_indirect_dma semaphore(%arg44 : memref<!tpu.dma_semaphore, #tpu.memory_space<semaphore_mem>>) src(%dma_wait3A_378 : memref<2734130xi32, #tpu.memory_space<hbm>>) dst(%dma_wait3A_374 : memref<128xi32, #tpu.memory_space<vmem>>)
    %dma_wait3A_379 = arith.constant 384 : i32
    %dma_wait3A_380 = tpu.memref_slice %arg35[%dma_wait3A_379] : memref<512xi32, #tpu.memory_space<vmem>> -> memref<128xi32, #tpu.memory_space<vmem>>
    %dma_wait3A_381 = arith.constant 384 : i32
    %dma_wait3A_382 = tpu.memref_slice %arg27[%dma_wait3A_381] : memref<512xi32, #tpu.memory_space<vmem>> -> memref<128xi32, #tpu.memory_space<vmem>>
    %dma_wait3A_383 = arith.constant 0 : i32
    %dma_wait3A_384 = tpu.memref_slice %arg10[%dma_wait3A_383] : memref<2734130xi32, #tpu.memory_space<hbm>> -> memref<2734130xi32, #tpu.memory_space<hbm>>
    tpu.wait_indirect_dma semaphore(%arg44 : memref<!tpu.dma_semaphore, #tpu.memory_space<semaphore_mem>>) src(%dma_wait3A_384 : memref<2734130xi32, #tpu.memory_space<hbm>>) dst(%dma_wait3A_380 : memref<128xi32, #tpu.memory_space<vmem>>)
    %dma_start3A_385 = arith.constant 0 : i32
    %dma_start3A_386 = arith.constant 0 : i32
    %dma_start3A_387 = tpu.memref_slice %arg36[%dma_start3A_385, %dma_start3A_386] : memref<512x16xf32, #tpu.memory_space<vmem>> -> memref<128x16xf32, #tpu.memory_space<vmem>>
    %dma_start3A_388 = arith.constant 0 : i32
    %dma_start3A_389 = tpu.memref_slice %arg28[%dma_start3A_388] : memref<512xi32, #tpu.memory_space<vmem>> -> memref<128xi32, #tpu.memory_space<vmem>>
    %dma_start3A_390 = arith.constant 0 : i32
    %dma_start3A_391 = arith.constant 0 : i32
    %dma_start3A_392 = tpu.memref_slice %arg11[%dma_start3A_390, %dma_start3A_391] : memref<278913x16xf32, #tpu.memory_space<hbm>> -> memref<278913x16xf32, #tpu.memory_space<hbm>>
    tpu.enqueue_indirect_dma source(%dma_start3A_392 : memref<278913x16xf32, #tpu.memory_space<hbm>>) target(%dma_start3A_387 : memref<128x16xf32, #tpu.memory_space<vmem>>) offsets(%dma_start3A_389 : memref<128xi32, #tpu.memory_space<vmem>>) semaphore(%arg44 : memref<!tpu.dma_semaphore, #tpu.memory_space<semaphore_mem>>)
    %dma_start3A_393 = arith.constant 128 : i32
    %dma_start3A_394 = arith.constant 0 : i32
    %dma_start3A_395 = tpu.memref_slice %arg36[%dma_start3A_393, %dma_start3A_394] : memref<512x16xf32, #tpu.memory_space<vmem>> -> memref<128x16xf32, #tpu.memory_space<vmem>>
    %dma_start3A_396 = arith.constant 128 : i32
    %dma_start3A_397 = tpu.memref_slice %arg28[%dma_start3A_396] : memref<512xi32, #tpu.memory_space<vmem>> -> memref<128xi32, #tpu.memory_space<vmem>>
    %dma_start3A_398 = arith.constant 0 : i32
    %dma_start3A_399 = arith.constant 0 : i32
    %dma_start3A_400 = tpu.memref_slice %arg11[%dma_start3A_398, %dma_start3A_399] : memref<278913x16xf32, #tpu.memory_space<hbm>> -> memref<278913x16xf32, #tpu.memory_space<hbm>>
    tpu.enqueue_indirect_dma source(%dma_start3A_400 : memref<278913x16xf32, #tpu.memory_space<hbm>>) target(%dma_start3A_395 : memref<128x16xf32, #tpu.memory_space<vmem>>) offsets(%dma_start3A_397 : memref<128xi32, #tpu.memory_space<vmem>>) semaphore(%arg44 : memref<!tpu.dma_semaphore, #tpu.memory_space<semaphore_mem>>)
    %dma_start3A_401 = arith.constant 256 : i32
    %dma_start3A_402 = arith.constant 0 : i32
    %dma_start3A_403 = tpu.memref_slice %arg36[%dma_start3A_401, %dma_start3A_402] : memref<512x16xf32, #tpu.memory_space<vmem>> -> memref<128x16xf32, #tpu.memory_space<vmem>>
    %dma_start3A_404 = arith.constant 256 : i32
    %dma_start3A_405 = tpu.memref_slice %arg28[%dma_start3A_404] : memref<512xi32, #tpu.memory_space<vmem>> -> memref<128xi32, #tpu.memory_space<vmem>>
    %dma_start3A_406 = arith.constant 0 : i32
    %dma_start3A_407 = arith.constant 0 : i32
    %dma_start3A_408 = tpu.memref_slice %arg11[%dma_start3A_406, %dma_start3A_407] : memref<278913x16xf32, #tpu.memory_space<hbm>> -> memref<278913x16xf32, #tpu.memory_space<hbm>>
    tpu.enqueue_indirect_dma source(%dma_start3A_408 : memref<278913x16xf32, #tpu.memory_space<hbm>>) target(%dma_start3A_403 : memref<128x16xf32, #tpu.memory_space<vmem>>) offsets(%dma_start3A_405 : memref<128xi32, #tpu.memory_space<vmem>>) semaphore(%arg44 : memref<!tpu.dma_semaphore, #tpu.memory_space<semaphore_mem>>)
    %dma_start3A_409 = arith.constant 384 : i32
    %dma_start3A_410 = arith.constant 0 : i32
    %dma_start3A_411 = tpu.memref_slice %arg36[%dma_start3A_409, %dma_start3A_410] : memref<512x16xf32, #tpu.memory_space<vmem>> -> memref<128x16xf32, #tpu.memory_space<vmem>>
    %dma_start3A_412 = arith.constant 384 : i32
    %dma_start3A_413 = tpu.memref_slice %arg28[%dma_start3A_412] : memref<512xi32, #tpu.memory_space<vmem>> -> memref<128xi32, #tpu.memory_space<vmem>>
    %dma_start3A_414 = arith.constant 0 : i32
    %dma_start3A_415 = arith.constant 0 : i32
    %dma_start3A_416 = tpu.memref_slice %arg11[%dma_start3A_414, %dma_start3A_415] : memref<278913x16xf32, #tpu.memory_space<hbm>> -> memref<278913x16xf32, #tpu.memory_space<hbm>>
    tpu.enqueue_indirect_dma source(%dma_start3A_416 : memref<278913x16xf32, #tpu.memory_space<hbm>>) target(%dma_start3A_411 : memref<128x16xf32, #tpu.memory_space<vmem>>) offsets(%dma_start3A_413 : memref<128xi32, #tpu.memory_space<vmem>>) semaphore(%arg44 : memref<!tpu.dma_semaphore, #tpu.memory_space<semaphore_mem>>)
    %dma_start3A_417 = arith.constant 0 : i32
    %dma_start3A_418 = arith.constant 0 : i32
    %dma_start3A_419 = tpu.memref_slice %arg37[%dma_start3A_417, %dma_start3A_418] : memref<512x16xf32, #tpu.memory_space<vmem>> -> memref<128x16xf32, #tpu.memory_space<vmem>>
    %dma_start3A_420 = arith.constant 0 : i32
    %dma_start3A_421 = tpu.memref_slice %arg29[%dma_start3A_420] : memref<512xi32, #tpu.memory_space<vmem>> -> memref<128xi32, #tpu.memory_space<vmem>>
    %dma_start3A_422 = arith.constant 0 : i32
    %dma_start3A_423 = arith.constant 0 : i32
    %dma_start3A_424 = tpu.memref_slice %arg12[%dma_start3A_422, %dma_start3A_423] : memref<7015x16xf32, #tpu.memory_space<hbm>> -> memref<7015x16xf32, #tpu.memory_space<hbm>>
    tpu.enqueue_indirect_dma source(%dma_start3A_424 : memref<7015x16xf32, #tpu.memory_space<hbm>>) target(%dma_start3A_419 : memref<128x16xf32, #tpu.memory_space<vmem>>) offsets(%dma_start3A_421 : memref<128xi32, #tpu.memory_space<vmem>>) semaphore(%arg44 : memref<!tpu.dma_semaphore, #tpu.memory_space<semaphore_mem>>)
    %dma_start3A_425 = arith.constant 128 : i32
    %dma_start3A_426 = arith.constant 0 : i32
    %dma_start3A_427 = tpu.memref_slice %arg37[%dma_start3A_425, %dma_start3A_426] : memref<512x16xf32, #tpu.memory_space<vmem>> -> memref<128x16xf32, #tpu.memory_space<vmem>>
    %dma_start3A_428 = arith.constant 128 : i32
    %dma_start3A_429 = tpu.memref_slice %arg29[%dma_start3A_428] : memref<512xi32, #tpu.memory_space<vmem>> -> memref<128xi32, #tpu.memory_space<vmem>>
    %dma_start3A_430 = arith.constant 0 : i32
    %dma_start3A_431 = arith.constant 0 : i32
    %dma_start3A_432 = tpu.memref_slice %arg12[%dma_start3A_430, %dma_start3A_431] : memref<7015x16xf32, #tpu.memory_space<hbm>> -> memref<7015x16xf32, #tpu.memory_space<hbm>>
    tpu.enqueue_indirect_dma source(%dma_start3A_432 : memref<7015x16xf32, #tpu.memory_space<hbm>>) target(%dma_start3A_427 : memref<128x16xf32, #tpu.memory_space<vmem>>) offsets(%dma_start3A_429 : memref<128xi32, #tpu.memory_space<vmem>>) semaphore(%arg44 : memref<!tpu.dma_semaphore, #tpu.memory_space<semaphore_mem>>)
    %dma_start3A_433 = arith.constant 256 : i32
    %dma_start3A_434 = arith.constant 0 : i32
    %dma_start3A_435 = tpu.memref_slice %arg37[%dma_start3A_433, %dma_start3A_434] : memref<512x16xf32, #tpu.memory_space<vmem>> -> memref<128x16xf32, #tpu.memory_space<vmem>>
    %dma_start3A_436 = arith.constant 256 : i32
    %dma_start3A_437 = tpu.memref_slice %arg29[%dma_start3A_436] : memref<512xi32, #tpu.memory_space<vmem>> -> memref<128xi32, #tpu.memory_space<vmem>>
    %dma_start3A_438 = arith.constant 0 : i32
    %dma_start3A_439 = arith.constant 0 : i32
    %dma_start3A_440 = tpu.memref_slice %arg12[%dma_start3A_438, %dma_start3A_439] : memref<7015x16xf32, #tpu.memory_space<hbm>> -> memref<7015x16xf32, #tpu.memory_space<hbm>>
    tpu.enqueue_indirect_dma source(%dma_start3A_440 : memref<7015x16xf32, #tpu.memory_space<hbm>>) target(%dma_start3A_435 : memref<128x16xf32, #tpu.memory_space<vmem>>) offsets(%dma_start3A_437 : memref<128xi32, #tpu.memory_space<vmem>>) semaphore(%arg44 : memref<!tpu.dma_semaphore, #tpu.memory_space<semaphore_mem>>)
    %dma_start3A_441 = arith.constant 384 : i32
    %dma_start3A_442 = arith.constant 0 : i32
    %dma_start3A_443 = tpu.memref_slice %arg37[%dma_start3A_441, %dma_start3A_442] : memref<512x16xf32, #tpu.memory_space<vmem>> -> memref<128x16xf32, #tpu.memory_space<vmem>>
    %dma_start3A_444 = arith.constant 384 : i32
    %dma_start3A_445 = tpu.memref_slice %arg29[%dma_start3A_444] : memref<512xi32, #tpu.memory_space<vmem>> -> memref<128xi32, #tpu.memory_space<vmem>>
    %dma_start3A_446 = arith.constant 0 : i32
    %dma_start3A_447 = arith.constant 0 : i32
    %dma_start3A_448 = tpu.memref_slice %arg12[%dma_start3A_446, %dma_start3A_447] : memref<7015x16xf32, #tpu.memory_space<hbm>> -> memref<7015x16xf32, #tpu.memory_space<hbm>>
    tpu.enqueue_indirect_dma source(%dma_start3A_448 : memref<7015x16xf32, #tpu.memory_space<hbm>>) target(%dma_start3A_443 : memref<128x16xf32, #tpu.memory_space<vmem>>) offsets(%dma_start3A_445 : memref<128xi32, #tpu.memory_space<vmem>>) semaphore(%arg44 : memref<!tpu.dma_semaphore, #tpu.memory_space<semaphore_mem>>)
    %dma_start3A_449 = arith.constant 0 : i32
    %dma_start3A_450 = arith.constant 0 : i32
    %dma_start3A_451 = tpu.memref_slice %arg38[%dma_start3A_449, %dma_start3A_450] : memref<512x16xf32, #tpu.memory_space<vmem>> -> memref<128x16xf32, #tpu.memory_space<vmem>>
    %dma_start3A_452 = arith.constant 0 : i32
    %dma_start3A_453 = tpu.memref_slice %arg30[%dma_start3A_452] : memref<512xi32, #tpu.memory_space<vmem>> -> memref<128xi32, #tpu.memory_space<vmem>>
    %dma_start3A_454 = arith.constant 0 : i32
    %dma_start3A_455 = arith.constant 0 : i32
    %dma_start3A_456 = tpu.memref_slice %arg13[%dma_start3A_454, %dma_start3A_455] : memref<107x16xf32, #tpu.memory_space<hbm>> -> memref<107x16xf32, #tpu.memory_space<hbm>>
    tpu.enqueue_indirect_dma source(%dma_start3A_456 : memref<107x16xf32, #tpu.memory_space<hbm>>) target(%dma_start3A_451 : memref<128x16xf32, #tpu.memory_space<vmem>>) offsets(%dma_start3A_453 : memref<128xi32, #tpu.memory_space<vmem>>) semaphore(%arg44 : memref<!tpu.dma_semaphore, #tpu.memory_space<semaphore_mem>>)
    %dma_start3A_457 = arith.constant 128 : i32
    %dma_start3A_458 = arith.constant 0 : i32
    %dma_start3A_459 = tpu.memref_slice %arg38[%dma_start3A_457, %dma_start3A_458] : memref<512x16xf32, #tpu.memory_space<vmem>> -> memref<128x16xf32, #tpu.memory_space<vmem>>
    %dma_start3A_460 = arith.constant 128 : i32
    %dma_start3A_461 = tpu.memref_slice %arg30[%dma_start3A_460] : memref<512xi32, #tpu.memory_space<vmem>> -> memref<128xi32, #tpu.memory_space<vmem>>
    %dma_start3A_462 = arith.constant 0 : i32
    %dma_start3A_463 = arith.constant 0 : i32
    %dma_start3A_464 = tpu.memref_slice %arg13[%dma_start3A_462, %dma_start3A_463] : memref<107x16xf32, #tpu.memory_space<hbm>> -> memref<107x16xf32, #tpu.memory_space<hbm>>
    tpu.enqueue_indirect_dma source(%dma_start3A_464 : memref<107x16xf32, #tpu.memory_space<hbm>>) target(%dma_start3A_459 : memref<128x16xf32, #tpu.memory_space<vmem>>) offsets(%dma_start3A_461 : memref<128xi32, #tpu.memory_space<vmem>>) semaphore(%arg44 : memref<!tpu.dma_semaphore, #tpu.memory_space<semaphore_mem>>)
    %dma_start3A_465 = arith.constant 256 : i32
    %dma_start3A_466 = arith.constant 0 : i32
    %dma_start3A_467 = tpu.memref_slice %arg38[%dma_start3A_465, %dma_start3A_466] : memref<512x16xf32, #tpu.memory_space<vmem>> -> memref<128x16xf32, #tpu.memory_space<vmem>>
    %dma_start3A_468 = arith.constant 256 : i32
    %dma_start3A_469 = tpu.memref_slice %arg30[%dma_start3A_468] : memref<512xi32, #tpu.memory_space<vmem>> -> memref<128xi32, #tpu.memory_space<vmem>>
    %dma_start3A_470 = arith.constant 0 : i32
    %dma_start3A_471 = arith.constant 0 : i32
    %dma_start3A_472 = tpu.memref_slice %arg13[%dma_start3A_470, %dma_start3A_471] : memref<107x16xf32, #tpu.memory_space<hbm>> -> memref<107x16xf32, #tpu.memory_space<hbm>>
    tpu.enqueue_indirect_dma source(%dma_start3A_472 : memref<107x16xf32, #tpu.memory_space<hbm>>) target(%dma_start3A_467 : memref<128x16xf32, #tpu.memory_space<vmem>>) offsets(%dma_start3A_469 : memref<128xi32, #tpu.memory_space<vmem>>) semaphore(%arg44 : memref<!tpu.dma_semaphore, #tpu.memory_space<semaphore_mem>>)
    %dma_start3A_473 = arith.constant 384 : i32
    %dma_start3A_474 = arith.constant 0 : i32
    %dma_start3A_475 = tpu.memref_slice %arg38[%dma_start3A_473, %dma_start3A_474] : memref<512x16xf32, #tpu.memory_space<vmem>> -> memref<128x16xf32, #tpu.memory_space<vmem>>
    %dma_start3A_476 = arith.constant 384 : i32
    %dma_start3A_477 = tpu.memref_slice %arg30[%dma_start3A_476] : memref<512xi32, #tpu.memory_space<vmem>> -> memref<128xi32, #tpu.memory_space<vmem>>
    %dma_start3A_478 = arith.constant 0 : i32
    %dma_start3A_479 = arith.constant 0 : i32
    %dma_start3A_480 = tpu.memref_slice %arg13[%dma_start3A_478, %dma_start3A_479] : memref<107x16xf32, #tpu.memory_space<hbm>> -> memref<107x16xf32, #tpu.memory_space<hbm>>
    tpu.enqueue_indirect_dma source(%dma_start3A_480 : memref<107x16xf32, #tpu.memory_space<hbm>>) target(%dma_start3A_475 : memref<128x16xf32, #tpu.memory_space<vmem>>) offsets(%dma_start3A_477 : memref<128xi32, #tpu.memory_space<vmem>>) semaphore(%arg44 : memref<!tpu.dma_semaphore, #tpu.memory_space<semaphore_mem>>)
    %dma_start3A_481 = arith.constant 0 : i32
    %dma_start3A_482 = arith.constant 0 : i32
    %dma_start3A_483 = tpu.memref_slice %arg39[%dma_start3A_481, %dma_start3A_482] : memref<512x16xf32, #tpu.memory_space<vmem>> -> memref<128x16xf32, #tpu.memory_space<vmem>>
    %dma_start3A_484 = arith.constant 0 : i32
    %dma_start3A_485 = tpu.memref_slice %arg31[%dma_start3A_484] : memref<512xi32, #tpu.memory_space<vmem>> -> memref<128xi32, #tpu.memory_space<vmem>>
    %dma_start3A_486 = arith.constant 0 : i32
    %dma_start3A_487 = arith.constant 0 : i32
    %dma_start3A_488 = tpu.memref_slice %arg15[%dma_start3A_486, %dma_start3A_487] : memref<6x16xf32, #tpu.memory_space<hbm>> -> memref<6x16xf32, #tpu.memory_space<hbm>>
    tpu.enqueue_indirect_dma source(%dma_start3A_488 : memref<6x16xf32, #tpu.memory_space<hbm>>) target(%dma_start3A_483 : memref<128x16xf32, #tpu.memory_space<vmem>>) offsets(%dma_start3A_485 : memref<128xi32, #tpu.memory_space<vmem>>) semaphore(%arg44 : memref<!tpu.dma_semaphore, #tpu.memory_space<semaphore_mem>>)
    %dma_start3A_489 = arith.constant 128 : i32
    %dma_start3A_490 = arith.constant 0 : i32
    %dma_start3A_491 = tpu.memref_slice %arg39[%dma_start3A_489, %dma_start3A_490] : memref<512x16xf32, #tpu.memory_space<vmem>> -> memref<128x16xf32, #tpu.memory_space<vmem>>
    %dma_start3A_492 = arith.constant 128 : i32
    %dma_start3A_493 = tpu.memref_slice %arg31[%dma_start3A_492] : memref<512xi32, #tpu.memory_space<vmem>> -> memref<128xi32, #tpu.memory_space<vmem>>
    %dma_start3A_494 = arith.constant 0 : i32
    %dma_start3A_495 = arith.constant 0 : i32
    %dma_start3A_496 = tpu.memref_slice %arg15[%dma_start3A_494, %dma_start3A_495] : memref<6x16xf32, #tpu.memory_space<hbm>> -> memref<6x16xf32, #tpu.memory_space<hbm>>
    tpu.enqueue_indirect_dma source(%dma_start3A_496 : memref<6x16xf32, #tpu.memory_space<hbm>>) target(%dma_start3A_491 : memref<128x16xf32, #tpu.memory_space<vmem>>) offsets(%dma_start3A_493 : memref<128xi32, #tpu.memory_space<vmem>>) semaphore(%arg44 : memref<!tpu.dma_semaphore, #tpu.memory_space<semaphore_mem>>)
    %dma_start3A_497 = arith.constant 256 : i32
    %dma_start3A_498 = arith.constant 0 : i32
    %dma_start3A_499 = tpu.memref_slice %arg39[%dma_start3A_497, %dma_start3A_498] : memref<512x16xf32, #tpu.memory_space<vmem>> -> memref<128x16xf32, #tpu.memory_space<vmem>>
    %dma_start3A_500 = arith.constant 256 : i32
    %dma_start3A_501 = tpu.memref_slice %arg31[%dma_start3A_500] : memref<512xi32, #tpu.memory_space<vmem>> -> memref<128xi32, #tpu.memory_space<vmem>>
    %dma_start3A_502 = arith.constant 0 : i32
    %dma_start3A_503 = arith.constant 0 : i32
    %dma_start3A_504 = tpu.memref_slice %arg15[%dma_start3A_502, %dma_start3A_503] : memref<6x16xf32, #tpu.memory_space<hbm>> -> memref<6x16xf32, #tpu.memory_space<hbm>>
    tpu.enqueue_indirect_dma source(%dma_start3A_504 : memref<6x16xf32, #tpu.memory_space<hbm>>) target(%dma_start3A_499 : memref<128x16xf32, #tpu.memory_space<vmem>>) offsets(%dma_start3A_501 : memref<128xi32, #tpu.memory_space<vmem>>) semaphore(%arg44 : memref<!tpu.dma_semaphore, #tpu.memory_space<semaphore_mem>>)
    %dma_start3A_505 = arith.constant 384 : i32
    %dma_start3A_506 = arith.constant 0 : i32
    %dma_start3A_507 = tpu.memref_slice %arg39[%dma_start3A_505, %dma_start3A_506] : memref<512x16xf32, #tpu.memory_space<vmem>> -> memref<128x16xf32, #tpu.memory_space<vmem>>
    %dma_start3A_508 = arith.constant 384 : i32
    %dma_start3A_509 = tpu.memref_slice %arg31[%dma_start3A_508] : memref<512xi32, #tpu.memory_space<vmem>> -> memref<128xi32, #tpu.memory_space<vmem>>
    %dma_start3A_510 = arith.constant 0 : i32
    %dma_start3A_511 = arith.constant 0 : i32
    %dma_start3A_512 = tpu.memref_slice %arg15[%dma_start3A_510, %dma_start3A_511] : memref<6x16xf32, #tpu.memory_space<hbm>> -> memref<6x16xf32, #tpu.memory_space<hbm>>
    tpu.enqueue_indirect_dma source(%dma_start3A_512 : memref<6x16xf32, #tpu.memory_space<hbm>>) target(%dma_start3A_507 : memref<128x16xf32, #tpu.memory_space<vmem>>) offsets(%dma_start3A_509 : memref<128xi32, #tpu.memory_space<vmem>>) semaphore(%arg44 : memref<!tpu.dma_semaphore, #tpu.memory_space<semaphore_mem>>)
    %dma_start3A_513 = arith.constant 0 : i32
    %dma_start3A_514 = arith.constant 0 : i32
    %dma_start3A_515 = tpu.memref_slice %arg40[%dma_start3A_513, %dma_start3A_514] : memref<512x16xf32, #tpu.memory_space<vmem>> -> memref<128x16xf32, #tpu.memory_space<vmem>>
    %dma_start3A_516 = arith.constant 0 : i32
    %dma_start3A_517 = tpu.memref_slice %arg32[%dma_start3A_516] : memref<512xi32, #tpu.memory_space<vmem>> -> memref<128xi32, #tpu.memory_space<vmem>>
    %dma_start3A_518 = arith.constant 0 : i32
    %dma_start3A_519 = arith.constant 0 : i32
    %dma_start3A_520 = tpu.memref_slice %arg14[%dma_start3A_518, %dma_start3A_519] : memref<6x16xf32, #tpu.memory_space<hbm>> -> memref<6x16xf32, #tpu.memory_space<hbm>>
    tpu.enqueue_indirect_dma source(%dma_start3A_520 : memref<6x16xf32, #tpu.memory_space<hbm>>) target(%dma_start3A_515 : memref<128x16xf32, #tpu.memory_space<vmem>>) offsets(%dma_start3A_517 : memref<128xi32, #tpu.memory_space<vmem>>) semaphore(%arg44 : memref<!tpu.dma_semaphore, #tpu.memory_space<semaphore_mem>>)
    %dma_start3A_521 = arith.constant 128 : i32
    %dma_start3A_522 = arith.constant 0 : i32
    %dma_start3A_523 = tpu.memref_slice %arg40[%dma_start3A_521, %dma_start3A_522] : memref<512x16xf32, #tpu.memory_space<vmem>> -> memref<128x16xf32, #tpu.memory_space<vmem>>
    %dma_start3A_524 = arith.constant 128 : i32
    %dma_start3A_525 = tpu.memref_slice %arg32[%dma_start3A_524] : memref<512xi32, #tpu.memory_space<vmem>> -> memref<128xi32, #tpu.memory_space<vmem>>
    %dma_start3A_526 = arith.constant 0 : i32
    %dma_start3A_527 = arith.constant 0 : i32
    %dma_start3A_528 = tpu.memref_slice %arg14[%dma_start3A_526, %dma_start3A_527] : memref<6x16xf32, #tpu.memory_space<hbm>> -> memref<6x16xf32, #tpu.memory_space<hbm>>
    tpu.enqueue_indirect_dma source(%dma_start3A_528 : memref<6x16xf32, #tpu.memory_space<hbm>>) target(%dma_start3A_523 : memref<128x16xf32, #tpu.memory_space<vmem>>) offsets(%dma_start3A_525 : memref<128xi32, #tpu.memory_space<vmem>>) semaphore(%arg44 : memref<!tpu.dma_semaphore, #tpu.memory_space<semaphore_mem>>)
    %dma_start3A_529 = arith.constant 256 : i32
    %dma_start3A_530 = arith.constant 0 : i32
    %dma_start3A_531 = tpu.memref_slice %arg40[%dma_start3A_529, %dma_start3A_530] : memref<512x16xf32, #tpu.memory_space<vmem>> -> memref<128x16xf32, #tpu.memory_space<vmem>>
    %dma_start3A_532 = arith.constant 256 : i32
    %dma_start3A_533 = tpu.memref_slice %arg32[%dma_start3A_532] : memref<512xi32, #tpu.memory_space<vmem>> -> memref<128xi32, #tpu.memory_space<vmem>>
    %dma_start3A_534 = arith.constant 0 : i32
    %dma_start3A_535 = arith.constant 0 : i32
    %dma_start3A_536 = tpu.memref_slice %arg14[%dma_start3A_534, %dma_start3A_535] : memref<6x16xf32, #tpu.memory_space<hbm>> -> memref<6x16xf32, #tpu.memory_space<hbm>>
    tpu.enqueue_indirect_dma source(%dma_start3A_536 : memref<6x16xf32, #tpu.memory_space<hbm>>) target(%dma_start3A_531 : memref<128x16xf32, #tpu.memory_space<vmem>>) offsets(%dma_start3A_533 : memref<128xi32, #tpu.memory_space<vmem>>) semaphore(%arg44 : memref<!tpu.dma_semaphore, #tpu.memory_space<semaphore_mem>>)
    %dma_start3A_537 = arith.constant 384 : i32
    %dma_start3A_538 = arith.constant 0 : i32
    %dma_start3A_539 = tpu.memref_slice %arg40[%dma_start3A_537, %dma_start3A_538] : memref<512x16xf32, #tpu.memory_space<vmem>> -> memref<128x16xf32, #tpu.memory_space<vmem>>
    %dma_start3A_540 = arith.constant 384 : i32
    %dma_start3A_541 = tpu.memref_slice %arg32[%dma_start3A_540] : memref<512xi32, #tpu.memory_space<vmem>> -> memref<128xi32, #tpu.memory_space<vmem>>
    %dma_start3A_542 = arith.constant 0 : i32
    %dma_start3A_543 = arith.constant 0 : i32
    %dma_start3A_544 = tpu.memref_slice %arg14[%dma_start3A_542, %dma_start3A_543] : memref<6x16xf32, #tpu.memory_space<hbm>> -> memref<6x16xf32, #tpu.memory_space<hbm>>
    tpu.enqueue_indirect_dma source(%dma_start3A_544 : memref<6x16xf32, #tpu.memory_space<hbm>>) target(%dma_start3A_539 : memref<128x16xf32, #tpu.memory_space<vmem>>) offsets(%dma_start3A_541 : memref<128xi32, #tpu.memory_space<vmem>>) semaphore(%arg44 : memref<!tpu.dma_semaphore, #tpu.memory_space<semaphore_mem>>)
    %dma_start3A_545 = arith.constant 0 : i32
    %dma_start3A_546 = arith.constant 0 : i32
    %dma_start3A_547 = tpu.memref_slice %arg41[%dma_start3A_545, %dma_start3A_546] : memref<512x16xf32, #tpu.memory_space<vmem>> -> memref<128x16xf32, #tpu.memory_space<vmem>>
    %dma_start3A_548 = arith.constant 0 : i32
    %dma_start3A_549 = tpu.memref_slice %arg33[%dma_start3A_548] : memref<512xi32, #tpu.memory_space<vmem>> -> memref<128xi32, #tpu.memory_space<vmem>>
    %dma_start3A_550 = arith.constant 0 : i32
    %dma_start3A_551 = arith.constant 0 : i32
    %dma_start3A_552 = tpu.memref_slice %arg16[%dma_start3A_550, %dma_start3A_551] : memref<5x16xf32, #tpu.memory_space<hbm>> -> memref<5x16xf32, #tpu.memory_space<hbm>>
    tpu.enqueue_indirect_dma source(%dma_start3A_552 : memref<5x16xf32, #tpu.memory_space<hbm>>) target(%dma_start3A_547 : memref<128x16xf32, #tpu.memory_space<vmem>>) offsets(%dma_start3A_549 : memref<128xi32, #tpu.memory_space<vmem>>) semaphore(%arg44 : memref<!tpu.dma_semaphore, #tpu.memory_space<semaphore_mem>>)
    %dma_start3A_553 = arith.constant 128 : i32
    %dma_start3A_554 = arith.constant 0 : i32
    %dma_start3A_555 = tpu.memref_slice %arg41[%dma_start3A_553, %dma_start3A_554] : memref<512x16xf32, #tpu.memory_space<vmem>> -> memref<128x16xf32, #tpu.memory_space<vmem>>
    %dma_start3A_556 = arith.constant 128 : i32
    %dma_start3A_557 = tpu.memref_slice %arg33[%dma_start3A_556] : memref<512xi32, #tpu.memory_space<vmem>> -> memref<128xi32, #tpu.memory_space<vmem>>
    %dma_start3A_558 = arith.constant 0 : i32
    %dma_start3A_559 = arith.constant 0 : i32
    %dma_start3A_560 = tpu.memref_slice %arg16[%dma_start3A_558, %dma_start3A_559] : memref<5x16xf32, #tpu.memory_space<hbm>> -> memref<5x16xf32, #tpu.memory_space<hbm>>
    tpu.enqueue_indirect_dma source(%dma_start3A_560 : memref<5x16xf32, #tpu.memory_space<hbm>>) target(%dma_start3A_555 : memref<128x16xf32, #tpu.memory_space<vmem>>) offsets(%dma_start3A_557 : memref<128xi32, #tpu.memory_space<vmem>>) semaphore(%arg44 : memref<!tpu.dma_semaphore, #tpu.memory_space<semaphore_mem>>)
    %dma_start3A_561 = arith.constant 256 : i32
    %dma_start3A_562 = arith.constant 0 : i32
    %dma_start3A_563 = tpu.memref_slice %arg41[%dma_start3A_561, %dma_start3A_562] : memref<512x16xf32, #tpu.memory_space<vmem>> -> memref<128x16xf32, #tpu.memory_space<vmem>>
    %dma_start3A_564 = arith.constant 256 : i32
    %dma_start3A_565 = tpu.memref_slice %arg33[%dma_start3A_564] : memref<512xi32, #tpu.memory_space<vmem>> -> memref<128xi32, #tpu.memory_space<vmem>>
    %dma_start3A_566 = arith.constant 0 : i32
    %dma_start3A_567 = arith.constant 0 : i32
    %dma_start3A_568 = tpu.memref_slice %arg16[%dma_start3A_566, %dma_start3A_567] : memref<5x16xf32, #tpu.memory_space<hbm>> -> memref<5x16xf32, #tpu.memory_space<hbm>>
    tpu.enqueue_indirect_dma source(%dma_start3A_568 : memref<5x16xf32, #tpu.memory_space<hbm>>) target(%dma_start3A_563 : memref<128x16xf32, #tpu.memory_space<vmem>>) offsets(%dma_start3A_565 : memref<128xi32, #tpu.memory_space<vmem>>) semaphore(%arg44 : memref<!tpu.dma_semaphore, #tpu.memory_space<semaphore_mem>>)
    %dma_start3A_569 = arith.constant 384 : i32
    %dma_start3A_570 = arith.constant 0 : i32
    %dma_start3A_571 = tpu.memref_slice %arg41[%dma_start3A_569, %dma_start3A_570] : memref<512x16xf32, #tpu.memory_space<vmem>> -> memref<128x16xf32, #tpu.memory_space<vmem>>
    %dma_start3A_572 = arith.constant 384 : i32
    %dma_start3A_573 = tpu.memref_slice %arg33[%dma_start3A_572] : memref<512xi32, #tpu.memory_space<vmem>> -> memref<128xi32, #tpu.memory_space<vmem>>
    %dma_start3A_574 = arith.constant 0 : i32
    %dma_start3A_575 = arith.constant 0 : i32
    %dma_start3A_576 = tpu.memref_slice %arg16[%dma_start3A_574, %dma_start3A_575] : memref<5x16xf32, #tpu.memory_space<hbm>> -> memref<5x16xf32, #tpu.memory_space<hbm>>
    tpu.enqueue_indirect_dma source(%dma_start3A_576 : memref<5x16xf32, #tpu.memory_space<hbm>>) target(%dma_start3A_571 : memref<128x16xf32, #tpu.memory_space<vmem>>) offsets(%dma_start3A_573 : memref<128xi32, #tpu.memory_space<vmem>>) semaphore(%arg44 : memref<!tpu.dma_semaphore, #tpu.memory_space<semaphore_mem>>)
    %dma_start3A_577 = arith.constant 0 : i32
    %dma_start3A_578 = arith.constant 0 : i32
    %dma_start3A_579 = tpu.memref_slice %arg42[%dma_start3A_577, %dma_start3A_578] : memref<512x16xf32, #tpu.memory_space<vmem>> -> memref<128x16xf32, #tpu.memory_space<vmem>>
    %dma_start3A_580 = arith.constant 0 : i32
    %dma_start3A_581 = tpu.memref_slice %arg34[%dma_start3A_580] : memref<512xi32, #tpu.memory_space<vmem>> -> memref<128xi32, #tpu.memory_space<vmem>>
    %dma_start3A_582 = arith.constant 0 : i32
    %dma_start3A_583 = arith.constant 0 : i32
    %dma_start3A_584 = tpu.memref_slice %arg17[%dma_start3A_582, %dma_start3A_583] : memref<11x16xf32, #tpu.memory_space<hbm>> -> memref<11x16xf32, #tpu.memory_space<hbm>>
    tpu.enqueue_indirect_dma source(%dma_start3A_584 : memref<11x16xf32, #tpu.memory_space<hbm>>) target(%dma_start3A_579 : memref<128x16xf32, #tpu.memory_space<vmem>>) offsets(%dma_start3A_581 : memref<128xi32, #tpu.memory_space<vmem>>) semaphore(%arg44 : memref<!tpu.dma_semaphore, #tpu.memory_space<semaphore_mem>>)
    %dma_start3A_585 = arith.constant 128 : i32
    %dma_start3A_586 = arith.constant 0 : i32
    %dma_start3A_587 = tpu.memref_slice %arg42[%dma_start3A_585, %dma_start3A_586] : memref<512x16xf32, #tpu.memory_space<vmem>> -> memref<128x16xf32, #tpu.memory_space<vmem>>
    %dma_start3A_588 = arith.constant 128 : i32
    %dma_start3A_589 = tpu.memref_slice %arg34[%dma_start3A_588] : memref<512xi32, #tpu.memory_space<vmem>> -> memref<128xi32, #tpu.memory_space<vmem>>
    %dma_start3A_590 = arith.constant 0 : i32
    %dma_start3A_591 = arith.constant 0 : i32
    %dma_start3A_592 = tpu.memref_slice %arg17[%dma_start3A_590, %dma_start3A_591] : memref<11x16xf32, #tpu.memory_space<hbm>> -> memref<11x16xf32, #tpu.memory_space<hbm>>
    tpu.enqueue_indirect_dma source(%dma_start3A_592 : memref<11x16xf32, #tpu.memory_space<hbm>>) target(%dma_start3A_587 : memref<128x16xf32, #tpu.memory_space<vmem>>) offsets(%dma_start3A_589 : memref<128xi32, #tpu.memory_space<vmem>>) semaphore(%arg44 : memref<!tpu.dma_semaphore, #tpu.memory_space<semaphore_mem>>)
    %dma_start3A_593 = arith.constant 256 : i32
    %dma_start3A_594 = arith.constant 0 : i32
    %dma_start3A_595 = tpu.memref_slice %arg42[%dma_start3A_593, %dma_start3A_594] : memref<512x16xf32, #tpu.memory_space<vmem>> -> memref<128x16xf32, #tpu.memory_space<vmem>>
    %dma_start3A_596 = arith.constant 256 : i32
    %dma_start3A_597 = tpu.memref_slice %arg34[%dma_start3A_596] : memref<512xi32, #tpu.memory_space<vmem>> -> memref<128xi32, #tpu.memory_space<vmem>>
    %dma_start3A_598 = arith.constant 0 : i32
    %dma_start3A_599 = arith.constant 0 : i32
    %dma_start3A_600 = tpu.memref_slice %arg17[%dma_start3A_598, %dma_start3A_599] : memref<11x16xf32, #tpu.memory_space<hbm>> -> memref<11x16xf32, #tpu.memory_space<hbm>>
    tpu.enqueue_indirect_dma source(%dma_start3A_600 : memref<11x16xf32, #tpu.memory_space<hbm>>) target(%dma_start3A_595 : memref<128x16xf32, #tpu.memory_space<vmem>>) offsets(%dma_start3A_597 : memref<128xi32, #tpu.memory_space<vmem>>) semaphore(%arg44 : memref<!tpu.dma_semaphore, #tpu.memory_space<semaphore_mem>>)
    %dma_start3A_601 = arith.constant 384 : i32
    %dma_start3A_602 = arith.constant 0 : i32
    %dma_start3A_603 = tpu.memref_slice %arg42[%dma_start3A_601, %dma_start3A_602] : memref<512x16xf32, #tpu.memory_space<vmem>> -> memref<128x16xf32, #tpu.memory_space<vmem>>
    %dma_start3A_604 = arith.constant 384 : i32
    %dma_start3A_605 = tpu.memref_slice %arg34[%dma_start3A_604] : memref<512xi32, #tpu.memory_space<vmem>> -> memref<128xi32, #tpu.memory_space<vmem>>
    %dma_start3A_606 = arith.constant 0 : i32
    %dma_start3A_607 = arith.constant 0 : i32
    %dma_start3A_608 = tpu.memref_slice %arg17[%dma_start3A_606, %dma_start3A_607] : memref<11x16xf32, #tpu.memory_space<hbm>> -> memref<11x16xf32, #tpu.memory_space<hbm>>
    tpu.enqueue_indirect_dma source(%dma_start3A_608 : memref<11x16xf32, #tpu.memory_space<hbm>>) target(%dma_start3A_603 : memref<128x16xf32, #tpu.memory_space<vmem>>) offsets(%dma_start3A_605 : memref<128xi32, #tpu.memory_space<vmem>>) semaphore(%arg44 : memref<!tpu.dma_semaphore, #tpu.memory_space<semaphore_mem>>)
    %dma_start3A_609 = arith.constant 0 : i32
    %dma_start3A_610 = arith.constant 0 : i32
    %dma_start3A_611 = tpu.memref_slice %arg43[%dma_start3A_609, %dma_start3A_610] : memref<512x16xf32, #tpu.memory_space<vmem>> -> memref<128x16xf32, #tpu.memory_space<vmem>>
    %dma_start3A_612 = arith.constant 0 : i32
    %dma_start3A_613 = tpu.memref_slice %arg35[%dma_start3A_612] : memref<512xi32, #tpu.memory_space<vmem>> -> memref<128xi32, #tpu.memory_space<vmem>>
    %dma_start3A_614 = arith.constant 0 : i32
    %dma_start3A_615 = arith.constant 0 : i32
    %dma_start3A_616 = tpu.memref_slice %arg18[%dma_start3A_614, %dma_start3A_615] : memref<18060x16xf32, #tpu.memory_space<hbm>> -> memref<18060x16xf32, #tpu.memory_space<hbm>>
    tpu.enqueue_indirect_dma source(%dma_start3A_616 : memref<18060x16xf32, #tpu.memory_space<hbm>>) target(%dma_start3A_611 : memref<128x16xf32, #tpu.memory_space<vmem>>) offsets(%dma_start3A_613 : memref<128xi32, #tpu.memory_space<vmem>>) semaphore(%arg44 : memref<!tpu.dma_semaphore, #tpu.memory_space<semaphore_mem>>)
    %dma_start3A_617 = arith.constant 128 : i32
    %dma_start3A_618 = arith.constant 0 : i32
    %dma_start3A_619 = tpu.memref_slice %arg43[%dma_start3A_617, %dma_start3A_618] : memref<512x16xf32, #tpu.memory_space<vmem>> -> memref<128x16xf32, #tpu.memory_space<vmem>>
    %dma_start3A_620 = arith.constant 128 : i32
    %dma_start3A_621 = tpu.memref_slice %arg35[%dma_start3A_620] : memref<512xi32, #tpu.memory_space<vmem>> -> memref<128xi32, #tpu.memory_space<vmem>>
    %dma_start3A_622 = arith.constant 0 : i32
    %dma_start3A_623 = arith.constant 0 : i32
    %dma_start3A_624 = tpu.memref_slice %arg18[%dma_start3A_622, %dma_start3A_623] : memref<18060x16xf32, #tpu.memory_space<hbm>> -> memref<18060x16xf32, #tpu.memory_space<hbm>>
    tpu.enqueue_indirect_dma source(%dma_start3A_624 : memref<18060x16xf32, #tpu.memory_space<hbm>>) target(%dma_start3A_619 : memref<128x16xf32, #tpu.memory_space<vmem>>) offsets(%dma_start3A_621 : memref<128xi32, #tpu.memory_space<vmem>>) semaphore(%arg44 : memref<!tpu.dma_semaphore, #tpu.memory_space<semaphore_mem>>)
    %dma_start3A_625 = arith.constant 256 : i32
    %dma_start3A_626 = arith.constant 0 : i32
    %dma_start3A_627 = tpu.memref_slice %arg43[%dma_start3A_625, %dma_start3A_626] : memref<512x16xf32, #tpu.memory_space<vmem>> -> memref<128x16xf32, #tpu.memory_space<vmem>>
    %dma_start3A_628 = arith.constant 256 : i32
    %dma_start3A_629 = tpu.memref_slice %arg35[%dma_start3A_628] : memref<512xi32, #tpu.memory_space<vmem>> -> memref<128xi32, #tpu.memory_space<vmem>>
    %dma_start3A_630 = arith.constant 0 : i32
    %dma_start3A_631 = arith.constant 0 : i32
    %dma_start3A_632 = tpu.memref_slice %arg18[%dma_start3A_630, %dma_start3A_631] : memref<18060x16xf32, #tpu.memory_space<hbm>> -> memref<18060x16xf32, #tpu.memory_space<hbm>>
    tpu.enqueue_indirect_dma source(%dma_start3A_632 : memref<18060x16xf32, #tpu.memory_space<hbm>>) target(%dma_start3A_627 : memref<128x16xf32, #tpu.memory_space<vmem>>) offsets(%dma_start3A_629 : memref<128xi32, #tpu.memory_space<vmem>>) semaphore(%arg44 : memref<!tpu.dma_semaphore, #tpu.memory_space<semaphore_mem>>)
    %dma_start3A_633 = arith.constant 384 : i32
    %dma_start3A_634 = arith.constant 0 : i32
    %dma_start3A_635 = tpu.memref_slice %arg43[%dma_start3A_633, %dma_start3A_634] : memref<512x16xf32, #tpu.memory_space<vmem>> -> memref<128x16xf32, #tpu.memory_space<vmem>>
    %dma_start3A_636 = arith.constant 384 : i32
    %dma_start3A_637 = tpu.memref_slice %arg35[%dma_start3A_636] : memref<512xi32, #tpu.memory_space<vmem>> -> memref<128xi32, #tpu.memory_space<vmem>>
    %dma_start3A_638 = arith.constant 0 : i32
    %dma_start3A_639 = arith.constant 0 : i32
    %dma_start3A_640 = tpu.memref_slice %arg18[%dma_start3A_638, %dma_start3A_639] : memref<18060x16xf32, #tpu.memory_space<hbm>> -> memref<18060x16xf32, #tpu.memory_space<hbm>>
    tpu.enqueue_indirect_dma source(%dma_start3A_640 : memref<18060x16xf32, #tpu.memory_space<hbm>>) target(%dma_start3A_635 : memref<128x16xf32, #tpu.memory_space<vmem>>) offsets(%dma_start3A_637 : memref<128xi32, #tpu.memory_space<vmem>>) semaphore(%arg44 : memref<!tpu.dma_semaphore, #tpu.memory_space<semaphore_mem>>)
    %dma_wait3A_641 = arith.constant 0 : i32
    %dma_wait3A_642 = arith.constant 0 : i32
    %dma_wait3A_643 = tpu.memref_slice %arg36[%dma_wait3A_641, %dma_wait3A_642] : memref<512x16xf32, #tpu.memory_space<vmem>> -> memref<128x16xf32, #tpu.memory_space<vmem>>
    %dma_wait3A_644 = arith.constant 0 : i32
    %dma_wait3A_645 = tpu.memref_slice %arg28[%dma_wait3A_644] : memref<512xi32, #tpu.memory_space<vmem>> -> memref<128xi32, #tpu.memory_space<vmem>>
    %dma_wait3A_646 = arith.constant 0 : i32
    %dma_wait3A_647 = arith.constant 0 : i32
    %dma_wait3A_648 = tpu.memref_slice %arg11[%dma_wait3A_646, %dma_wait3A_647] : memref<278913x16xf32, #tpu.memory_space<hbm>> -> memref<278913x16xf32, #tpu.memory_space<hbm>>
    tpu.wait_indirect_dma semaphore(%arg44 : memref<!tpu.dma_semaphore, #tpu.memory_space<semaphore_mem>>) src(%dma_wait3A_648 : memref<278913x16xf32, #tpu.memory_space<hbm>>) dst(%dma_wait3A_643 : memref<128x16xf32, #tpu.memory_space<vmem>>)
    %dma_wait3A_649 = arith.constant 128 : i32
    %dma_wait3A_650 = arith.constant 0 : i32
    %dma_wait3A_651 = tpu.memref_slice %arg36[%dma_wait3A_649, %dma_wait3A_650] : memref<512x16xf32, #tpu.memory_space<vmem>> -> memref<128x16xf32, #tpu.memory_space<vmem>>
    %dma_wait3A_652 = arith.constant 128 : i32
    %dma_wait3A_653 = tpu.memref_slice %arg28[%dma_wait3A_652] : memref<512xi32, #tpu.memory_space<vmem>> -> memref<128xi32, #tpu.memory_space<vmem>>
    %dma_wait3A_654 = arith.constant 0 : i32
    %dma_wait3A_655 = arith.constant 0 : i32
    %dma_wait3A_656 = tpu.memref_slice %arg11[%dma_wait3A_654, %dma_wait3A_655] : memref<278913x16xf32, #tpu.memory_space<hbm>> -> memref<278913x16xf32, #tpu.memory_space<hbm>>
    tpu.wait_indirect_dma semaphore(%arg44 : memref<!tpu.dma_semaphore, #tpu.memory_space<semaphore_mem>>) src(%dma_wait3A_656 : memref<278913x16xf32, #tpu.memory_space<hbm>>) dst(%dma_wait3A_651 : memref<128x16xf32, #tpu.memory_space<vmem>>)
    %dma_wait3A_657 = arith.constant 256 : i32
    %dma_wait3A_658 = arith.constant 0 : i32
    %dma_wait3A_659 = tpu.memref_slice %arg36[%dma_wait3A_657, %dma_wait3A_658] : memref<512x16xf32, #tpu.memory_space<vmem>> -> memref<128x16xf32, #tpu.memory_space<vmem>>
    %dma_wait3A_660 = arith.constant 256 : i32
    %dma_wait3A_661 = tpu.memref_slice %arg28[%dma_wait3A_660] : memref<512xi32, #tpu.memory_space<vmem>> -> memref<128xi32, #tpu.memory_space<vmem>>
    %dma_wait3A_662 = arith.constant 0 : i32
    %dma_wait3A_663 = arith.constant 0 : i32
    %dma_wait3A_664 = tpu.memref_slice %arg11[%dma_wait3A_662, %dma_wait3A_663] : memref<278913x16xf32, #tpu.memory_space<hbm>> -> memref<278913x16xf32, #tpu.memory_space<hbm>>
    tpu.wait_indirect_dma semaphore(%arg44 : memref<!tpu.dma_semaphore, #tpu.memory_space<semaphore_mem>>) src(%dma_wait3A_664 : memref<278913x16xf32, #tpu.memory_space<hbm>>) dst(%dma_wait3A_659 : memref<128x16xf32, #tpu.memory_space<vmem>>)
    %dma_wait3A_665 = arith.constant 384 : i32
    %dma_wait3A_666 = arith.constant 0 : i32
    %dma_wait3A_667 = tpu.memref_slice %arg36[%dma_wait3A_665, %dma_wait3A_666] : memref<512x16xf32, #tpu.memory_space<vmem>> -> memref<128x16xf32, #tpu.memory_space<vmem>>
    %dma_wait3A_668 = arith.constant 384 : i32
    %dma_wait3A_669 = tpu.memref_slice %arg28[%dma_wait3A_668] : memref<512xi32, #tpu.memory_space<vmem>> -> memref<128xi32, #tpu.memory_space<vmem>>
    %dma_wait3A_670 = arith.constant 0 : i32
    %dma_wait3A_671 = arith.constant 0 : i32
    %dma_wait3A_672 = tpu.memref_slice %arg11[%dma_wait3A_670, %dma_wait3A_671] : memref<278913x16xf32, #tpu.memory_space<hbm>> -> memref<278913x16xf32, #tpu.memory_space<hbm>>
    tpu.wait_indirect_dma semaphore(%arg44 : memref<!tpu.dma_semaphore, #tpu.memory_space<semaphore_mem>>) src(%dma_wait3A_672 : memref<278913x16xf32, #tpu.memory_space<hbm>>) dst(%dma_wait3A_667 : memref<128x16xf32, #tpu.memory_space<vmem>>)
    %dma_wait3A_673 = arith.constant 0 : i32
    %dma_wait3A_674 = arith.constant 0 : i32
    %dma_wait3A_675 = tpu.memref_slice %arg37[%dma_wait3A_673, %dma_wait3A_674] : memref<512x16xf32, #tpu.memory_space<vmem>> -> memref<128x16xf32, #tpu.memory_space<vmem>>
    %dma_wait3A_676 = arith.constant 0 : i32
    %dma_wait3A_677 = tpu.memref_slice %arg29[%dma_wait3A_676] : memref<512xi32, #tpu.memory_space<vmem>> -> memref<128xi32, #tpu.memory_space<vmem>>
    %dma_wait3A_678 = arith.constant 0 : i32
    %dma_wait3A_679 = arith.constant 0 : i32
    %dma_wait3A_680 = tpu.memref_slice %arg12[%dma_wait3A_678, %dma_wait3A_679] : memref<7015x16xf32, #tpu.memory_space<hbm>> -> memref<7015x16xf32, #tpu.memory_space<hbm>>
    tpu.wait_indirect_dma semaphore(%arg44 : memref<!tpu.dma_semaphore, #tpu.memory_space<semaphore_mem>>) src(%dma_wait3A_680 : memref<7015x16xf32, #tpu.memory_space<hbm>>) dst(%dma_wait3A_675 : memref<128x16xf32, #tpu.memory_space<vmem>>)
    %dma_wait3A_681 = arith.constant 128 : i32
    %dma_wait3A_682 = arith.constant 0 : i32
    %dma_wait3A_683 = tpu.memref_slice %arg37[%dma_wait3A_681, %dma_wait3A_682] : memref<512x16xf32, #tpu.memory_space<vmem>> -> memref<128x16xf32, #tpu.memory_space<vmem>>
    %dma_wait3A_684 = arith.constant 128 : i32
    %dma_wait3A_685 = tpu.memref_slice %arg29[%dma_wait3A_684] : memref<512xi32, #tpu.memory_space<vmem>> -> memref<128xi32, #tpu.memory_space<vmem>>
    %dma_wait3A_686 = arith.constant 0 : i32
    %dma_wait3A_687 = arith.constant 0 : i32
    %dma_wait3A_688 = tpu.memref_slice %arg12[%dma_wait3A_686, %dma_wait3A_687] : memref<7015x16xf32, #tpu.memory_space<hbm>> -> memref<7015x16xf32, #tpu.memory_space<hbm>>
    tpu.wait_indirect_dma semaphore(%arg44 : memref<!tpu.dma_semaphore, #tpu.memory_space<semaphore_mem>>) src(%dma_wait3A_688 : memref<7015x16xf32, #tpu.memory_space<hbm>>) dst(%dma_wait3A_683 : memref<128x16xf32, #tpu.memory_space<vmem>>)
    %dma_wait3A_689 = arith.constant 256 : i32
    %dma_wait3A_690 = arith.constant 0 : i32
    %dma_wait3A_691 = tpu.memref_slice %arg37[%dma_wait3A_689, %dma_wait3A_690] : memref<512x16xf32, #tpu.memory_space<vmem>> -> memref<128x16xf32, #tpu.memory_space<vmem>>
    %dma_wait3A_692 = arith.constant 256 : i32
    %dma_wait3A_693 = tpu.memref_slice %arg29[%dma_wait3A_692] : memref<512xi32, #tpu.memory_space<vmem>> -> memref<128xi32, #tpu.memory_space<vmem>>
    %dma_wait3A_694 = arith.constant 0 : i32
    %dma_wait3A_695 = arith.constant 0 : i32
    %dma_wait3A_696 = tpu.memref_slice %arg12[%dma_wait3A_694, %dma_wait3A_695] : memref<7015x16xf32, #tpu.memory_space<hbm>> -> memref<7015x16xf32, #tpu.memory_space<hbm>>
    tpu.wait_indirect_dma semaphore(%arg44 : memref<!tpu.dma_semaphore, #tpu.memory_space<semaphore_mem>>) src(%dma_wait3A_696 : memref<7015x16xf32, #tpu.memory_space<hbm>>) dst(%dma_wait3A_691 : memref<128x16xf32, #tpu.memory_space<vmem>>)
    %dma_wait3A_697 = arith.constant 384 : i32
    %dma_wait3A_698 = arith.constant 0 : i32
    %dma_wait3A_699 = tpu.memref_slice %arg37[%dma_wait3A_697, %dma_wait3A_698] : memref<512x16xf32, #tpu.memory_space<vmem>> -> memref<128x16xf32, #tpu.memory_space<vmem>>
    %dma_wait3A_700 = arith.constant 384 : i32
    %dma_wait3A_701 = tpu.memref_slice %arg29[%dma_wait3A_700] : memref<512xi32, #tpu.memory_space<vmem>> -> memref<128xi32, #tpu.memory_space<vmem>>
    %dma_wait3A_702 = arith.constant 0 : i32
    %dma_wait3A_703 = arith.constant 0 : i32
    %dma_wait3A_704 = tpu.memref_slice %arg12[%dma_wait3A_702, %dma_wait3A_703] : memref<7015x16xf32, #tpu.memory_space<hbm>> -> memref<7015x16xf32, #tpu.memory_space<hbm>>
    tpu.wait_indirect_dma semaphore(%arg44 : memref<!tpu.dma_semaphore, #tpu.memory_space<semaphore_mem>>) src(%dma_wait3A_704 : memref<7015x16xf32, #tpu.memory_space<hbm>>) dst(%dma_wait3A_699 : memref<128x16xf32, #tpu.memory_space<vmem>>)
    %dma_wait3A_705 = arith.constant 0 : i32
    %dma_wait3A_706 = arith.constant 0 : i32
    %dma_wait3A_707 = tpu.memref_slice %arg38[%dma_wait3A_705, %dma_wait3A_706] : memref<512x16xf32, #tpu.memory_space<vmem>> -> memref<128x16xf32, #tpu.memory_space<vmem>>
    %dma_wait3A_708 = arith.constant 0 : i32
    %dma_wait3A_709 = tpu.memref_slice %arg30[%dma_wait3A_708] : memref<512xi32, #tpu.memory_space<vmem>> -> memref<128xi32, #tpu.memory_space<vmem>>
    %dma_wait3A_710 = arith.constant 0 : i32
    %dma_wait3A_711 = arith.constant 0 : i32
    %dma_wait3A_712 = tpu.memref_slice %arg13[%dma_wait3A_710, %dma_wait3A_711] : memref<107x16xf32, #tpu.memory_space<hbm>> -> memref<107x16xf32, #tpu.memory_space<hbm>>
    tpu.wait_indirect_dma semaphore(%arg44 : memref<!tpu.dma_semaphore, #tpu.memory_space<semaphore_mem>>) src(%dma_wait3A_712 : memref<107x16xf32, #tpu.memory_space<hbm>>) dst(%dma_wait3A_707 : memref<128x16xf32, #tpu.memory_space<vmem>>)
    %dma_wait3A_713 = arith.constant 128 : i32
    %dma_wait3A_714 = arith.constant 0 : i32
    %dma_wait3A_715 = tpu.memref_slice %arg38[%dma_wait3A_713, %dma_wait3A_714] : memref<512x16xf32, #tpu.memory_space<vmem>> -> memref<128x16xf32, #tpu.memory_space<vmem>>
    %dma_wait3A_716 = arith.constant 128 : i32
    %dma_wait3A_717 = tpu.memref_slice %arg30[%dma_wait3A_716] : memref<512xi32, #tpu.memory_space<vmem>> -> memref<128xi32, #tpu.memory_space<vmem>>
    %dma_wait3A_718 = arith.constant 0 : i32
    %dma_wait3A_719 = arith.constant 0 : i32
    %dma_wait3A_720 = tpu.memref_slice %arg13[%dma_wait3A_718, %dma_wait3A_719] : memref<107x16xf32, #tpu.memory_space<hbm>> -> memref<107x16xf32, #tpu.memory_space<hbm>>
    tpu.wait_indirect_dma semaphore(%arg44 : memref<!tpu.dma_semaphore, #tpu.memory_space<semaphore_mem>>) src(%dma_wait3A_720 : memref<107x16xf32, #tpu.memory_space<hbm>>) dst(%dma_wait3A_715 : memref<128x16xf32, #tpu.memory_space<vmem>>)
    %dma_wait3A_721 = arith.constant 256 : i32
    %dma_wait3A_722 = arith.constant 0 : i32
    %dma_wait3A_723 = tpu.memref_slice %arg38[%dma_wait3A_721, %dma_wait3A_722] : memref<512x16xf32, #tpu.memory_space<vmem>> -> memref<128x16xf32, #tpu.memory_space<vmem>>
    %dma_wait3A_724 = arith.constant 256 : i32
    %dma_wait3A_725 = tpu.memref_slice %arg30[%dma_wait3A_724] : memref<512xi32, #tpu.memory_space<vmem>> -> memref<128xi32, #tpu.memory_space<vmem>>
    %dma_wait3A_726 = arith.constant 0 : i32
    %dma_wait3A_727 = arith.constant 0 : i32
    %dma_wait3A_728 = tpu.memref_slice %arg13[%dma_wait3A_726, %dma_wait3A_727] : memref<107x16xf32, #tpu.memory_space<hbm>> -> memref<107x16xf32, #tpu.memory_space<hbm>>
    tpu.wait_indirect_dma semaphore(%arg44 : memref<!tpu.dma_semaphore, #tpu.memory_space<semaphore_mem>>) src(%dma_wait3A_728 : memref<107x16xf32, #tpu.memory_space<hbm>>) dst(%dma_wait3A_723 : memref<128x16xf32, #tpu.memory_space<vmem>>)
    %dma_wait3A_729 = arith.constant 384 : i32
    %dma_wait3A_730 = arith.constant 0 : i32
    %dma_wait3A_731 = tpu.memref_slice %arg38[%dma_wait3A_729, %dma_wait3A_730] : memref<512x16xf32, #tpu.memory_space<vmem>> -> memref<128x16xf32, #tpu.memory_space<vmem>>
    %dma_wait3A_732 = arith.constant 384 : i32
    %dma_wait3A_733 = tpu.memref_slice %arg30[%dma_wait3A_732] : memref<512xi32, #tpu.memory_space<vmem>> -> memref<128xi32, #tpu.memory_space<vmem>>
    %dma_wait3A_734 = arith.constant 0 : i32
    %dma_wait3A_735 = arith.constant 0 : i32
    %dma_wait3A_736 = tpu.memref_slice %arg13[%dma_wait3A_734, %dma_wait3A_735] : memref<107x16xf32, #tpu.memory_space<hbm>> -> memref<107x16xf32, #tpu.memory_space<hbm>>
    tpu.wait_indirect_dma semaphore(%arg44 : memref<!tpu.dma_semaphore, #tpu.memory_space<semaphore_mem>>) src(%dma_wait3A_736 : memref<107x16xf32, #tpu.memory_space<hbm>>) dst(%dma_wait3A_731 : memref<128x16xf32, #tpu.memory_space<vmem>>)
    %dma_wait3A_737 = arith.constant 0 : i32
    %dma_wait3A_738 = arith.constant 0 : i32
    %dma_wait3A_739 = tpu.memref_slice %arg39[%dma_wait3A_737, %dma_wait3A_738] : memref<512x16xf32, #tpu.memory_space<vmem>> -> memref<128x16xf32, #tpu.memory_space<vmem>>
    %dma_wait3A_740 = arith.constant 0 : i32
    %dma_wait3A_741 = tpu.memref_slice %arg31[%dma_wait3A_740] : memref<512xi32, #tpu.memory_space<vmem>> -> memref<128xi32, #tpu.memory_space<vmem>>
    %dma_wait3A_742 = arith.constant 0 : i32
    %dma_wait3A_743 = arith.constant 0 : i32
    %dma_wait3A_744 = tpu.memref_slice %arg15[%dma_wait3A_742, %dma_wait3A_743] : memref<6x16xf32, #tpu.memory_space<hbm>> -> memref<6x16xf32, #tpu.memory_space<hbm>>
    tpu.wait_indirect_dma semaphore(%arg44 : memref<!tpu.dma_semaphore, #tpu.memory_space<semaphore_mem>>) src(%dma_wait3A_744 : memref<6x16xf32, #tpu.memory_space<hbm>>) dst(%dma_wait3A_739 : memref<128x16xf32, #tpu.memory_space<vmem>>)
    %dma_wait3A_745 = arith.constant 128 : i32
    %dma_wait3A_746 = arith.constant 0 : i32
    %dma_wait3A_747 = tpu.memref_slice %arg39[%dma_wait3A_745, %dma_wait3A_746] : memref<512x16xf32, #tpu.memory_space<vmem>> -> memref<128x16xf32, #tpu.memory_space<vmem>>
    %dma_wait3A_748 = arith.constant 128 : i32
    %dma_wait3A_749 = tpu.memref_slice %arg31[%dma_wait3A_748] : memref<512xi32, #tpu.memory_space<vmem>> -> memref<128xi32, #tpu.memory_space<vmem>>
    %dma_wait3A_750 = arith.constant 0 : i32
    %dma_wait3A_751 = arith.constant 0 : i32
    %dma_wait3A_752 = tpu.memref_slice %arg15[%dma_wait3A_750, %dma_wait3A_751] : memref<6x16xf32, #tpu.memory_space<hbm>> -> memref<6x16xf32, #tpu.memory_space<hbm>>
    tpu.wait_indirect_dma semaphore(%arg44 : memref<!tpu.dma_semaphore, #tpu.memory_space<semaphore_mem>>) src(%dma_wait3A_752 : memref<6x16xf32, #tpu.memory_space<hbm>>) dst(%dma_wait3A_747 : memref<128x16xf32, #tpu.memory_space<vmem>>)
    %dma_wait3A_753 = arith.constant 256 : i32
    %dma_wait3A_754 = arith.constant 0 : i32
    %dma_wait3A_755 = tpu.memref_slice %arg39[%dma_wait3A_753, %dma_wait3A_754] : memref<512x16xf32, #tpu.memory_space<vmem>> -> memref<128x16xf32, #tpu.memory_space<vmem>>
    %dma_wait3A_756 = arith.constant 256 : i32
    %dma_wait3A_757 = tpu.memref_slice %arg31[%dma_wait3A_756] : memref<512xi32, #tpu.memory_space<vmem>> -> memref<128xi32, #tpu.memory_space<vmem>>
    %dma_wait3A_758 = arith.constant 0 : i32
    %dma_wait3A_759 = arith.constant 0 : i32
    %dma_wait3A_760 = tpu.memref_slice %arg15[%dma_wait3A_758, %dma_wait3A_759] : memref<6x16xf32, #tpu.memory_space<hbm>> -> memref<6x16xf32, #tpu.memory_space<hbm>>
    tpu.wait_indirect_dma semaphore(%arg44 : memref<!tpu.dma_semaphore, #tpu.memory_space<semaphore_mem>>) src(%dma_wait3A_760 : memref<6x16xf32, #tpu.memory_space<hbm>>) dst(%dma_wait3A_755 : memref<128x16xf32, #tpu.memory_space<vmem>>)
    %dma_wait3A_761 = arith.constant 384 : i32
    %dma_wait3A_762 = arith.constant 0 : i32
    %dma_wait3A_763 = tpu.memref_slice %arg39[%dma_wait3A_761, %dma_wait3A_762] : memref<512x16xf32, #tpu.memory_space<vmem>> -> memref<128x16xf32, #tpu.memory_space<vmem>>
    %dma_wait3A_764 = arith.constant 384 : i32
    %dma_wait3A_765 = tpu.memref_slice %arg31[%dma_wait3A_764] : memref<512xi32, #tpu.memory_space<vmem>> -> memref<128xi32, #tpu.memory_space<vmem>>
    %dma_wait3A_766 = arith.constant 0 : i32
    %dma_wait3A_767 = arith.constant 0 : i32
    %dma_wait3A_768 = tpu.memref_slice %arg15[%dma_wait3A_766, %dma_wait3A_767] : memref<6x16xf32, #tpu.memory_space<hbm>> -> memref<6x16xf32, #tpu.memory_space<hbm>>
    tpu.wait_indirect_dma semaphore(%arg44 : memref<!tpu.dma_semaphore, #tpu.memory_space<semaphore_mem>>) src(%dma_wait3A_768 : memref<6x16xf32, #tpu.memory_space<hbm>>) dst(%dma_wait3A_763 : memref<128x16xf32, #tpu.memory_space<vmem>>)
    %dma_wait3A_769 = arith.constant 0 : i32
    %dma_wait3A_770 = arith.constant 0 : i32
    %dma_wait3A_771 = tpu.memref_slice %arg40[%dma_wait3A_769, %dma_wait3A_770] : memref<512x16xf32, #tpu.memory_space<vmem>> -> memref<128x16xf32, #tpu.memory_space<vmem>>
    %dma_wait3A_772 = arith.constant 0 : i32
    %dma_wait3A_773 = tpu.memref_slice %arg32[%dma_wait3A_772] : memref<512xi32, #tpu.memory_space<vmem>> -> memref<128xi32, #tpu.memory_space<vmem>>
    %dma_wait3A_774 = arith.constant 0 : i32
    %dma_wait3A_775 = arith.constant 0 : i32
    %dma_wait3A_776 = tpu.memref_slice %arg14[%dma_wait3A_774, %dma_wait3A_775] : memref<6x16xf32, #tpu.memory_space<hbm>> -> memref<6x16xf32, #tpu.memory_space<hbm>>
    tpu.wait_indirect_dma semaphore(%arg44 : memref<!tpu.dma_semaphore, #tpu.memory_space<semaphore_mem>>) src(%dma_wait3A_776 : memref<6x16xf32, #tpu.memory_space<hbm>>) dst(%dma_wait3A_771 : memref<128x16xf32, #tpu.memory_space<vmem>>)
    %dma_wait3A_777 = arith.constant 128 : i32
    %dma_wait3A_778 = arith.constant 0 : i32
    %dma_wait3A_779 = tpu.memref_slice %arg40[%dma_wait3A_777, %dma_wait3A_778] : memref<512x16xf32, #tpu.memory_space<vmem>> -> memref<128x16xf32, #tpu.memory_space<vmem>>
    %dma_wait3A_780 = arith.constant 128 : i32
    %dma_wait3A_781 = tpu.memref_slice %arg32[%dma_wait3A_780] : memref<512xi32, #tpu.memory_space<vmem>> -> memref<128xi32, #tpu.memory_space<vmem>>
    %dma_wait3A_782 = arith.constant 0 : i32
    %dma_wait3A_783 = arith.constant 0 : i32
    %dma_wait3A_784 = tpu.memref_slice %arg14[%dma_wait3A_782, %dma_wait3A_783] : memref<6x16xf32, #tpu.memory_space<hbm>> -> memref<6x16xf32, #tpu.memory_space<hbm>>
    tpu.wait_indirect_dma semaphore(%arg44 : memref<!tpu.dma_semaphore, #tpu.memory_space<semaphore_mem>>) src(%dma_wait3A_784 : memref<6x16xf32, #tpu.memory_space<hbm>>) dst(%dma_wait3A_779 : memref<128x16xf32, #tpu.memory_space<vmem>>)
    %dma_wait3A_785 = arith.constant 256 : i32
    %dma_wait3A_786 = arith.constant 0 : i32
    %dma_wait3A_787 = tpu.memref_slice %arg40[%dma_wait3A_785, %dma_wait3A_786] : memref<512x16xf32, #tpu.memory_space<vmem>> -> memref<128x16xf32, #tpu.memory_space<vmem>>
    %dma_wait3A_788 = arith.constant 256 : i32
    %dma_wait3A_789 = tpu.memref_slice %arg32[%dma_wait3A_788] : memref<512xi32, #tpu.memory_space<vmem>> -> memref<128xi32, #tpu.memory_space<vmem>>
    %dma_wait3A_790 = arith.constant 0 : i32
    %dma_wait3A_791 = arith.constant 0 : i32
    %dma_wait3A_792 = tpu.memref_slice %arg14[%dma_wait3A_790, %dma_wait3A_791] : memref<6x16xf32, #tpu.memory_space<hbm>> -> memref<6x16xf32, #tpu.memory_space<hbm>>
    tpu.wait_indirect_dma semaphore(%arg44 : memref<!tpu.dma_semaphore, #tpu.memory_space<semaphore_mem>>) src(%dma_wait3A_792 : memref<6x16xf32, #tpu.memory_space<hbm>>) dst(%dma_wait3A_787 : memref<128x16xf32, #tpu.memory_space<vmem>>)
    %dma_wait3A_793 = arith.constant 384 : i32
    %dma_wait3A_794 = arith.constant 0 : i32
    %dma_wait3A_795 = tpu.memref_slice %arg40[%dma_wait3A_793, %dma_wait3A_794] : memref<512x16xf32, #tpu.memory_space<vmem>> -> memref<128x16xf32, #tpu.memory_space<vmem>>
    %dma_wait3A_796 = arith.constant 384 : i32
    %dma_wait3A_797 = tpu.memref_slice %arg32[%dma_wait3A_796] : memref<512xi32, #tpu.memory_space<vmem>> -> memref<128xi32, #tpu.memory_space<vmem>>
    %dma_wait3A_798 = arith.constant 0 : i32
    %dma_wait3A_799 = arith.constant 0 : i32
    %dma_wait3A_800 = tpu.memref_slice %arg14[%dma_wait3A_798, %dma_wait3A_799] : memref<6x16xf32, #tpu.memory_space<hbm>> -> memref<6x16xf32, #tpu.memory_space<hbm>>
    tpu.wait_indirect_dma semaphore(%arg44 : memref<!tpu.dma_semaphore, #tpu.memory_space<semaphore_mem>>) src(%dma_wait3A_800 : memref<6x16xf32, #tpu.memory_space<hbm>>) dst(%dma_wait3A_795 : memref<128x16xf32, #tpu.memory_space<vmem>>)
    %dma_wait3A_801 = arith.constant 0 : i32
    %dma_wait3A_802 = arith.constant 0 : i32
    %dma_wait3A_803 = tpu.memref_slice %arg41[%dma_wait3A_801, %dma_wait3A_802] : memref<512x16xf32, #tpu.memory_space<vmem>> -> memref<128x16xf32, #tpu.memory_space<vmem>>
    %dma_wait3A_804 = arith.constant 0 : i32
    %dma_wait3A_805 = tpu.memref_slice %arg33[%dma_wait3A_804] : memref<512xi32, #tpu.memory_space<vmem>> -> memref<128xi32, #tpu.memory_space<vmem>>
    %dma_wait3A_806 = arith.constant 0 : i32
    %dma_wait3A_807 = arith.constant 0 : i32
    %dma_wait3A_808 = tpu.memref_slice %arg16[%dma_wait3A_806, %dma_wait3A_807] : memref<5x16xf32, #tpu.memory_space<hbm>> -> memref<5x16xf32, #tpu.memory_space<hbm>>
    tpu.wait_indirect_dma semaphore(%arg44 : memref<!tpu.dma_semaphore, #tpu.memory_space<semaphore_mem>>) src(%dma_wait3A_808 : memref<5x16xf32, #tpu.memory_space<hbm>>) dst(%dma_wait3A_803 : memref<128x16xf32, #tpu.memory_space<vmem>>)
    %dma_wait3A_809 = arith.constant 128 : i32
    %dma_wait3A_810 = arith.constant 0 : i32
    %dma_wait3A_811 = tpu.memref_slice %arg41[%dma_wait3A_809, %dma_wait3A_810] : memref<512x16xf32, #tpu.memory_space<vmem>> -> memref<128x16xf32, #tpu.memory_space<vmem>>
    %dma_wait3A_812 = arith.constant 128 : i32
    %dma_wait3A_813 = tpu.memref_slice %arg33[%dma_wait3A_812] : memref<512xi32, #tpu.memory_space<vmem>> -> memref<128xi32, #tpu.memory_space<vmem>>
    %dma_wait3A_814 = arith.constant 0 : i32
    %dma_wait3A_815 = arith.constant 0 : i32
    %dma_wait3A_816 = tpu.memref_slice %arg16[%dma_wait3A_814, %dma_wait3A_815] : memref<5x16xf32, #tpu.memory_space<hbm>> -> memref<5x16xf32, #tpu.memory_space<hbm>>
    tpu.wait_indirect_dma semaphore(%arg44 : memref<!tpu.dma_semaphore, #tpu.memory_space<semaphore_mem>>) src(%dma_wait3A_816 : memref<5x16xf32, #tpu.memory_space<hbm>>) dst(%dma_wait3A_811 : memref<128x16xf32, #tpu.memory_space<vmem>>)
    %dma_wait3A_817 = arith.constant 256 : i32
    %dma_wait3A_818 = arith.constant 0 : i32
    %dma_wait3A_819 = tpu.memref_slice %arg41[%dma_wait3A_817, %dma_wait3A_818] : memref<512x16xf32, #tpu.memory_space<vmem>> -> memref<128x16xf32, #tpu.memory_space<vmem>>
    %dma_wait3A_820 = arith.constant 256 : i32
    %dma_wait3A_821 = tpu.memref_slice %arg33[%dma_wait3A_820] : memref<512xi32, #tpu.memory_space<vmem>> -> memref<128xi32, #tpu.memory_space<vmem>>
    %dma_wait3A_822 = arith.constant 0 : i32
    %dma_wait3A_823 = arith.constant 0 : i32
    %dma_wait3A_824 = tpu.memref_slice %arg16[%dma_wait3A_822, %dma_wait3A_823] : memref<5x16xf32, #tpu.memory_space<hbm>> -> memref<5x16xf32, #tpu.memory_space<hbm>>
    tpu.wait_indirect_dma semaphore(%arg44 : memref<!tpu.dma_semaphore, #tpu.memory_space<semaphore_mem>>) src(%dma_wait3A_824 : memref<5x16xf32, #tpu.memory_space<hbm>>) dst(%dma_wait3A_819 : memref<128x16xf32, #tpu.memory_space<vmem>>)
    %dma_wait3A_825 = arith.constant 384 : i32
    %dma_wait3A_826 = arith.constant 0 : i32
    %dma_wait3A_827 = tpu.memref_slice %arg41[%dma_wait3A_825, %dma_wait3A_826] : memref<512x16xf32, #tpu.memory_space<vmem>> -> memref<128x16xf32, #tpu.memory_space<vmem>>
    %dma_wait3A_828 = arith.constant 384 : i32
    %dma_wait3A_829 = tpu.memref_slice %arg33[%dma_wait3A_828] : memref<512xi32, #tpu.memory_space<vmem>> -> memref<128xi32, #tpu.memory_space<vmem>>
    %dma_wait3A_830 = arith.constant 0 : i32
    %dma_wait3A_831 = arith.constant 0 : i32
    %dma_wait3A_832 = tpu.memref_slice %arg16[%dma_wait3A_830, %dma_wait3A_831] : memref<5x16xf32, #tpu.memory_space<hbm>> -> memref<5x16xf32, #tpu.memory_space<hbm>>
    tpu.wait_indirect_dma semaphore(%arg44 : memref<!tpu.dma_semaphore, #tpu.memory_space<semaphore_mem>>) src(%dma_wait3A_832 : memref<5x16xf32, #tpu.memory_space<hbm>>) dst(%dma_wait3A_827 : memref<128x16xf32, #tpu.memory_space<vmem>>)
    %dma_wait3A_833 = arith.constant 0 : i32
    %dma_wait3A_834 = arith.constant 0 : i32
    %dma_wait3A_835 = tpu.memref_slice %arg42[%dma_wait3A_833, %dma_wait3A_834] : memref<512x16xf32, #tpu.memory_space<vmem>> -> memref<128x16xf32, #tpu.memory_space<vmem>>
    %dma_wait3A_836 = arith.constant 0 : i32
    %dma_wait3A_837 = tpu.memref_slice %arg34[%dma_wait3A_836] : memref<512xi32, #tpu.memory_space<vmem>> -> memref<128xi32, #tpu.memory_space<vmem>>
    %dma_wait3A_838 = arith.constant 0 : i32
    %dma_wait3A_839 = arith.constant 0 : i32
    %dma_wait3A_840 = tpu.memref_slice %arg17[%dma_wait3A_838, %dma_wait3A_839] : memref<11x16xf32, #tpu.memory_space<hbm>> -> memref<11x16xf32, #tpu.memory_space<hbm>>
    tpu.wait_indirect_dma semaphore(%arg44 : memref<!tpu.dma_semaphore, #tpu.memory_space<semaphore_mem>>) src(%dma_wait3A_840 : memref<11x16xf32, #tpu.memory_space<hbm>>) dst(%dma_wait3A_835 : memref<128x16xf32, #tpu.memory_space<vmem>>)
    %dma_wait3A_841 = arith.constant 128 : i32
    %dma_wait3A_842 = arith.constant 0 : i32
    %dma_wait3A_843 = tpu.memref_slice %arg42[%dma_wait3A_841, %dma_wait3A_842] : memref<512x16xf32, #tpu.memory_space<vmem>> -> memref<128x16xf32, #tpu.memory_space<vmem>>
    %dma_wait3A_844 = arith.constant 128 : i32
    %dma_wait3A_845 = tpu.memref_slice %arg34[%dma_wait3A_844] : memref<512xi32, #tpu.memory_space<vmem>> -> memref<128xi32, #tpu.memory_space<vmem>>
    %dma_wait3A_846 = arith.constant 0 : i32
    %dma_wait3A_847 = arith.constant 0 : i32
    %dma_wait3A_848 = tpu.memref_slice %arg17[%dma_wait3A_846, %dma_wait3A_847] : memref<11x16xf32, #tpu.memory_space<hbm>> -> memref<11x16xf32, #tpu.memory_space<hbm>>
    tpu.wait_indirect_dma semaphore(%arg44 : memref<!tpu.dma_semaphore, #tpu.memory_space<semaphore_mem>>) src(%dma_wait3A_848 : memref<11x16xf32, #tpu.memory_space<hbm>>) dst(%dma_wait3A_843 : memref<128x16xf32, #tpu.memory_space<vmem>>)
    %dma_wait3A_849 = arith.constant 256 : i32
    %dma_wait3A_850 = arith.constant 0 : i32
    %dma_wait3A_851 = tpu.memref_slice %arg42[%dma_wait3A_849, %dma_wait3A_850] : memref<512x16xf32, #tpu.memory_space<vmem>> -> memref<128x16xf32, #tpu.memory_space<vmem>>
    %dma_wait3A_852 = arith.constant 256 : i32
    %dma_wait3A_853 = tpu.memref_slice %arg34[%dma_wait3A_852] : memref<512xi32, #tpu.memory_space<vmem>> -> memref<128xi32, #tpu.memory_space<vmem>>
    %dma_wait3A_854 = arith.constant 0 : i32
    %dma_wait3A_855 = arith.constant 0 : i32
    %dma_wait3A_856 = tpu.memref_slice %arg17[%dma_wait3A_854, %dma_wait3A_855] : memref<11x16xf32, #tpu.memory_space<hbm>> -> memref<11x16xf32, #tpu.memory_space<hbm>>
    tpu.wait_indirect_dma semaphore(%arg44 : memref<!tpu.dma_semaphore, #tpu.memory_space<semaphore_mem>>) src(%dma_wait3A_856 : memref<11x16xf32, #tpu.memory_space<hbm>>) dst(%dma_wait3A_851 : memref<128x16xf32, #tpu.memory_space<vmem>>)
    %dma_wait3A_857 = arith.constant 384 : i32
    %dma_wait3A_858 = arith.constant 0 : i32
    %dma_wait3A_859 = tpu.memref_slice %arg42[%dma_wait3A_857, %dma_wait3A_858] : memref<512x16xf32, #tpu.memory_space<vmem>> -> memref<128x16xf32, #tpu.memory_space<vmem>>
    %dma_wait3A_860 = arith.constant 384 : i32
    %dma_wait3A_861 = tpu.memref_slice %arg34[%dma_wait3A_860] : memref<512xi32, #tpu.memory_space<vmem>> -> memref<128xi32, #tpu.memory_space<vmem>>
    %dma_wait3A_862 = arith.constant 0 : i32
    %dma_wait3A_863 = arith.constant 0 : i32
    %dma_wait3A_864 = tpu.memref_slice %arg17[%dma_wait3A_862, %dma_wait3A_863] : memref<11x16xf32, #tpu.memory_space<hbm>> -> memref<11x16xf32, #tpu.memory_space<hbm>>
    tpu.wait_indirect_dma semaphore(%arg44 : memref<!tpu.dma_semaphore, #tpu.memory_space<semaphore_mem>>) src(%dma_wait3A_864 : memref<11x16xf32, #tpu.memory_space<hbm>>) dst(%dma_wait3A_859 : memref<128x16xf32, #tpu.memory_space<vmem>>)
    %dma_wait3A_865 = arith.constant 0 : i32
    %dma_wait3A_866 = arith.constant 0 : i32
    %dma_wait3A_867 = tpu.memref_slice %arg43[%dma_wait3A_865, %dma_wait3A_866] : memref<512x16xf32, #tpu.memory_space<vmem>> -> memref<128x16xf32, #tpu.memory_space<vmem>>
    %dma_wait3A_868 = arith.constant 0 : i32
    %dma_wait3A_869 = tpu.memref_slice %arg35[%dma_wait3A_868] : memref<512xi32, #tpu.memory_space<vmem>> -> memref<128xi32, #tpu.memory_space<vmem>>
    %dma_wait3A_870 = arith.constant 0 : i32
    %dma_wait3A_871 = arith.constant 0 : i32
    %dma_wait3A_872 = tpu.memref_slice %arg18[%dma_wait3A_870, %dma_wait3A_871] : memref<18060x16xf32, #tpu.memory_space<hbm>> -> memref<18060x16xf32, #tpu.memory_space<hbm>>
    tpu.wait_indirect_dma semaphore(%arg44 : memref<!tpu.dma_semaphore, #tpu.memory_space<semaphore_mem>>) src(%dma_wait3A_872 : memref<18060x16xf32, #tpu.memory_space<hbm>>) dst(%dma_wait3A_867 : memref<128x16xf32, #tpu.memory_space<vmem>>)
    %dma_wait3A_873 = arith.constant 128 : i32
    %dma_wait3A_874 = arith.constant 0 : i32
    %dma_wait3A_875 = tpu.memref_slice %arg43[%dma_wait3A_873, %dma_wait3A_874] : memref<512x16xf32, #tpu.memory_space<vmem>> -> memref<128x16xf32, #tpu.memory_space<vmem>>
    %dma_wait3A_876 = arith.constant 128 : i32
    %dma_wait3A_877 = tpu.memref_slice %arg35[%dma_wait3A_876] : memref<512xi32, #tpu.memory_space<vmem>> -> memref<128xi32, #tpu.memory_space<vmem>>
    %dma_wait3A_878 = arith.constant 0 : i32
    %dma_wait3A_879 = arith.constant 0 : i32
    %dma_wait3A_880 = tpu.memref_slice %arg18[%dma_wait3A_878, %dma_wait3A_879] : memref<18060x16xf32, #tpu.memory_space<hbm>> -> memref<18060x16xf32, #tpu.memory_space<hbm>>
    tpu.wait_indirect_dma semaphore(%arg44 : memref<!tpu.dma_semaphore, #tpu.memory_space<semaphore_mem>>) src(%dma_wait3A_880 : memref<18060x16xf32, #tpu.memory_space<hbm>>) dst(%dma_wait3A_875 : memref<128x16xf32, #tpu.memory_space<vmem>>)
    %dma_wait3A_881 = arith.constant 256 : i32
    %dma_wait3A_882 = arith.constant 0 : i32
    %dma_wait3A_883 = tpu.memref_slice %arg43[%dma_wait3A_881, %dma_wait3A_882] : memref<512x16xf32, #tpu.memory_space<vmem>> -> memref<128x16xf32, #tpu.memory_space<vmem>>
    %dma_wait3A_884 = arith.constant 256 : i32
    %dma_wait3A_885 = tpu.memref_slice %arg35[%dma_wait3A_884] : memref<512xi32, #tpu.memory_space<vmem>> -> memref<128xi32, #tpu.memory_space<vmem>>
    %dma_wait3A_886 = arith.constant 0 : i32
    %dma_wait3A_887 = arith.constant 0 : i32
    %dma_wait3A_888 = tpu.memref_slice %arg18[%dma_wait3A_886, %dma_wait3A_887] : memref<18060x16xf32, #tpu.memory_space<hbm>> -> memref<18060x16xf32, #tpu.memory_space<hbm>>
    tpu.wait_indirect_dma semaphore(%arg44 : memref<!tpu.dma_semaphore, #tpu.memory_space<semaphore_mem>>) src(%dma_wait3A_888 : memref<18060x16xf32, #tpu.memory_space<hbm>>) dst(%dma_wait3A_883 : memref<128x16xf32, #tpu.memory_space<vmem>>)
    %dma_wait3A_889 = arith.constant 384 : i32
    %dma_wait3A_890 = arith.constant 0 : i32
    %dma_wait3A_891 = tpu.memref_slice %arg43[%dma_wait3A_889, %dma_wait3A_890] : memref<512x16xf32, #tpu.memory_space<vmem>> -> memref<128x16xf32, #tpu.memory_space<vmem>>
    %dma_wait3A_892 = arith.constant 384 : i32
    %dma_wait3A_893 = tpu.memref_slice %arg35[%dma_wait3A_892] : memref<512xi32, #tpu.memory_space<vmem>> -> memref<128xi32, #tpu.memory_space<vmem>>
    %dma_wait3A_894 = arith.constant 0 : i32
    %dma_wait3A_895 = arith.constant 0 : i32
    %dma_wait3A_896 = tpu.memref_slice %arg18[%dma_wait3A_894, %dma_wait3A_895] : memref<18060x16xf32, #tpu.memory_space<hbm>> -> memref<18060x16xf32, #tpu.memory_space<hbm>>
    tpu.wait_indirect_dma semaphore(%arg44 : memref<!tpu.dma_semaphore, #tpu.memory_space<semaphore_mem>>) src(%dma_wait3A_896 : memref<18060x16xf32, #tpu.memory_space<hbm>>) dst(%dma_wait3A_891 : memref<128x16xf32, #tpu.memory_space<vmem>>)
    "tpu.region"() ({
      %run_scoped3A = tpu.sem_alloc : memref<!tpu.dma_semaphore, #tpu.memory_space<semaphore_mem>>
      %dma_start3A_897 = arith.constant 0 : i32
      %dma_start3A_898 = tpu.memref_slice %arg19[%mul3A_2, %dma_start3A_897] : memref<16384x16xf32, #tpu.memory_space<hbm>> -> memref<512x16xf32, #tpu.memory_space<hbm>>
      %dma_start3A_899 = arith.constant 0 : i32
      %dma_start3A_900 = tpu.memref_slice %arg19[%mul3A_2, %dma_start3A_899] : memref<16384x16xf32, #tpu.memory_space<hbm>> -> memref<512x16xf32, #tpu.memory_space<hbm>>
      tpu.enqueue_dma source(%arg36 : memref<512x16xf32, #tpu.memory_space<vmem>>) target(%dma_start3A_900 : memref<512x16xf32, #tpu.memory_space<hbm>>) target_semaphore(%run_scoped3A : memref<!tpu.dma_semaphore, #tpu.memory_space<semaphore_mem>>)
      %dma_wait3A_901 = arith.constant 0 : i32
      %dma_wait3A_902 = tpu.memref_slice %arg19[%mul3A_2, %dma_wait3A_901] : memref<16384x16xf32, #tpu.memory_space<hbm>> -> memref<512x16xf32, #tpu.memory_space<hbm>>
      %dma_wait3A_903 = arith.constant 0 : i32
      %dma_wait3A_904 = tpu.memref_slice %arg19[%mul3A_2, %dma_wait3A_903] : memref<16384x16xf32, #tpu.memory_space<hbm>> -> memref<512x16xf32, #tpu.memory_space<hbm>>
      tpu.wait_dma2 semaphore(%run_scoped3A : memref<!tpu.dma_semaphore, #tpu.memory_space<semaphore_mem>>) src(%arg36 : memref<512x16xf32, #tpu.memory_space<vmem>>) dst(%dma_wait3A_904 : memref<512x16xf32, #tpu.memory_space<hbm>>)
      tpu.yield
    }) : () -> ()
    "tpu.region"() ({
      %run_scoped3A = tpu.sem_alloc : memref<!tpu.dma_semaphore, #tpu.memory_space<semaphore_mem>>
      %dma_start3A_897 = arith.constant 0 : i32
      %dma_start3A_898 = tpu.memref_slice %arg20[%mul3A_2, %dma_start3A_897] : memref<16384x16xf32, #tpu.memory_space<hbm>> -> memref<512x16xf32, #tpu.memory_space<hbm>>
      %dma_start3A_899 = arith.constant 0 : i32
      %dma_start3A_900 = tpu.memref_slice %arg20[%mul3A_2, %dma_start3A_899] : memref<16384x16xf32, #tpu.memory_space<hbm>> -> memref<512x16xf32, #tpu.memory_space<hbm>>
      tpu.enqueue_dma source(%arg37 : memref<512x16xf32, #tpu.memory_space<vmem>>) target(%dma_start3A_900 : memref<512x16xf32, #tpu.memory_space<hbm>>) target_semaphore(%run_scoped3A : memref<!tpu.dma_semaphore, #tpu.memory_space<semaphore_mem>>)
      %dma_wait3A_901 = arith.constant 0 : i32
      %dma_wait3A_902 = tpu.memref_slice %arg20[%mul3A_2, %dma_wait3A_901] : memref<16384x16xf32, #tpu.memory_space<hbm>> -> memref<512x16xf32, #tpu.memory_space<hbm>>
      %dma_wait3A_903 = arith.constant 0 : i32
      %dma_wait3A_904 = tpu.memref_slice %arg20[%mul3A_2, %dma_wait3A_903] : memref<16384x16xf32, #tpu.memory_space<hbm>> -> memref<512x16xf32, #tpu.memory_space<hbm>>
      tpu.wait_dma2 semaphore(%run_scoped3A : memref<!tpu.dma_semaphore, #tpu.memory_space<semaphore_mem>>) src(%arg37 : memref<512x16xf32, #tpu.memory_space<vmem>>) dst(%dma_wait3A_904 : memref<512x16xf32, #tpu.memory_space<hbm>>)
      tpu.yield
    }) : () -> ()
    "tpu.region"() ({
      %run_scoped3A = tpu.sem_alloc : memref<!tpu.dma_semaphore, #tpu.memory_space<semaphore_mem>>
      %dma_start3A_897 = arith.constant 0 : i32
      %dma_start3A_898 = tpu.memref_slice %arg21[%mul3A_2, %dma_start3A_897] : memref<16384x16xf32, #tpu.memory_space<hbm>> -> memref<512x16xf32, #tpu.memory_space<hbm>>
      %dma_start3A_899 = arith.constant 0 : i32
      %dma_start3A_900 = tpu.memref_slice %arg21[%mul3A_2, %dma_start3A_899] : memref<16384x16xf32, #tpu.memory_space<hbm>> -> memref<512x16xf32, #tpu.memory_space<hbm>>
      tpu.enqueue_dma source(%arg38 : memref<512x16xf32, #tpu.memory_space<vmem>>) target(%dma_start3A_900 : memref<512x16xf32, #tpu.memory_space<hbm>>) target_semaphore(%run_scoped3A : memref<!tpu.dma_semaphore, #tpu.memory_space<semaphore_mem>>)
      %dma_wait3A_901 = arith.constant 0 : i32
      %dma_wait3A_902 = tpu.memref_slice %arg21[%mul3A_2, %dma_wait3A_901] : memref<16384x16xf32, #tpu.memory_space<hbm>> -> memref<512x16xf32, #tpu.memory_space<hbm>>
      %dma_wait3A_903 = arith.constant 0 : i32
      %dma_wait3A_904 = tpu.memref_slice %arg21[%mul3A_2, %dma_wait3A_903] : memref<16384x16xf32, #tpu.memory_space<hbm>> -> memref<512x16xf32, #tpu.memory_space<hbm>>
      tpu.wait_dma2 semaphore(%run_scoped3A : memref<!tpu.dma_semaphore, #tpu.memory_space<semaphore_mem>>) src(%arg38 : memref<512x16xf32, #tpu.memory_space<vmem>>) dst(%dma_wait3A_904 : memref<512x16xf32, #tpu.memory_space<hbm>>)
      tpu.yield
    }) : () -> ()
    "tpu.region"() ({
      %run_scoped3A = tpu.sem_alloc : memref<!tpu.dma_semaphore, #tpu.memory_space<semaphore_mem>>
      %dma_start3A_897 = arith.constant 0 : i32
      %dma_start3A_898 = tpu.memref_slice %arg22[%mul3A_2, %dma_start3A_897] : memref<16384x16xf32, #tpu.memory_space<hbm>> -> memref<512x16xf32, #tpu.memory_space<hbm>>
      %dma_start3A_899 = arith.constant 0 : i32
      %dma_start3A_900 = tpu.memref_slice %arg22[%mul3A_2, %dma_start3A_899] : memref<16384x16xf32, #tpu.memory_space<hbm>> -> memref<512x16xf32, #tpu.memory_space<hbm>>
      tpu.enqueue_dma source(%arg39 : memref<512x16xf32, #tpu.memory_space<vmem>>) target(%dma_start3A_900 : memref<512x16xf32, #tpu.memory_space<hbm>>) target_semaphore(%run_scoped3A : memref<!tpu.dma_semaphore, #tpu.memory_space<semaphore_mem>>)
      %dma_wait3A_901 = arith.constant 0 : i32
      %dma_wait3A_902 = tpu.memref_slice %arg22[%mul3A_2, %dma_wait3A_901] : memref<16384x16xf32, #tpu.memory_space<hbm>> -> memref<512x16xf32, #tpu.memory_space<hbm>>
      %dma_wait3A_903 = arith.constant 0 : i32
      %dma_wait3A_904 = tpu.memref_slice %arg22[%mul3A_2, %dma_wait3A_903] : memref<16384x16xf32, #tpu.memory_space<hbm>> -> memref<512x16xf32, #tpu.memory_space<hbm>>
      tpu.wait_dma2 semaphore(%run_scoped3A : memref<!tpu.dma_semaphore, #tpu.memory_space<semaphore_mem>>) src(%arg39 : memref<512x16xf32, #tpu.memory_space<vmem>>) dst(%dma_wait3A_904 : memref<512x16xf32, #tpu.memory_space<hbm>>)
      tpu.yield
    }) : () -> ()
    "tpu.region"() ({
      %run_scoped3A = tpu.sem_alloc : memref<!tpu.dma_semaphore, #tpu.memory_space<semaphore_mem>>
      %dma_start3A_897 = arith.constant 0 : i32
      %dma_start3A_898 = tpu.memref_slice %arg23[%mul3A_2, %dma_start3A_897] : memref<16384x16xf32, #tpu.memory_space<hbm>> -> memref<512x16xf32, #tpu.memory_space<hbm>>
      %dma_start3A_899 = arith.constant 0 : i32
      %dma_start3A_900 = tpu.memref_slice %arg23[%mul3A_2, %dma_start3A_899] : memref<16384x16xf32, #tpu.memory_space<hbm>> -> memref<512x16xf32, #tpu.memory_space<hbm>>
      tpu.enqueue_dma source(%arg40 : memref<512x16xf32, #tpu.memory_space<vmem>>) target(%dma_start3A_900 : memref<512x16xf32, #tpu.memory_space<hbm>>) target_semaphore(%run_scoped3A : memref<!tpu.dma_semaphore, #tpu.memory_space<semaphore_mem>>)
      %dma_wait3A_901 = arith.constant 0 : i32
      %dma_wait3A_902 = tpu.memref_slice %arg23[%mul3A_2, %dma_wait3A_901] : memref<16384x16xf32, #tpu.memory_space<hbm>> -> memref<512x16xf32, #tpu.memory_space<hbm>>
      %dma_wait3A_903 = arith.constant 0 : i32
      %dma_wait3A_904 = tpu.memref_slice %arg23[%mul3A_2, %dma_wait3A_903] : memref<16384x16xf32, #tpu.memory_space<hbm>> -> memref<512x16xf32, #tpu.memory_space<hbm>>
      tpu.wait_dma2 semaphore(%run_scoped3A : memref<!tpu.dma_semaphore, #tpu.memory_space<semaphore_mem>>) src(%arg40 : memref<512x16xf32, #tpu.memory_space<vmem>>) dst(%dma_wait3A_904 : memref<512x16xf32, #tpu.memory_space<hbm>>)
      tpu.yield
    }) : () -> ()
    "tpu.region"() ({
      %run_scoped3A = tpu.sem_alloc : memref<!tpu.dma_semaphore, #tpu.memory_space<semaphore_mem>>
      %dma_start3A_897 = arith.constant 0 : i32
      %dma_start3A_898 = tpu.memref_slice %arg24[%mul3A_2, %dma_start3A_897] : memref<16384x16xf32, #tpu.memory_space<hbm>> -> memref<512x16xf32, #tpu.memory_space<hbm>>
      %dma_start3A_899 = arith.constant 0 : i32
      %dma_start3A_900 = tpu.memref_slice %arg24[%mul3A_2, %dma_start3A_899] : memref<16384x16xf32, #tpu.memory_space<hbm>> -> memref<512x16xf32, #tpu.memory_space<hbm>>
      tpu.enqueue_dma source(%arg41 : memref<512x16xf32, #tpu.memory_space<vmem>>) target(%dma_start3A_900 : memref<512x16xf32, #tpu.memory_space<hbm>>) target_semaphore(%run_scoped3A : memref<!tpu.dma_semaphore, #tpu.memory_space<semaphore_mem>>)
      %dma_wait3A_901 = arith.constant 0 : i32
      %dma_wait3A_902 = tpu.memref_slice %arg24[%mul3A_2, %dma_wait3A_901] : memref<16384x16xf32, #tpu.memory_space<hbm>> -> memref<512x16xf32, #tpu.memory_space<hbm>>
      %dma_wait3A_903 = arith.constant 0 : i32
      %dma_wait3A_904 = tpu.memref_slice %arg24[%mul3A_2, %dma_wait3A_903] : memref<16384x16xf32, #tpu.memory_space<hbm>> -> memref<512x16xf32, #tpu.memory_space<hbm>>
      tpu.wait_dma2 semaphore(%run_scoped3A : memref<!tpu.dma_semaphore, #tpu.memory_space<semaphore_mem>>) src(%arg41 : memref<512x16xf32, #tpu.memory_space<vmem>>) dst(%dma_wait3A_904 : memref<512x16xf32, #tpu.memory_space<hbm>>)
      tpu.yield
    }) : () -> ()
    "tpu.region"() ({
      %run_scoped3A = tpu.sem_alloc : memref<!tpu.dma_semaphore, #tpu.memory_space<semaphore_mem>>
      %dma_start3A_897 = arith.constant 0 : i32
      %dma_start3A_898 = tpu.memref_slice %arg25[%mul3A_2, %dma_start3A_897] : memref<16384x16xf32, #tpu.memory_space<hbm>> -> memref<512x16xf32, #tpu.memory_space<hbm>>
      %dma_start3A_899 = arith.constant 0 : i32
      %dma_start3A_900 = tpu.memref_slice %arg25[%mul3A_2, %dma_start3A_899] : memref<16384x16xf32, #tpu.memory_space<hbm>> -> memref<512x16xf32, #tpu.memory_space<hbm>>
      tpu.enqueue_dma source(%arg42 : memref<512x16xf32, #tpu.memory_space<vmem>>) target(%dma_start3A_900 : memref<512x16xf32, #tpu.memory_space<hbm>>) target_semaphore(%run_scoped3A : memref<!tpu.dma_semaphore, #tpu.memory_space<semaphore_mem>>)
      %dma_wait3A_901 = arith.constant 0 : i32
      %dma_wait3A_902 = tpu.memref_slice %arg25[%mul3A_2, %dma_wait3A_901] : memref<16384x16xf32, #tpu.memory_space<hbm>> -> memref<512x16xf32, #tpu.memory_space<hbm>>
      %dma_wait3A_903 = arith.constant 0 : i32
      %dma_wait3A_904 = tpu.memref_slice %arg25[%mul3A_2, %dma_wait3A_903] : memref<16384x16xf32, #tpu.memory_space<hbm>> -> memref<512x16xf32, #tpu.memory_space<hbm>>
      tpu.wait_dma2 semaphore(%run_scoped3A : memref<!tpu.dma_semaphore, #tpu.memory_space<semaphore_mem>>) src(%arg42 : memref<512x16xf32, #tpu.memory_space<vmem>>) dst(%dma_wait3A_904 : memref<512x16xf32, #tpu.memory_space<hbm>>)
      tpu.yield
    }) : () -> ()
    "tpu.region"() ({
      %run_scoped3A = tpu.sem_alloc : memref<!tpu.dma_semaphore, #tpu.memory_space<semaphore_mem>>
      %dma_start3A_897 = arith.constant 0 : i32
      %dma_start3A_898 = tpu.memref_slice %arg26[%mul3A_2, %dma_start3A_897] : memref<16384x16xf32, #tpu.memory_space<hbm>> -> memref<512x16xf32, #tpu.memory_space<hbm>>
      %dma_start3A_899 = arith.constant 0 : i32
      %dma_start3A_900 = tpu.memref_slice %arg26[%mul3A_2, %dma_start3A_899] : memref<16384x16xf32, #tpu.memory_space<hbm>> -> memref<512x16xf32, #tpu.memory_space<hbm>>
      tpu.enqueue_dma source(%arg43 : memref<512x16xf32, #tpu.memory_space<vmem>>) target(%dma_start3A_900 : memref<512x16xf32, #tpu.memory_space<hbm>>) target_semaphore(%run_scoped3A : memref<!tpu.dma_semaphore, #tpu.memory_space<semaphore_mem>>)
      %dma_wait3A_901 = arith.constant 0 : i32
      %dma_wait3A_902 = tpu.memref_slice %arg26[%mul3A_2, %dma_wait3A_901] : memref<16384x16xf32, #tpu.memory_space<hbm>> -> memref<512x16xf32, #tpu.memory_space<hbm>>
      %dma_wait3A_903 = arith.constant 0 : i32
      %dma_wait3A_904 = tpu.memref_slice %arg26[%mul3A_2, %dma_wait3A_903] : memref<16384x16xf32, #tpu.memory_space<hbm>> -> memref<512x16xf32, #tpu.memory_space<hbm>>
      tpu.wait_dma2 semaphore(%run_scoped3A : memref<!tpu.dma_semaphore, #tpu.memory_space<semaphore_mem>>) src(%arg43 : memref<512x16xf32, #tpu.memory_space<vmem>>) dst(%dma_wait3A_904 : memref<512x16xf32, #tpu.memory_space<hbm>>)
      tpu.yield
    }) : () -> ()
    return
  }
}

module attributes {stable_mosaic.version = 14 : i64} {
  func.func @_repack_body(%arg0: i32, %arg1: memref<4096x32xf32, #tpu.memory_space<vmem>>, %arg2: memref<1024x128xf32, #tpu.memory_space<vmem>>) attributes {dimension_semantics = [#tpu.dimension_semantics<arbitrary>], iteration_bounds = array<i64: 668>, scalar_prefetch = 0 : i64, scratch_operands = 0 : i64, tpu.core_type = #tpu.core_type<tc>, window_params = [{transform_indices = @transform_0, window_bounds = array<i64: 4096, 32>}, {transform_indices = @transform_1, window_bounds = array<i64: 1024, 128>}]} {
    %get3A = arith.constant 0 : index
    %get3A_0 = arith.constant 0 : index
    %get3A_1 = vector.load %arg1[%get3A, %get3A_0] : memref<4096x32xf32, #tpu.memory_space<vmem>>, vector<4096x32xf32>
    %slice3A = vector.extract_strided_slice %get3A_1 {offsets = [0, 0], sizes = [1024, 32], strides = [1, 1]} : vector<4096x32xf32> to vector<1024x32xf32>
    %swap3A = arith.constant 0 : index
    %swap3A_2 = arith.constant 0 : index
    %swap3A_3 = vector.load %arg2[%swap3A, %swap3A_2] : memref<1024x128xf32, #tpu.memory_space<vmem>>, vector<1024x32xf32>
    tpu.vector_store %arg2[%swap3A, %swap3A_2], %slice3A {strides = array<i32>} : memref<1024x128xf32, #tpu.memory_space<vmem>>, vector<1024x32xf32>,
    %slice3A_4 = vector.extract_strided_slice %get3A_1 {offsets = [1024, 0], sizes = [1024, 32], strides = [1, 1]} : vector<4096x32xf32> to vector<1024x32xf32>
    %swap3A_5 = arith.constant 0 : index
    %swap3A_6 = arith.constant 32 : index
    %swap3A_7 = vector.load %arg2[%swap3A_5, %swap3A_6] : memref<1024x128xf32, #tpu.memory_space<vmem>>, vector<1024x32xf32>
    tpu.vector_store %arg2[%swap3A_5, %swap3A_6], %slice3A_4 {strides = array<i32>} : memref<1024x128xf32, #tpu.memory_space<vmem>>, vector<1024x32xf32>,
    %slice3A_8 = vector.extract_strided_slice %get3A_1 {offsets = [2048, 0], sizes = [1024, 32], strides = [1, 1]} : vector<4096x32xf32> to vector<1024x32xf32>
    %swap3A_9 = arith.constant 0 : index
    %swap3A_10 = arith.constant 64 : index
    %swap3A_11 = vector.load %arg2[%swap3A_9, %swap3A_10] : memref<1024x128xf32, #tpu.memory_space<vmem>>, vector<1024x32xf32>
    tpu.vector_store %arg2[%swap3A_9, %swap3A_10], %slice3A_8 {strides = array<i32>} : memref<1024x128xf32, #tpu.memory_space<vmem>>, vector<1024x32xf32>,
    %slice3A_12 = vector.extract_strided_slice %get3A_1 {offsets = [3072, 0], sizes = [1024, 32], strides = [1, 1]} : vector<4096x32xf32> to vector<1024x32xf32>
    %swap3A_13 = arith.constant 0 : index
    %swap3A_14 = arith.constant 96 : index
    %swap3A_15 = vector.load %arg2[%swap3A_13, %swap3A_14] : memref<1024x128xf32, #tpu.memory_space<vmem>>, vector<1024x32xf32>
    tpu.vector_store %arg2[%swap3A_13, %swap3A_14], %slice3A_12 {strides = array<i32>} : memref<1024x128xf32, #tpu.memory_space<vmem>>, vector<1024x32xf32>,
    return
  }
  func.func @transform_0(%arg0: i32) -> (i32, i32) {
    %c0_i32 = arith.constant 0 : i32
    %c0_i32_0 = arith.constant 0 : i32
    return %arg0, %c0_i32 : i32, i32
  }
  func.func @transform_1(%arg0: i32) -> (i32, i32) {
    %c0_i32 = arith.constant 0 : i32
    %c0_i32_0 = arith.constant 0 : i32
    return %arg0, %c0_i32 : i32, i32
  }
}

module attributes {stable_mosaic.version = 14 : i64} {
  func.func @_mm_body(%arg0: i32, %arg1: memref<2048x1xi32, #tpu.memory_space<vmem>>, %arg2: memref<2048x128xf32, #tpu.memory_space<vmem>>, %arg3: memref<2048x16xf32, #tpu.memory_space<vmem>>, %arg4: memref<2048x16xf32, #tpu.memory_space<vmem>>, %arg5: memref<2048x16xf32, #tpu.memory_space<vmem>>, %arg6: memref<2048x16xf32, #tpu.memory_space<vmem>>, %arg7: memref<2048x16xf32, #tpu.memory_space<vmem>>, %arg8: memref<2048x16xf32, #tpu.memory_space<vmem>>, %arg9: memref<2048x16xf32, #tpu.memory_space<vmem>>, %arg10: memref<2048x16xf32, #tpu.memory_space<vmem>>, %arg11: memref<128x64xf32, #tpu.memory_space<vmem>>, %arg12: memref<16x64xf32, #tpu.memory_space<vmem>>, %arg13: memref<16x64xf32, #tpu.memory_space<vmem>>, %arg14: memref<16x64xf32, #tpu.memory_space<vmem>>, %arg15: memref<16x64xf32, #tpu.memory_space<vmem>>, %arg16: memref<16x64xf32, #tpu.memory_space<vmem>>, %arg17: memref<16x64xf32, #tpu.memory_space<vmem>>, %arg18: memref<16x64xf32, #tpu.memory_space<vmem>>, %arg19: memref<16x64xf32, #tpu.memory_space<vmem>>, %arg20: memref<1x64xf32, #tpu.memory_space<vmem>>, %arg21: memref<2048x64xf32, #tpu.memory_space<vmem>>) attributes {dimension_semantics = [#tpu.dimension_semantics<arbitrary>], iteration_bounds = array<i64: 8>, scalar_prefetch = 0 : i64, scratch_operands = 0 : i64, tpu.core_type = #tpu.core_type<tc>, window_params = [{transform_indices = @transform_0, window_bounds = array<i64: 2048, 1>}, {transform_indices = @transform_1, window_bounds = array<i64: 2048, 128>}, {transform_indices = @transform_2, window_bounds = array<i64: 2048, 16>}, {transform_indices = @transform_3, window_bounds = array<i64: 2048, 16>}, {transform_indices = @transform_4, window_bounds = array<i64: 2048, 16>}, {transform_indices = @transform_5, window_bounds = array<i64: 2048, 16>}, {transform_indices = @transform_6, window_bounds = array<i64: 2048, 16>}, {transform_indices = @transform_7, window_bounds = array<i64: 2048, 16>}, {transform_indices = @transform_8, window_bounds = array<i64: 2048, 16>}, {transform_indices = @transform_9, window_bounds = array<i64: 2048, 16>}, {pipeline_mode = #tpu.pipeline_mode<synchronous>, transform_indices = @transform_10, window_bounds = array<i64: 128, 64>}, {pipeline_mode = #tpu.pipeline_mode<synchronous>, transform_indices = @transform_11, window_bounds = array<i64: 16, 64>}, {pipeline_mode = #tpu.pipeline_mode<synchronous>, transform_indices = @transform_12, window_bounds = array<i64: 16, 64>}, {pipeline_mode = #tpu.pipeline_mode<synchronous>, transform_indices = @transform_13, window_bounds = array<i64: 16, 64>}, {pipeline_mode = #tpu.pipeline_mode<synchronous>, transform_indices = @transform_14, window_bounds = array<i64: 16, 64>}, {pipeline_mode = #tpu.pipeline_mode<synchronous>, transform_indices = @transform_15, window_bounds = array<i64: 16, 64>}, {pipeline_mode = #tpu.pipeline_mode<synchronous>, transform_indices = @transform_16, window_bounds = array<i64: 16, 64>}, {pipeline_mode = #tpu.pipeline_mode<synchronous>, transform_indices = @transform_17, window_bounds = array<i64: 16, 64>}, {pipeline_mode = #tpu.pipeline_mode<synchronous>, transform_indices = @transform_18, window_bounds = array<i64: 16, 64>}, {pipeline_mode = #tpu.pipeline_mode<synchronous>, transform_indices = @transform_19, window_bounds = array<i64: 1, 64>}, {transform_indices = @transform_20, window_bounds = array<i64: 2048, 64>}]} {
    %get3A = arith.constant 0 : index
    %get3A_0 = arith.constant 0 : index
    %get3A_1 = vector.load %arg1[%get3A, %get3A_0] : memref<2048x1xi32, #tpu.memory_space<vmem>>, vector<2048x1xi32>
    %iota3A = tpu.iota {dimensions = array<i32: 1>} : vector<2048x128xi32>
    %jit3A = arith.constant 32 : i32
    %div3A = vector.broadcast %jit3A : i32 to vector<2048x128xi32>
    %div3A_2 = arith.divsi %iota3A, %div3A : vector<2048x128xi32>
    %sign3A = arith.constant 0 : i32
    %sign3A_3 = vector.broadcast %sign3A : i32 to vector<2048x128xi32>
    %sign3A_4 = arith.cmpi sgt, %iota3A, %sign3A_3 : vector<2048x128xi32>
    %sign3A_5 = arith.extui %sign3A_4 : vector<2048x128xi1> to vector<2048x128xi32>
    %sign3A_6 = arith.constant 0 : i32
    %sign3A_7 = vector.broadcast %sign3A_6 : i32 to vector<2048x128xi32>
    %sign3A_8 = arith.cmpi slt, %iota3A, %sign3A_7 : vector<2048x128xi32>
    %sign3A_9 = arith.extui %sign3A_8 : vector<2048x128xi1> to vector<2048x128xi32>
    %sign3A_10 = arith.subi %sign3A_5, %sign3A_9 : vector<2048x128xi32>
    %sign3A_11 = arith.constant 0 : i32
    %sign3A_12 = arith.cmpi sgt, %jit3A, %sign3A_11 : i32
    %sign3A_13 = arith.extui %sign3A_12 : i1 to i32
    %sign3A_14 = arith.constant 0 : i32
    %sign3A_15 = arith.cmpi slt, %jit3A, %sign3A_14 : i32
    %sign3A_16 = arith.extui %sign3A_15 : i1 to i32
    %sign3A_17 = arith.subi %sign3A_13, %sign3A_16 : i32
    %ne3A = vector.broadcast %sign3A_17 : i32 to vector<2048x128xi32>
    %ne3A_18 = arith.cmpi ne, %sign3A_10, %ne3A : vector<2048x128xi32>
    %rem3A = vector.broadcast %jit3A : i32 to vector<2048x128xi32>
    %rem3A_19 = arith.remsi %iota3A, %rem3A : vector<2048x128xi32>
    %ne3A_20 = arith.constant 0 : i32
    %ne3A_21 = vector.broadcast %ne3A_20 : i32 to vector<2048x128xi32>
    %ne3A_22 = arith.cmpi ne, %rem3A_19, %ne3A_21 : vector<2048x128xi32>
    %and3A = arith.andi %ne3A_18, %ne3A_22 : vector<2048x128xi1>
    %sub3A = arith.constant 1 : i32
    %sub3A_23 = vector.broadcast %sub3A : i32 to vector<2048x128xi32>
    %sub3A_24 = arith.subi %div3A_2, %sub3A_23 : vector<2048x128xi32>
    %select_n3A = arith.select %and3A, %sub3A_24, %div3A_2 : vector<2048x128xi1>, vector<2048x128xi32>
    %eq3A = vector.broadcast %get3A_1 : vector<2048x1xi32> to vector<2048x128xi32>
    %eq3A_25 = arith.cmpi eq, %select_n3A, %eq3A : vector<2048x128xi32>
    %get3A_26 = arith.constant 0 : index
    %get3A_27 = arith.constant 0 : index
    %get3A_28 = vector.load %arg2[%get3A_26, %get3A_27] : memref<2048x128xf32, #tpu.memory_space<vmem>>, vector<2048x128xf32>
    %jit3A_29 = arith.constant 0.000000e+00 : f32
    %broadcast_in_dim3A = vector.broadcast %jit3A_29 : f32 to vector<2048x128xf32>
    %select_n3A_30 = arith.select %eq3A_25, %get3A_28, %broadcast_in_dim3A : vector<2048x128xi1>, vector<2048x128xf32>
    %get3A_31 = arith.constant 0 : index
    %get3A_32 = arith.constant 0 : index
    %get3A_33 = vector.load %arg11[%get3A_31, %get3A_32] : memref<128x64xf32, #tpu.memory_space<vmem>>, vector<128x64xf32>
    %dot_general3A = arith.constant dense<0.000000e+00> : vector<2048x64xf32>
    %dot_general3A_34 = tpu.matmul %select_n3A_30, %get3A_33, %dot_general3A {dimension_numbers = #tpu.dot_dimension_numbers<[1], [0], [0], [1], [0, 0, 1, 1], [], []>, transpose_lhs_hint = false} : vector<2048x128xf32>, vector<128x64xf32>, vector<2048x64xf32> -> vector<2048x64xf32>
    %get3A_35 = arith.constant 0 : index
    %get3A_36 = arith.constant 0 : index
    %get3A_37 = vector.load %arg3[%get3A_35, %get3A_36] : memref<2048x16xf32, #tpu.memory_space<vmem>>, vector<2048x16xf32>
    %get3A_38 = arith.constant 0 : index
    %get3A_39 = arith.constant 0 : index
    %get3A_40 = vector.load %arg12[%get3A_38, %get3A_39] : memref<16x64xf32, #tpu.memory_space<vmem>>, vector<16x64xf32>
    %dot_general3A_41 = arith.constant dense<0.000000e+00> : vector<2048x64xf32>
    %dot_general3A_42 = tpu.matmul %get3A_37, %get3A_40, %dot_general3A_41 {dimension_numbers = #tpu.dot_dimension_numbers<[1], [0], [0], [1], [0, 0, 1, 1], [], []>, transpose_lhs_hint = false} : vector<2048x16xf32>, vector<16x64xf32>, vector<2048x64xf32> -> vector<2048x64xf32>
    %add3A = arith.addf %dot_general3A_34, %dot_general3A_42 : vector<2048x64xf32>
    %get3A_43 = arith.constant 0 : index
    %get3A_44 = arith.constant 0 : index
    %get3A_45 = vector.load %arg4[%get3A_43, %get3A_44] : memref<2048x16xf32, #tpu.memory_space<vmem>>, vector<2048x16xf32>
    %get3A_46 = arith.constant 0 : index
    %get3A_47 = arith.constant 0 : index
    %get3A_48 = vector.load %arg13[%get3A_46, %get3A_47] : memref<16x64xf32, #tpu.memory_space<vmem>>, vector<16x64xf32>
    %dot_general3A_49 = arith.constant dense<0.000000e+00> : vector<2048x64xf32>
    %dot_general3A_50 = tpu.matmul %get3A_45, %get3A_48, %dot_general3A_49 {dimension_numbers = #tpu.dot_dimension_numbers<[1], [0], [0], [1], [0, 0, 1, 1], [], []>, transpose_lhs_hint = false} : vector<2048x16xf32>, vector<16x64xf32>, vector<2048x64xf32> -> vector<2048x64xf32>
    %add3A_51 = arith.addf %add3A, %dot_general3A_50 : vector<2048x64xf32>
    %get3A_52 = arith.constant 0 : index
    %get3A_53 = arith.constant 0 : index
    %get3A_54 = vector.load %arg5[%get3A_52, %get3A_53] : memref<2048x16xf32, #tpu.memory_space<vmem>>, vector<2048x16xf32>
    %get3A_55 = arith.constant 0 : index
    %get3A_56 = arith.constant 0 : index
    %get3A_57 = vector.load %arg14[%get3A_55, %get3A_56] : memref<16x64xf32, #tpu.memory_space<vmem>>, vector<16x64xf32>
    %dot_general3A_58 = arith.constant dense<0.000000e+00> : vector<2048x64xf32>
    %dot_general3A_59 = tpu.matmul %get3A_54, %get3A_57, %dot_general3A_58 {dimension_numbers = #tpu.dot_dimension_numbers<[1], [0], [0], [1], [0, 0, 1, 1], [], []>, transpose_lhs_hint = false} : vector<2048x16xf32>, vector<16x64xf32>, vector<2048x64xf32> -> vector<2048x64xf32>
    %add3A_60 = arith.addf %add3A_51, %dot_general3A_59 : vector<2048x64xf32>
    %get3A_61 = arith.constant 0 : index
    %get3A_62 = arith.constant 0 : index
    %get3A_63 = vector.load %arg6[%get3A_61, %get3A_62] : memref<2048x16xf32, #tpu.memory_space<vmem>>, vector<2048x16xf32>
    %get3A_64 = arith.constant 0 : index
    %get3A_65 = arith.constant 0 : index
    %get3A_66 = vector.load %arg15[%get3A_64, %get3A_65] : memref<16x64xf32, #tpu.memory_space<vmem>>, vector<16x64xf32>
    %dot_general3A_67 = arith.constant dense<0.000000e+00> : vector<2048x64xf32>
    %dot_general3A_68 = tpu.matmul %get3A_63, %get3A_66, %dot_general3A_67 {dimension_numbers = #tpu.dot_dimension_numbers<[1], [0], [0], [1], [0, 0, 1, 1], [], []>, transpose_lhs_hint = false} : vector<2048x16xf32>, vector<16x64xf32>, vector<2048x64xf32> -> vector<2048x64xf32>
    %add3A_69 = arith.addf %add3A_60, %dot_general3A_68 : vector<2048x64xf32>
    %get3A_70 = arith.constant 0 : index
    %get3A_71 = arith.constant 0 : index
    %get3A_72 = vector.load %arg7[%get3A_70, %get3A_71] : memref<2048x16xf32, #tpu.memory_space<vmem>>, vector<2048x16xf32>
    %get3A_73 = arith.constant 0 : index
    %get3A_74 = arith.constant 0 : index
    %get3A_75 = vector.load %arg16[%get3A_73, %get3A_74] : memref<16x64xf32, #tpu.memory_space<vmem>>, vector<16x64xf32>
    %dot_general3A_76 = arith.constant dense<0.000000e+00> : vector<2048x64xf32>
    %dot_general3A_77 = tpu.matmul %get3A_72, %get3A_75, %dot_general3A_76 {dimension_numbers = #tpu.dot_dimension_numbers<[1], [0], [0], [1], [0, 0, 1, 1], [], []>, transpose_lhs_hint = false} : vector<2048x16xf32>, vector<16x64xf32>, vector<2048x64xf32> -> vector<2048x64xf32>
    %add3A_78 = arith.addf %add3A_69, %dot_general3A_77 : vector<2048x64xf32>
    %get3A_79 = arith.constant 0 : index
    %get3A_80 = arith.constant 0 : index
    %get3A_81 = vector.load %arg8[%get3A_79, %get3A_80] : memref<2048x16xf32, #tpu.memory_space<vmem>>, vector<2048x16xf32>
    %get3A_82 = arith.constant 0 : index
    %get3A_83 = arith.constant 0 : index
    %get3A_84 = vector.load %arg17[%get3A_82, %get3A_83] : memref<16x64xf32, #tpu.memory_space<vmem>>, vector<16x64xf32>
    %dot_general3A_85 = arith.constant dense<0.000000e+00> : vector<2048x64xf32>
    %dot_general3A_86 = tpu.matmul %get3A_81, %get3A_84, %dot_general3A_85 {dimension_numbers = #tpu.dot_dimension_numbers<[1], [0], [0], [1], [0, 0, 1, 1], [], []>, transpose_lhs_hint = false} : vector<2048x16xf32>, vector<16x64xf32>, vector<2048x64xf32> -> vector<2048x64xf32>
    %add3A_87 = arith.addf %add3A_78, %dot_general3A_86 : vector<2048x64xf32>
    %get3A_88 = arith.constant 0 : index
    %get3A_89 = arith.constant 0 : index
    %get3A_90 = vector.load %arg9[%get3A_88, %get3A_89] : memref<2048x16xf32, #tpu.memory_space<vmem>>, vector<2048x16xf32>
    %get3A_91 = arith.constant 0 : index
    %get3A_92 = arith.constant 0 : index
    %get3A_93 = vector.load %arg18[%get3A_91, %get3A_92] : memref<16x64xf32, #tpu.memory_space<vmem>>, vector<16x64xf32>
    %dot_general3A_94 = arith.constant dense<0.000000e+00> : vector<2048x64xf32>
    %dot_general3A_95 = tpu.matmul %get3A_90, %get3A_93, %dot_general3A_94 {dimension_numbers = #tpu.dot_dimension_numbers<[1], [0], [0], [1], [0, 0, 1, 1], [], []>, transpose_lhs_hint = false} : vector<2048x16xf32>, vector<16x64xf32>, vector<2048x64xf32> -> vector<2048x64xf32>
    %add3A_96 = arith.addf %add3A_87, %dot_general3A_95 : vector<2048x64xf32>
    %get3A_97 = arith.constant 0 : index
    %get3A_98 = arith.constant 0 : index
    %get3A_99 = vector.load %arg10[%get3A_97, %get3A_98] : memref<2048x16xf32, #tpu.memory_space<vmem>>, vector<2048x16xf32>
    %get3A_100 = arith.constant 0 : index
    %get3A_101 = arith.constant 0 : index
    %get3A_102 = vector.load %arg19[%get3A_100, %get3A_101] : memref<16x64xf32, #tpu.memory_space<vmem>>, vector<16x64xf32>
    %dot_general3A_103 = arith.constant dense<0.000000e+00> : vector<2048x64xf32>
    %dot_general3A_104 = tpu.matmul %get3A_99, %get3A_102, %dot_general3A_103 {dimension_numbers = #tpu.dot_dimension_numbers<[1], [0], [0], [1], [0, 0, 1, 1], [], []>, transpose_lhs_hint = false} : vector<2048x16xf32>, vector<16x64xf32>, vector<2048x64xf32> -> vector<2048x64xf32>
    %add3A_105 = arith.addf %add3A_96, %dot_general3A_104 : vector<2048x64xf32>
    %get3A_106 = arith.constant 0 : index
    %get3A_107 = arith.constant 0 : index
    %get3A_108 = vector.load %arg20[%get3A_106, %get3A_107] : memref<1x64xf32, #tpu.memory_space<vmem>>, vector<1x64xf32>
    %add3A_109 = vector.broadcast %get3A_108 : vector<1x64xf32> to vector<2048x64xf32>
    %add3A_110 = arith.addf %add3A_105, %add3A_109 : vector<2048x64xf32>
    %swap3A = arith.constant 0 : index
    %swap3A_111 = arith.constant 0 : index
    %swap3A_112 = vector.load %arg21[%swap3A, %swap3A_111] : memref<2048x64xf32, #tpu.memory_space<vmem>>, vector<2048x64xf32>
    tpu.vector_store %arg21[%swap3A, %swap3A_111], %add3A_110 {strides = array<i32>} : memref<2048x64xf32, #tpu.memory_space<vmem>>, vector<2048x64xf32>,
    return
  }
  func.func @transform_0(%arg0: i32) -> (i32, i32) {
    %c0_i32 = arith.constant 0 : i32
    %c0_i32_0 = arith.constant 0 : i32
    return %arg0, %c0_i32 : i32, i32
  }
  func.func @transform_1(%arg0: i32) -> (i32, i32) {
    %c0_i32 = arith.constant 0 : i32
    %c0_i32_0 = arith.constant 0 : i32
    return %arg0, %c0_i32 : i32, i32
  }
  func.func @transform_2(%arg0: i32) -> (i32, i32) {
    %c0_i32 = arith.constant 0 : i32
    %c0_i32_0 = arith.constant 0 : i32
    return %arg0, %c0_i32 : i32, i32
  }
  func.func @transform_3(%arg0: i32) -> (i32, i32) {
    %c0_i32 = arith.constant 0 : i32
    %c0_i32_0 = arith.constant 0 : i32
    return %arg0, %c0_i32 : i32, i32
  }
  func.func @transform_4(%arg0: i32) -> (i32, i32) {
    %c0_i32 = arith.constant 0 : i32
    %c0_i32_0 = arith.constant 0 : i32
    return %arg0, %c0_i32 : i32, i32
  }
  func.func @transform_5(%arg0: i32) -> (i32, i32) {
    %c0_i32 = arith.constant 0 : i32
    %c0_i32_0 = arith.constant 0 : i32
    return %arg0, %c0_i32 : i32, i32
  }
  func.func @transform_6(%arg0: i32) -> (i32, i32) {
    %c0_i32 = arith.constant 0 : i32
    %c0_i32_0 = arith.constant 0 : i32
    return %arg0, %c0_i32 : i32, i32
  }
  func.func @transform_7(%arg0: i32) -> (i32, i32) {
    %c0_i32 = arith.constant 0 : i32
    %c0_i32_0 = arith.constant 0 : i32
    return %arg0, %c0_i32 : i32, i32
  }
  func.func @transform_8(%arg0: i32) -> (i32, i32) {
    %c0_i32 = arith.constant 0 : i32
    %c0_i32_0 = arith.constant 0 : i32
    return %arg0, %c0_i32 : i32, i32
  }
  func.func @transform_9(%arg0: i32) -> (i32, i32) {
    %c0_i32 = arith.constant 0 : i32
    %c0_i32_0 = arith.constant 0 : i32
    return %arg0, %c0_i32 : i32, i32
  }
  func.func @transform_10(%arg0: i32) -> (i32, i32) {
    %c0_i32 = arith.constant 0 : i32
    %c0_i32_0 = arith.constant 0 : i32
    %c0_i32_1 = arith.constant 0 : i32
    return %c0_i32, %c0_i32_0 : i32, i32
  }
  func.func @transform_11(%arg0: i32) -> (i32, i32) {
    %c0_i32 = arith.constant 0 : i32
    %c0_i32_0 = arith.constant 0 : i32
    %c0_i32_1 = arith.constant 0 : i32
    return %c0_i32, %c0_i32_0 : i32, i32
  }
  func.func @transform_12(%arg0: i32) -> (i32, i32) {
    %c0_i32 = arith.constant 0 : i32
    %c0_i32_0 = arith.constant 0 : i32
    %c0_i32_1 = arith.constant 0 : i32
    return %c0_i32, %c0_i32_0 : i32, i32
  }
  func.func @transform_13(%arg0: i32) -> (i32, i32) {
    %c0_i32 = arith.constant 0 : i32
    %c0_i32_0 = arith.constant 0 : i32
    %c0_i32_1 = arith.constant 0 : i32
    return %c0_i32, %c0_i32_0 : i32, i32
  }
  func.func @transform_14(%arg0: i32) -> (i32, i32) {
    %c0_i32 = arith.constant 0 : i32
    %c0_i32_0 = arith.constant 0 : i32
    %c0_i32_1 = arith.constant 0 : i32
    return %c0_i32, %c0_i32_0 : i32, i32
  }
  func.func @transform_15(%arg0: i32) -> (i32, i32) {
    %c0_i32 = arith.constant 0 : i32
    %c0_i32_0 = arith.constant 0 : i32
    %c0_i32_1 = arith.constant 0 : i32
    return %c0_i32, %c0_i32_0 : i32, i32
  }
  func.func @transform_16(%arg0: i32) -> (i32, i32) {
    %c0_i32 = arith.constant 0 : i32
    %c0_i32_0 = arith.constant 0 : i32
    %c0_i32_1 = arith.constant 0 : i32
    return %c0_i32, %c0_i32_0 : i32, i32
  }
  func.func @transform_17(%arg0: i32) -> (i32, i32) {
    %c0_i32 = arith.constant 0 : i32
    %c0_i32_0 = arith.constant 0 : i32
    %c0_i32_1 = arith.constant 0 : i32
    return %c0_i32, %c0_i32_0 : i32, i32
  }
  func.func @transform_18(%arg0: i32) -> (i32, i32) {
    %c0_i32 = arith.constant 0 : i32
    %c0_i32_0 = arith.constant 0 : i32
    %c0_i32_1 = arith.constant 0 : i32
    return %c0_i32, %c0_i32_0 : i32, i32
  }
  func.func @transform_19(%arg0: i32) -> (i32, i32) {
    %c0_i32 = arith.constant 0 : i32
    %c0_i32_0 = arith.constant 0 : i32
    %c0_i32_1 = arith.constant 0 : i32
    return %c0_i32, %c0_i32_0 : i32, i32
  }
  func.func @transform_20(%arg0: i32) -> (i32, i32) {
    %c0_i32 = arith.constant 0 : i32
    %c0_i32_0 = arith.constant 0 : i32
    return %arg0, %c0_i32 : i32, i32
  }
}

</mosaic_0001>

<sc_bundles>
// kernel: kernel.6.cloned.1.call-start
scs
__scs_entry_jumppad:
0x0: {  	(pc) =	sbr.rel $0x88, $3  }
0x1: {  	(tag) =	ssettag $0x0;
	lr =	simm.s32 $0x1  }
0x2: {  	[smem:$0x3F8D] =	sst lr;
	_ =	strace $0xD0000000  }
0x3: {  	_ = 	snop  }
0x4: {  	_ = 	snop  }
0x5: {  	_ = 	snop  }
0x6: {  	_ = 	snop  }
0x7: {  	_ = 	snop  }
__scs_overlays_trampoline_lowered:
0x8: {  	[smem:$0x3F9C] =	sst s0  }
0x9: {  	[smem:$0x3F9D] =	sst s1  }
0xa: {  	[smem:$0x3F9E] =	sst s2  }
0xb: {  	[smem:$0x3F9F] =	sst s3  }
0xc: {  	[smem:$0x3FA0] =	sst s4  }
0xd: {  	[smem:$0x3FA1] =	sst s5  }
0xe: {  	[smem:$0x3FA2] =	sst s6  }
0xf: {  	[smem:$0x3FA3] =	sst s7  }
0x10: {  	[smem:$0x3FA4] =	sst s8  }
0x11: {  	[smem:$0x3FA5] =	sst s9;
	s0 =	simm.s32 @!p0 $0x0  }
0x12: {  	s1 =	sld [smem:$0x3F8B];
	s0 =	simm.s32 @p0 $0x1  }
0x13: {  	[smem:$0x3FA6] =	sst s0;
	s0 =	simm.s32 @!p1 $0x0  }
0x14: {  	s2 =	sld [smem:$0x3F8A];
	s0 =	simm.s32 @p1 $0x1  }
0x15: {  	[smem:$0x3FA7] =	sst s0;
	s0 =	simm.s32 @!p2 $0x0  }
0x16: {  	s3 =	sld [smem:$0x3FDB];
	s0 =	simm.s32 @p2 $0x1  }
0x17: {  	s4 =	simm.s32 $0x1BF5;
	[smem:$0x3FA9] =	sst s0  }
0x18: {  	s0 =	sld [smem:$0x3F8C];
	_ =	swait.ge [sflag:s4], $0x0  }
0x19: {  	s7 =	sld [smem:$0x3F8D]  }
0x1a: {  	s8 =	sadd.s32 $0xFFFFE003, lr  }
0x1b: {  	s9 =	sadd.s32 $0xFFFFFEF7, lr;
	s5 =	simm.s32 $0xFFFFFFFF;
	p2 =	slt.u32 s8, $0xFFFFF086  }
0x1c: {  	p1 =	slt.u32 s9, $0xF7A;
	s5 =	simm.s32 @!p2 $0x0  }
0x1d: {  	s5 =	simm.s32 @p1 $0x1;
	p0 =	seq.s32 s7, s2  }
0x1e: {  	s7 =	smul.u32 @!p0 $0xF7A, s2;
	p2 =	seq.s32 @!p0 s5, $0x0  }
0x1f: {  	s9 =	smul.u32 $0xF7A, s1;
	s8 =	simm.s32 @!p0 $0x1BF5;
	p2 =	por !p2, p0  }
0x20: {  	[sflag:s8] =	ssyncset.s32 @!p0 $0xFFFFF086;
	s6 =	sadd.s32 @!p0 s3, s7;
	s7 =	simm.s32 @!p0 $0x108  }
0x21: {  	s3 =	sadd.s32 s3, s9;
	s6 =	sadd.s32 @!p0 $0x88, s6;
	s7 =	simm.s32 @p2 $0x1082  }
0x22: {  	[simem:s7], [sflag:s8] =	dma.local @!p0 [hbm:s6], $0xF7A  }
0x23: {  	s9 =	sor.u32 $0xD0000000, s2;
	s6 =	simm.s32 $0x108;
	_ =	swait.ge @!p0 [sflag:s8], $0x0  }
0x24: {  	s3 =	sadd.s32 $0x88, s3;
	s6 =	simm.s32 @!p1 $0x1082;
	[sflag:s4] =	ssyncset.s32 $0xFFFFF086  }
0x25: {  	[simem:s6], [sflag:s4] =	dma.local [hbm:s3], $0xF7A  }
0x26: {  	[smem:$0x3F8D] =	sst s1;
	(tag) =	ssettag s2;
	_ =	strace s9  }
0x27: {  	s1 =	sld [smem:$0x3F9D]  }
0x28: {  	s2 =	sld [smem:$0x3F9E]  }
0x29: {  	s4 =	sld [smem:$0x3FA0]  }
0x2a: {  	p0 =	seq.s32 s5, $0x0;
	s5 =	sld [smem:$0x3FA1]  }
0x2b: {  	s6 =	sld [smem:$0x3FA2]  }
0x2c: {  	s7 =	sld [smem:$0x3FA3]  }
0x2d: {  	s3 =	simm.s32 $0x108;
	s8 =	sld [smem:$0x3FA4]  }
0x2e: {  	s3 =	simm.s32 @!p0 $0x1082;
	s9 =	sld [smem:$0x3FA5]  }
0x2f: {  	lr =	sadd.s32 s0, s3;
	s0 =	sld [smem:$0x3F9C]  }
0x30: {  	s3 =	sld [smem:$0x3F9F]  }
0x31: {  	[smem:$0x3FA8] =	sst s10  }
0x32: {  	s10 =	sld [smem:$0x3FA6];
	_ =	sdelay $0x3  }
0x33: {  	p0 =	seq.s32 s10, $0x1;
	s10 =	sld [smem:$0x3FA8];
	_ =	sdelay $0x3  }
0x34: {  	[smem:$0x3FA8] =	sst s10  }
0x35: {  	s10 =	sld [smem:$0x3FA7];
	_ =	sdelay $0x3  }
0x36: {  	p1 =	seq.s32 s10, $0x1;
	s10 =	sld [smem:$0x3FA8];
	_ =	sdelay $0x3  }
0x37: {  	[smem:$0x3FA8] =	sst s10  }
0x38: {  	s10 =	sld [smem:$0x3FA9]  }
0x39: {  	_ = 	snop;
	(pc) =	sbr.ind lr, $3  }
0x3a: {  	_ = 	snop  }
0x3b: {  	_ = 	snop  }
0x3c: {  	p2 =	seq.s32 s10, $0x1;
	s10 =	sld [smem:$0x3FA8]  }
0x3d: {  	_ =	shalt  }
0x3e: {  	_ =	shalt  }
0x3f: {  	_ =	shalt  }
0x40: {  	_ =	shalt  }
0x41: {  	_ =	shalt  }
0x42: {  	_ =	shalt  }
0x43: {  	_ =	shalt  }
0x44: {  	_ =	shalt  }
0x45: {  	_ =	shalt  }
0x46: {  	_ =	shalt  }
0x47: {  	_ =	shalt  }
0x48: {  	_ =	shalt  }
0x49: {  	_ =	shalt  }
0x4a: {  	_ =	shalt  }
0x4b: {  	_ =	shalt  }
0x4c: {  	_ =	shalt  }
0x4d: {  	_ =	shalt  }
0x4e: {  	_ =	shalt  }
0x4f: {  	_ =	shalt  }
0x50: {  	_ =	shalt  }
0x51: {  	_ =	shalt  }
0x52: {  	_ =	shalt  }
0x53: {  	_ =	shalt  }
0x54: {  	_ =	shalt  }
0x55: {  	_ =	shalt  }
0x56: {  	_ =	shalt  }
0x57: {  	_ =	shalt  }
0x58: {  	_ =	shalt  }
0x59: {  	_ =	shalt  }
0x5a: {  	_ =	shalt  }
0x5b: {  	_ =	shalt  }
0x5c: {  	_ =	shalt  }
0x5d: {  	_ =	shalt  }
0x5e: {  	_ =	shalt  }
0x5f: {  	_ =	shalt  }
0x60: {  	_ =	shalt  }
0x61: {  	_ =	shalt  }
0x62: {  	_ =	shalt  }
0x63: {  	_ =	shalt  }
0x64: {  	_ =	shalt  }
0x65: {  	_ =	shalt  }
0x66: {  	_ =	shalt  }
0x67: {  	_ =	shalt  }
0x68: {  	_ =	shalt  }
0x69: {  	_ =	shalt  }
0x6a: {  	_ =	shalt  }
0x6b: {  	_ =	shalt  }
0x6c: {  	_ =	shalt  }
0x6d: {  	_ =	shalt  }
0x6e: {  	_ =	shalt  }
0x6f: {  	_ =	shalt  }
0x70: {  	_ =	shalt  }
0x71: {  	_ =	shalt  }
0x72: {  	_ =	shalt  }
0x73: {  	_ =	shalt  }
0x74: {  	_ =	shalt  }
0x75: {  	_ =	shalt  }
0x76: {  	_ =	shalt  }
0x77: {  	_ =	shalt  }
0x78: {  	_ =	shalt  }
0x79: {  	_ =	shalt  }
0x7a: {  	_ =	shalt  }
0x7b: {  	_ =	shalt  }
0x7c: {  	_ =	shalt  }
0x7d: {  	_ =	shalt  }
0x7e: {  	_ =	shalt  }
0x7f: {  	_ =	shalt  }
0x80: {  	_ =	shalt  }
0x81: {  	_ =	shalt  }
0x82: {  	_ =	shalt  }
0x83: {  	_ =	shalt  }
0x84: {  	_ =	shalt  }
0x85: {  	_ =	shalt  }
0x86: {  	_ =	shalt  }
0x87: {  	_ =	shalt  }
.Lfunc_end0:
.L_simem_size_0:
called_computation_lowered:
.L_overlay_start_0:
0x88: {  	s2 =	sld [smem:$0x3FD9]  }
0x89: {  	s3 =	sld [smem:$0x3FFE];
	_ =	sdelay $0x1  }
0x8a: {  	s1 =	srdreg.scid  }
0x8b: {  	s0 =	sand.u32 $0x1, s1  }
0x8c: {  	s17 =	sshll.u32 s0, $0xA;
	s2 =	sadd.s32 s3, s2  }
0x8d: {  	s2 =	sadd.s32 s2, s17  }
0x8e: {  	[smem:$0x3FB4] =	sst s2  }
0x8f: {  	_ = 	snop  }
0x90: {  	(tm) =	ssettm $0x1  }
0x91: {  	s18 =	sld [smem:$0x3FFB];
	_ =	sdelay $0x3  }
0x92: {  	_ =	strace s18  }
0x93: {  	s2 =	sld [smem:$0x3FFC];
	_ =	sdelay $0x3  }
0x94: {  	_ =	strace s2  }
0x95: {  	s2 =	sld [smem:$0x3FFD];
	_ =	sdelay $0x3  }
0x96: {  	_ =	strace s2  }
0x97: {  	_ =	strace $0x8FFFFFFF  }
0x98: {  	s19 =	sld [smem:$0x3FDB];
	_ =	sdelay $0x1  }
0x99: {  	s20 =	simm.s32 $_scs_section_size  }
0x9a: {  	s4 =	simm.s32 $_size__tile_overlayer_lowered;
	s5 =	simm.s32 $_tile_overlayer_lowered  }
0x9b: {  	s6 =	simm.s32 $0x1BFF;
	s21 =	sshll.u32 s5, $0x1;
	s3 =	sadd.s32 s20, s19  }
0x9c: {  	s22 =	simm.s32 $0x0;
	s4 =	sshll.u32 s4, $0x1;
	s5 =	sadd.s32 s21, s3  }
0x9d: {  	[timem:s22], [sflag:s6] =	dma.local [hbm:s5], s4  }
0x9e: {  	_ =	swait.ge [sflag:s6], s4  }
0x9f: {  	s4 =	ssub.s32 $0x0, s4;
	[sflag:s6] =	ssyncset.done $0x0  }
0xa0: {  	[sflag:s6] =	ssyncadd.s32 s4;
	_ =	sdelay $0x1  }
0xa1: {  	s23 =	simm.s32 $0x1B8B  }
0xa2: {  	_ =	swait.ge [sflag:s23], $0x1  }
0xa3: {  	[sflag:s23] =	ssyncset.done $0x0  }
0xa4: {  	[sflag:s23] =	ssyncadd.s32 $0xFFFFFFFF  }
0xa5: {  	s4 =	sld [smem:$0x0]  }
0xa6: {  	s5 =	sand.u32 $0xFFFFFFFE, s1  }
0xa7: {  	p0 =	sne.s32 s1, s5  }
0xa8: {  	s5 =	sshll.u32 @p0 s5, $0xE  }
0xa9: {  	s5 =	sadd.s32 @p0 $0x11B8D, s5;
	s6 =	sshll.u32 @p0 s4, $0x11  }
0xaa: {  	s5 =	sor.u32 @p0 s6, s5  }
0xab: {  	[sflag:s5] =	ssyncadd.remote.s32 @p0 $0x1;
	_ =	sdelay $0x1  }
0xac: {  	s5 =	simm.s32 @p0 $0x1B8D  }
0xad: {  	_ =	swait.eq @p0 [sflag:s5], $0x1  }
0xae: {  	[sflag:s5] =	ssyncadd.s32 @p0 $0xFFFFFFFF  }
0xaf: {  	s6 =	sshll.u32 @!p0 s1, $0xE  }
0xb0: {  	s6 =	sor.u32 @!p0 $0x4000, s6;
	s5 =	simm.s32 @!p0 $0x1B8D  }
0xb1: {  	s4 =	sshll.u32 @!p0 s4, $0x11;
	s6 =	sadd.s32 @!p0 $0x11B8D, s6;
	_ =	swait.eq @!p0 [sflag:s5], $0x1  }
0xb2: {  	s4 =	sor.u32 @!p0 s4, s6;
	[sflag:s5] =	ssyncadd.s32 @!p0 $0xFFFFFFFF  }
0xb3: {  	s25 =	simm.s32 $0x1B8E;
	s24 =	sld [smem:$0x3FFE];
	[sflag:s4] =	ssyncadd.remote.s32 @!p0 $0x1  }
0xb4: {  	s26 =	simm.s32 $execute0_lowered;
	[smem:$0x3FD2] =	sst s25  }
0xb5: {  	s5 =	sshll.u32 s26, $0x1;
	_ =	strace $0x80000049;
	[dreg:$0x1] =	wrdreg $0xFFFFFFFF  }
0xb6: {  	s28 =	simm.s32 $_size_execute0_lowered;
	s3 =	sadd.s32 s3, s5;
	[dreg:$0x0] =	wrdreg $0x0  }
0xb7: {  	s5 =	sshll.u32 s28, $0x1;
	[dreg:$0x2] =	wrdreg s3  }
0xb8: {  	[dreg:$0x3] =	wrdreg s5  }
0xb9: {  	[dreg:$0x4] =	wrdreg $0xC0  }
0xba: {  	_ =	task [dreg:s22], $0x5FFFF  }
0xbb: {  	[dreg:$0x1] =	wrdreg $0xFFFFFFFF  }
0xbc: {  	[dreg:$0x0] =	wrdreg $0x60  }
0xbd: {  	[dreg:$0x2] =	wrdreg s24  }
0xbe: {  	[dreg:$0x3] =	wrdreg $0x9  }
0xbf: {  	_ =	task.clear_ibuf [dreg:s22], $0x4FFFF;
	_ =	strace $0x90000049  }
0xc0: {  	s29 =	simm.s32 $0x9;
	_ =	strace $0x8000004B  }
0xc1: {  	_ =	swait.ge [sflag:s29], $0x1  }
0xc2: {  	[sflag:s29] =	ssyncadd.s32 $0xFFFFFFFF  }
0xc3: {  	_ =	strace $0x9000004B  }
0xc4: {  	_ =	sfence  }
0xc5: {  	s30 =	sld [smem:$0x0];
	_ =	sdelay $0x2  }
0xc6: {  	s31 =	sshll.u32 s1, $0xD;
	s1 =	sshrl.u32 s1, $0x2  }
0xc7: {  	s4 =	sand.u32 $0x4000, s31;
	s1 =	sadd.s32 s1, s30  }
0xc8: {  	s0 =	sor.u32 s4, s0;
	s1 =	sshll.u32 s1, $0x11  }
0xc9: {  	s0 =	sor.u32 s1, s0  }
0xca: {  	s0 =	sadd.s32 $0x8F2B, s0  }
0xcb: {  	[sflag:s0] =	ssyncadd.remote.s32 $0x1  }
0xcc: {  	_ =	sfence.sel $0xFFFF  }
0xcd: {  	[dreg:$0x0] =	wrdreg $0xFFFFFFFF;
	(pc) =	sbr.abs _section_cstart, $3  }
0xce: {  	[dreg:$0x1] =	wrdreg $0xFFFFFFFF  }
0xcf: {  	_ =	task.clear_ibuf [dreg:s22], $0x2FFFF;
	_ =	strace $0x9FFFFFFF  }
0xd0: {  	(tm) =	ssettm $0x7FFFFFFF  }
0xd1: {  	_ =	shalt  }
tec
execute0_lowered:
.L_overlay_start_1:
0x0: {  	(tag) =	ssettag $0x1  }
0x1: {  	s0 =	srdreg.scid  }
0x2: {  	s10 =	rddreg [dreg:$0x0];
	s16 =	sand.u32 $0x1, s0  }
0x3: {  	s1 =	stileid.u32;
	s2 =	simm.s32 $0x0;
	s3 =	sshll.u32 s16, $0x6  }
0x4: {  	s0 =	rddreg [dreg:$0x1];
	s4 =	sshll.u32 s1, $0x7;
	s3 =	sadd.s32 s3, s10  }
0x5: {  	[smem:$0x7FF] =	sst s2;
	s3 =	sadd.s32 s4, s3  }
0x6: {  	_ =	strace $0x8000004A;
	s4 =	sadd.s32 $0x48000, s3;
	s3 =	simm.s32 $0x3  }
0x7: {  	[tilespmem:s2], [sflag:$0x3] =	stream.linear.gather [hbm4b:s4+s2], $0x200, $0x38;
	[tilespmem:$0x8200] =	vst v63  }
0x8: {  	_ =	swait.ge [sflag:s3], $0x200  }
0x9: {  	s6 =	simm.s32 $0x80;
	s7 =	simm.s32 $0x200;
	[sflag:s3] =	ssyncset.done $0x0  }
0xa: {  	s8 =	simm.s32 $0x4200;
	s5 =	sadd.s32 $0x2E85800, s10;
	[sflag:s3] =	ssyncadd.s32 $0xFFFFFE00  }
0xb: {  	[tilespmem:s7], [sflag:$0x1] =	stream.indirect.gather [hbm4b:s5+s6], $0x80, s2, s6, $0xb8;
	[tilespmem:$0x8200] =	vst v63  }
0xc: {  	s9 =	simm.s32 $0x1;
	s11 =	sshll.u32 s1, $0xE;
	s12 =	sshll.u32 s16, $0xD  }
0xd: {  	[tilespmem:s8], [sflag:$0x2] =	stream.indirect.gather [hbm4b:s5+s6], $0x80, s6, s6, $0xb8;
	[tilespmem:$0x8200] =	vst v63  }
0xe: {  	s11 =	sor.u32 s12, s11;
	_ =	swait.ge [sflag:s9], $0x4000  }
0xf: {  	s17 =	sadd.s32 s11, s10;
	[sflag:s9] =	ssyncset.done $0x0  }
0x10: {  	s10 =	sadd.s32 $0x48800, s17;
	[sflag:s9] =	ssyncadd.s32 $0xFFFFC000  }
0x11: {  	[hbm4b:s10+s2] =	stream.linear.scatter [tilespmem:s7], [sflag:$0x3], $0x4000, $0x38;
	[tilespmem:$0x8200] =	vst v63  }
0x12: {  	_ =	swait.ge [sflag:s3], $0x4000  }
0x13: {  	[sflag:s3] =	ssyncset.done $0x0  }
0x14: {  	s12 =	simm.s32 $0x2;
	s11 =	simm.s32 $0x100;
	[sflag:s3] =	ssyncadd.s32 $0xFFFFC000  }
0x15: {  	[tilespmem:s7], [sflag:$0x1] =	stream.indirect.gather [hbm4b:s5+s6], $0x80, s11, s6, $0xb8;
	[tilespmem:$0x8200] =	vst v63  }
0x16: {  	_ =	swait.ge [sflag:s12], $0x4000  }
0x17: {  	[sflag:s12] =	ssyncset.done $0x0  }
0x18: {  	s13 =	sadd.s32 $0x49000, s17;
	[sflag:s12] =	ssyncadd.s32 $0xFFFFC000  }
0x19: {  	[hbm4b:s13+s2] =	stream.linear.scatter [tilespmem:s8], [sflag:$0x3], $0x4000, $0x38;
	[tilespmem:$0x8200] =	vst v63  }
0x1a: {  	_ =	swait.ge [sflag:s3], $0x4000  }
0x1b: {  	[sflag:s3] =	ssyncset.done $0x0  }
0x1c: {  	s14 =	simm.s32 $0x180;
	[sflag:s3] =	ssyncadd.s32 $0xFFFFC000  }
0x1d: {  	[tilespmem:s8], [sflag:$0x2] =	stream.indirect.gather [hbm4b:s5+s6], $0x80, s14, s6, $0xb8;
	[tilespmem:$0x8200] =	vst v63  }
0x1e: {  	_ =	swait.ge [sflag:s9], $0x4000  }
0x1f: {  	[sflag:s9] =	ssyncset.done $0x0  }
0x20: {  	s16 =	ssub.s32 $0x2, s16;
	s15 =	sadd.s32 $0x49800, s17;
	[sflag:s9] =	ssyncadd.s32 $0xFFFFC000  }
0x21: {  	[hbm4b:s15+s2] =	stream.linear.scatter [tilespmem:s7], [sflag:$0x3], $0x4000, $0x38;
	[tilespmem:$0x8200] =	vst v63  }
0x22: {  	s18 =	sshrl.u32 s16, $0x1;
	_ =	swait.ge [sflag:s3], $0x4000  }
0x23: {  	s18 =	ssub.s32 s16, s18;
	[sflag:s3] =	ssyncset.done $0x0  }
0x24: {  	s31 =	smax.u32 s18, $0x1;
	[sflag:s3] =	ssyncadd.s32 $0xFFFFC000  }
0x25: {  	p0 =	sne.s32 s31, $0x1;
	_ =	swait.ge [sflag:s12], $0x4000  }
.Ltmp0:
0x26: {  	[sflag:s12] =	ssyncset.done $0x0;
	(pc) =	sbr.rel @!p0 .LBB2_2-.Ltmp0, $4  }
0x27: {  	s16 =	sadd.s32 $0x4A000, s17;
	[sflag:s12] =	ssyncadd.s32 $0xFFFFC000  }
0x28: {  	[hbm4b:s16+s2] =	stream.linear.scatter [tilespmem:s8], [sflag:$0x3], $0x4000, $0x38;
	[tilespmem:$0x8200] =	vst v63  }
0x29: {  	_ =	swait.ge [sflag:s3], $0x4000  }
0x2a: {  	s17 =	sadd.s32 $0xFFFFFFFF, s31;
	[sflag:s3] =	ssyncset.done $0x0  }
.LBB2_1:
0x2b: {  	p0 =	sne.s32 s17, $0x1;
	s17 =	sadd.s32 $0xFFFFFFFF, s17;
	[sflag:s3] =	ssyncadd.s32 $0xFFFFC000  }
0x2c: {  	[tilespmem:s2], [sflag:$0x3] =	stream.linear.gather [hbm4b:s4+s2], $0x200, $0x38;
	[tilespmem:$0x8200] =	vst v63  }
0x2d: {  	_ =	swait.ge [sflag:s3], $0x200  }
0x2e: {  	[sflag:s3] =	ssyncset.done $0x0  }
0x2f: {  	[sflag:s3] =	ssyncadd.s32 $0xFFFFFE00  }
0x30: {  	[tilespmem:s7], [sflag:$0x1] =	stream.indirect.gather [hbm4b:s5+s6], $0x80, s2, s6, $0xb8;
	[tilespmem:$0x8200] =	vst v63  }
0x31: {  	_ = 	snop  }
0x32: {  	[tilespmem:s8], [sflag:$0x2] =	stream.indirect.gather [hbm4b:s5+s6], $0x80, s6, s6, $0xb8;
	[tilespmem:$0x8200] =	vst v63  }
0x33: {  	_ =	swait.ge [sflag:s9], $0x4000  }
0x34: {  	[sflag:s9] =	ssyncset.done $0x0  }
0x35: {  	[sflag:s9] =	ssyncadd.s32 $0xFFFFC000  }
0x36: {  	[hbm4b:s10+s2] =	stream.linear.scatter [tilespmem:s7], [sflag:$0x3], $0x4000, $0x38;
	[tilespmem:$0x8200] =	vst v63  }
0x37: {  	_ =	swait.ge [sflag:s3], $0x4000  }
0x38: {  	[sflag:s3] =	ssyncset.done $0x0  }
0x39: {  	[sflag:s3] =	ssyncadd.s32 $0xFFFFC000  }
0x3a: {  	[tilespmem:s7], [sflag:$0x1] =	stream.indirect.gather [hbm4b:s5+s6], $0x80, s11, s6, $0xb8;
	[tilespmem:$0x8200] =	vst v63  }
0x3b: {  	_ =	swait.ge [sflag:s12], $0x4000  }
0x3c: {  	[sflag:s12] =	ssyncset.done $0x0  }
0x3d: {  	[sflag:s12] =	ssyncadd.s32 $0xFFFFC000  }
0x3e: {  	[hbm4b:s13+s2] =	stream.linear.scatter [tilespmem:s8], [sflag:$0x3], $0x4000, $0x38;
	[tilespmem:$0x8200] =	vst v63  }
0x3f: {  	_ =	swait.ge [sflag:s3], $0x4000  }
0x40: {  	[sflag:s3] =	ssyncset.done $0x0  }
0x41: {  	[sflag:s3] =	ssyncadd.s32 $0xFFFFC000  }
0x42: {  	[tilespmem:s8], [sflag:$0x2] =	stream.indirect.gather [hbm4b:s5+s6], $0x80, s14, s6, $0xb8;
	[tilespmem:$0x8200] =	vst v63  }
0x43: {  	_ =	swait.ge [sflag:s9], $0x4000  }
0x44: {  	[sflag:s9] =	ssyncset.done $0x0  }
0x45: {  	[sflag:s9] =	ssyncadd.s32 $0xFFFFC000  }
0x46: {  	[hbm4b:s15+s2] =	stream.linear.scatter [tilespmem:s7], [sflag:$0x3], $0x4000, $0x38;
	[tilespmem:$0x8200] =	vst v63  }
0x47: {  	_ =	swait.ge [sflag:s3], $0x4000  }
0x48: {  	[sflag:s3] =	ssyncset.done $0x0  }
0x49: {  	[sflag:s3] =	ssyncadd.s32 $0xFFFFC000  }
0x4a: {  	_ =	swait.ge [sflag:s12], $0x4000  }
.Ltmp1:
0x4b: {  	[sflag:s12] =	ssyncset.done $0x0;
	(pc) =	sbr.rel @p0 .LBB2_1-.Ltmp1, $4  }
0x4c: {  	[sflag:s12] =	ssyncadd.s32 $0xFFFFC000  }
0x4d: {  	[hbm4b:s16+s2] =	stream.linear.scatter [tilespmem:s8], [sflag:$0x3], $0x4000, $0x38;
	[tilespmem:$0x8200] =	vst v63  }
0x4e: {  	_ =	swait.ge [sflag:s3], $0x4000  }
0x4f: {  	[sflag:s3] =	ssyncset.done $0x0  }
.LBB2_2:
0x50: {  	[sflag:s3] =	ssyncadd.s32 $0xFFFFC000  }
0x51: {  	_ =	sfence.sel $0x180000  }
0x52: {  	[bflag:$0x0] =	sbarrier.arrive $0xFFFF  }
0x53: {  	p0 =	sne.s32 s1, $0x0;
	_ =	strace $0x9000004A  }
0x54: {  	s0 =	sadd.s32 @!p0 $0x100000, s0;
	[bflag:$0x2] =	sbarrier.arrive $0xFFFF  }
0x55: {  	[sflag:s0] =	ssyncadd.tile.s32 @!p0 $0x1;
	_ =	shalt  }
.Lfunc_end2:
_tile_overlayer_lowered:
.L_overlay_start_2:
0x56: {  	(tag) =	ssettag $0x2  }
0x57: {  	s0 =	rddreg [dreg:$0x0];
	s2 =	stileid.u32  }
0x58: {  	s1 =	rddreg [dreg:$0x1];
	p0 =	sne.s32 s2, $0x0  }
0x59: {  	s3 =	rddreg [dreg:$0x2];
	[bflag:$0x3] =	sbarrier.arrive $0xFFFF;
	s2 =	simm.s32 @!p0 $0x1C03  }
0x5a: {  	[timem:s3], [sflag:s2] =	dma.local @!p0 [hbm:s0], s1  }
0x5b: {  	s0 =	simm.s32 @!p0 $0x3  }
0x5c: {  	_ =	swait.ge @!p0 [sflag:s0], s1  }
0x5d: {  	s1 =	ssub.s32 @!p0 $0x0, s1;
	[sflag:s0] =	ssyncset.done @!p0 $0x0  }
0x5e: {  	[sflag:s0] =	ssyncadd.s32 @!p0 s1  }
0x5f: {  	[bflag:$0x3] =	sbarrier.arrive $0xFFFF  }
0x60: {  	_ =	shalt  }

// kernel: kernel.9.cloned.1.call-start
scs
__scs_entry_jumppad:
0x0: {  	(pc) =	sbr.rel $0x88, $3  }
0x1: {  	(tag) =	ssettag $0x0;
	lr =	simm.s32 $0x1  }
0x2: {  	[smem:$0x3F8D] =	sst lr;
	_ =	strace $0xD0000000  }
0x3: {  	_ = 	snop  }
0x4: {  	_ = 	snop  }
0x5: {  	_ = 	snop  }
0x6: {  	_ = 	snop  }
0x7: {  	_ = 	snop  }
__scs_overlays_trampoline_lowered:
0x8: {  	[smem:$0x3F9C] =	sst s0  }
0x9: {  	[smem:$0x3F9D] =	sst s1  }
0xa: {  	[smem:$0x3F9E] =	sst s2  }
0xb: {  	[smem:$0x3F9F] =	sst s3  }
0xc: {  	[smem:$0x3FA0] =	sst s4  }
0xd: {  	[smem:$0x3FA1] =	sst s5  }
0xe: {  	[smem:$0x3FA2] =	sst s6  }
0xf: {  	[smem:$0x3FA3] =	sst s7  }
0x10: {  	[smem:$0x3FA4] =	sst s8  }
0x11: {  	[smem:$0x3FA5] =	sst s9;
	s0 =	simm.s32 @!p0 $0x0  }
0x12: {  	s1 =	sld [smem:$0x3F8B];
	s0 =	simm.s32 @p0 $0x1  }
0x13: {  	[smem:$0x3FA6] =	sst s0;
	s0 =	simm.s32 @!p1 $0x0  }
0x14: {  	s2 =	sld [smem:$0x3F8A];
	s0 =	simm.s32 @p1 $0x1  }
0x15: {  	[smem:$0x3FA7] =	sst s0;
	s0 =	simm.s32 @!p2 $0x0  }
0x16: {  	s3 =	sld [smem:$0x3FDB];
	s0 =	simm.s32 @p2 $0x1  }
0x17: {  	s4 =	simm.s32 $0x1BF5;
	[smem:$0x3FA9] =	sst s0  }
0x18: {  	s0 =	sld [smem:$0x3F8C];
	_ =	swait.ge [sflag:s4], $0x0  }
0x19: {  	s7 =	sld [smem:$0x3F8D]  }
0x1a: {  	s8 =	sadd.s32 $0xFFFFE003, lr  }
0x1b: {  	s9 =	sadd.s32 $0xFFFFFEF7, lr;
	s5 =	simm.s32 $0xFFFFFFFF;
	p2 =	slt.u32 s8, $0xFFFFF086  }
0x1c: {  	p1 =	slt.u32 s9, $0xF7A;
	s5 =	simm.s32 @!p2 $0x0  }
0x1d: {  	s5 =	simm.s32 @p1 $0x1;
	p0 =	seq.s32 s7, s2  }
0x1e: {  	s7 =	smul.u32 @!p0 $0xF7A, s2;
	p2 =	seq.s32 @!p0 s5, $0x0  }
0x1f: {  	s9 =	smul.u32 $0xF7A, s1;
	s8 =	simm.s32 @!p0 $0x1BF5;
	p2 =	por !p2, p0  }
0x20: {  	[sflag:s8] =	ssyncset.s32 @!p0 $0xFFFFF086;
	s6 =	sadd.s32 @!p0 s3, s7;
	s7 =	simm.s32 @!p0 $0x108  }
0x21: {  	s3 =	sadd.s32 s3, s9;
	s6 =	sadd.s32 @!p0 $0x88, s6;
	s7 =	simm.s32 @p2 $0x1082  }
0x22: {  	[simem:s7], [sflag:s8] =	dma.local @!p0 [hbm:s6], $0xF7A  }
0x23: {  	s9 =	sor.u32 $0xD0000000, s2;
	s6 =	simm.s32 $0x108;
	_ =	swait.ge @!p0 [sflag:s8], $0x0  }
0x24: {  	s3 =	sadd.s32 $0x88, s3;
	s6 =	simm.s32 @!p1 $0x1082;
	[sflag:s4] =	ssyncset.s32 $0xFFFFF086  }
0x25: {  	[simem:s6], [sflag:s4] =	dma.local [hbm:s3], $0xF7A  }
0x26: {  	[smem:$0x3F8D] =	sst s1;
	(tag) =	ssettag s2;
	_ =	strace s9  }
0x27: {  	s1 =	sld [smem:$0x3F9D]  }
0x28: {  	s2 =	sld [smem:$0x3F9E]  }
0x29: {  	s4 =	sld [smem:$0x3FA0]  }
0x2a: {  	p0 =	seq.s32 s5, $0x0;
	s5 =	sld [smem:$0x3FA1]  }
0x2b: {  	s6 =	sld [smem:$0x3FA2]  }
0x2c: {  	s7 =	sld [smem:$0x3FA3]  }
0x2d: {  	s3 =	simm.s32 $0x108;
	s8 =	sld [smem:$0x3FA4]  }
0x2e: {  	s3 =	simm.s32 @!p0 $0x1082;
	s9 =	sld [smem:$0x3FA5]  }
0x2f: {  	lr =	sadd.s32 s0, s3;
	s0 =	sld [smem:$0x3F9C]  }
0x30: {  	s3 =	sld [smem:$0x3F9F]  }
0x31: {  	[smem:$0x3FA8] =	sst s10  }
0x32: {  	s10 =	sld [smem:$0x3FA6];
	_ =	sdelay $0x3  }
0x33: {  	p0 =	seq.s32 s10, $0x1;
	s10 =	sld [smem:$0x3FA8];
	_ =	sdelay $0x3  }
0x34: {  	[smem:$0x3FA8] =	sst s10  }
0x35: {  	s10 =	sld [smem:$0x3FA7];
	_ =	sdelay $0x3  }
0x36: {  	p1 =	seq.s32 s10, $0x1;
	s10 =	sld [smem:$0x3FA8];
	_ =	sdelay $0x3  }
0x37: {  	[smem:$0x3FA8] =	sst s10  }
0x38: {  	s10 =	sld [smem:$0x3FA9]  }
0x39: {  	_ = 	snop;
	(pc) =	sbr.ind lr, $3  }
0x3a: {  	_ = 	snop  }
0x3b: {  	_ = 	snop  }
0x3c: {  	p2 =	seq.s32 s10, $0x1;
	s10 =	sld [smem:$0x3FA8]  }
0x3d: {  	_ =	shalt  }
0x3e: {  	_ =	shalt  }
0x3f: {  	_ =	shalt  }
0x40: {  	_ =	shalt  }
0x41: {  	_ =	shalt  }
0x42: {  	_ =	shalt  }
0x43: {  	_ =	shalt  }
0x44: {  	_ =	shalt  }
0x45: {  	_ =	shalt  }
0x46: {  	_ =	shalt  }
0x47: {  	_ =	shalt  }
0x48: {  	_ =	shalt  }
0x49: {  	_ =	shalt  }
0x4a: {  	_ =	shalt  }
0x4b: {  	_ =	shalt  }
0x4c: {  	_ =	shalt  }
0x4d: {  	_ =	shalt  }
0x4e: {  	_ =	shalt  }
0x4f: {  	_ =	shalt  }
0x50: {  	_ =	shalt  }
0x51: {  	_ =	shalt  }
0x52: {  	_ =	shalt  }
0x53: {  	_ =	shalt  }
0x54: {  	_ =	shalt  }
0x55: {  	_ =	shalt  }
0x56: {  	_ =	shalt  }
0x57: {  	_ =	shalt  }
0x58: {  	_ =	shalt  }
0x59: {  	_ =	shalt  }
0x5a: {  	_ =	shalt  }
0x5b: {  	_ =	shalt  }
0x5c: {  	_ =	shalt  }
0x5d: {  	_ =	shalt  }
0x5e: {  	_ =	shalt  }
0x5f: {  	_ =	shalt  }
0x60: {  	_ =	shalt  }
0x61: {  	_ =	shalt  }
0x62: {  	_ =	shalt  }
0x63: {  	_ =	shalt  }
0x64: {  	_ =	shalt  }
0x65: {  	_ =	shalt  }
0x66: {  	_ =	shalt  }
0x67: {  	_ =	shalt  }
0x68: {  	_ =	shalt  }
0x69: {  	_ =	shalt  }
0x6a: {  	_ =	shalt  }
0x6b: {  	_ =	shalt  }
0x6c: {  	_ =	shalt  }
0x6d: {  	_ =	shalt  }
0x6e: {  	_ =	shalt  }
0x6f: {  	_ =	shalt  }
0x70: {  	_ =	shalt  }
0x71: {  	_ =	shalt  }
0x72: {  	_ =	shalt  }
0x73: {  	_ =	shalt  }
0x74: {  	_ =	shalt  }
0x75: {  	_ =	shalt  }
0x76: {  	_ =	shalt  }
0x77: {  	_ =	shalt  }
0x78: {  	_ =	shalt  }
0x79: {  	_ =	shalt  }
0x7a: {  	_ =	shalt  }
0x7b: {  	_ =	shalt  }
0x7c: {  	_ =	shalt  }
0x7d: {  	_ =	shalt  }
0x7e: {  	_ =	shalt  }
0x7f: {  	_ =	shalt  }
0x80: {  	_ =	shalt  }
0x81: {  	_ =	shalt  }
0x82: {  	_ =	shalt  }
0x83: {  	_ =	shalt  }
0x84: {  	_ =	shalt  }
0x85: {  	_ =	shalt  }
0x86: {  	_ =	shalt  }
0x87: {  	_ =	shalt  }
.Lfunc_end0:
.L_simem_size_0:
called_computation.1_lowered:
.L_overlay_start_0:
0x88: {  	s2 =	sld [smem:$0x3FD9]  }
0x89: {  	s3 =	sld [smem:$0x3FFE];
	_ =	sdelay $0x1  }
0x8a: {  	s1 =	srdreg.scid  }
0x8b: {  	s0 =	sand.u32 $0x1, s1  }
0x8c: {  	s17 =	sshll.u32 s0, $0xA;
	s2 =	sadd.s32 s3, s2  }
0x8d: {  	s2 =	sadd.s32 s2, s17  }
0x8e: {  	[smem:$0x3FB4] =	sst s2  }
0x8f: {  	_ = 	snop  }
0x90: {  	s2 =	sld [smem:$0x3FC9]  }
0x91: {  	s18 =	sld [smem:$0x3FC8]  }
0x92: {  	s4 =	sld [smem:$0x3FC7]  }
0x93: {  	s5 =	sld [smem:$0x3FC6]  }
0x94: {  	s6 =	sld [smem:$0x3FC5]  }
0x95: {  	s7 =	sld [smem:$0x3FC4]  }
0x96: {  	s8 =	sld [smem:$0x3FC3]  }
0x97: {  	s9 =	sld [smem:$0x3FC2]  }
0x98: {  	s10 =	sld [smem:$0x3FC1]  }
0x99: {  	s11 =	sld [smem:$0x3FD0];
	(tm) =	ssettm $0x1  }
0x9a: {  	s12 =	sld [smem:$0x3FFB];
	_ =	sdelay $0x3  }
0x9b: {  	_ =	strace s12  }
0x9c: {  	s12 =	sld [smem:$0x3FFC];
	_ =	sdelay $0x3  }
0x9d: {  	_ =	strace s12  }
0x9e: {  	s12 =	sld [smem:$0x3FFD];
	_ =	sdelay $0x3  }
0x9f: {  	_ =	strace s12  }
0xa0: {  	_ =	strace $0x8FFFFFFF  }
0xa1: {  	s19 =	sld [smem:$0x3FDB];
	_ =	sdelay $0x1  }
0xa2: {  	s13 =	simm.s32 $_scs_section_size  }
0xa3: {  	s14 =	simm.s32 $_size__tile_overlayer_lowered;
	s15 =	simm.s32 $_tile_overlayer_lowered  }
0xa4: {  	s22 =	simm.s32 $0x1BFF;
	s21 =	sshll.u32 s15, $0x1;
	s12 =	sadd.s32 s13, s19  }
0xa5: {  	s16 =	simm.s32 $0x0;
	s20 =	sshll.u32 s14, $0x1;
	s14 =	sadd.s32 s21, s12  }
0xa6: {  	[timem:s16], [sflag:s22] =	dma.local [hbm:s14], s20  }
0xa7: {  	_ =	swait.ge [sflag:s22], s20  }
0xa8: {  	s13 =	ssub.s32 $0x0, s20;
	[sflag:s22] =	ssyncset.done $0x0  }
0xa9: {  	[sflag:s22] =	ssyncadd.s32 s13;
	_ =	sdelay $0x1  }
0xaa: {  	s23 =	simm.s32 $0x1B8B  }
0xab: {  	_ =	swait.ge [sflag:s23], $0x1  }
0xac: {  	[sflag:s23] =	ssyncset.done $0x0  }
0xad: {  	s25 =	simm.s32 $0x1B8E;
	s24 =	sld [smem:$0x3FFE];
	[sflag:s23] =	ssyncadd.s32 $0xFFFFFFFF  }
0xae: {  	s26 =	simm.s32 $execute0_lowered;
	[smem:$0x3FD2] =	sst s25  }
0xaf: {  	s14 =	sshll.u32 s26, $0x1;
	_ =	strace $0x80000046;
	[dreg:$0x1] =	wrdreg $0xFFFFFFFF  }
0xb0: {  	s28 =	simm.s32 $_size_execute0_lowered;
	s12 =	sadd.s32 s12, s14;
	[dreg:$0x0] =	wrdreg $0x0  }
0xb1: {  	s14 =	sshll.u32 s28, $0x1;
	[dreg:$0x2] =	wrdreg s12  }
0xb2: {  	[dreg:$0x3] =	wrdreg s14  }
0xb3: {  	[dreg:$0x4] =	wrdreg $0xC0  }
0xb4: {  	_ =	task [dreg:s16], $0x5FFFF  }
0xb5: {  	[dreg:$0x1] =	wrdreg $0xFFFFFFFF  }
0xb6: {  	[dreg:$0x0] =	wrdreg $0x60  }
0xb7: {  	[dreg:$0x2] =	wrdreg s2  }
0xb8: {  	[dreg:$0x3] =	wrdreg s18  }
0xb9: {  	[dreg:$0x4] =	wrdreg s4  }
0xba: {  	[dreg:$0x5] =	wrdreg s5  }
0xbb: {  	[dreg:$0x6] =	wrdreg s6  }
0xbc: {  	[dreg:$0x7] =	wrdreg s7  }
0xbd: {  	[dreg:$0x8] =	wrdreg s8  }
0xbe: {  	[dreg:$0x9] =	wrdreg s9  }
0xbf: {  	[dreg:$0xa] =	wrdreg s10  }
0xc0: {  	[dreg:$0xb] =	wrdreg s24  }
0xc1: {  	[dreg:$0xc] =	wrdreg s11  }
0xc2: {  	[dreg:$0xd] =	wrdreg $0xA  }
0xc3: {  	_ =	task.clear_ibuf [dreg:s16], $0xEFFFF;
	_ =	strace $0x90000046  }
0xc4: {  	s29 =	simm.s32 $0xA;
	_ =	strace $0x80000048  }
0xc5: {  	_ =	swait.ge [sflag:s29], $0x1  }
0xc6: {  	[sflag:s29] =	ssyncadd.s32 $0xFFFFFFFF  }
0xc7: {  	_ =	strace $0x90000048  }
0xc8: {  	_ =	sfence  }
0xc9: {  	s30 =	sld [smem:$0x0];
	_ =	sdelay $0x2  }
0xca: {  	s31 =	sshll.u32 s1, $0xD;
	s1 =	sshrl.u32 s1, $0x2  }
0xcb: {  	s3 =	sand.u32 $0x4000, s31;
	s1 =	sadd.s32 s1, s30  }
0xcc: {  	s0 =	sor.u32 s3, s0;
	s1 =	sshll.u32 s1, $0x11  }
0xcd: {  	s0 =	sor.u32 s1, s0  }
0xce: {  	s0 =	sadd.s32 $0x8F2B, s0  }
0xcf: {  	[sflag:s0] =	ssyncadd.remote.s32 $0x1  }
0xd0: {  	_ =	sfence.sel $0xFFFF  }
0xd1: {  	[dreg:$0x0] =	wrdreg $0xFFFFFFFF;
	(pc) =	sbr.abs _section_cstart, $3  }
0xd2: {  	[dreg:$0x1] =	wrdreg $0xFFFFFFFF  }
0xd3: {  	_ =	task.clear_ibuf [dreg:s16], $0x2FFFF;
	_ =	strace $0x9FFFFFFF  }
0xd4: {  	(tm) =	ssettm $0x7FFFFFFF  }
0xd5: {  	_ =	shalt  }
tec
execute0_lowered:
.L_overlay_start_1:
0x0: {  	(tag) =	ssettag $0x1  }
0x1: {  	s3 =	rddreg [dreg:$0x0]  }
0x2: {  	s23 =	rddreg [dreg:$0x1]  }
0x3: {  	s22 =	rddreg [dreg:$0x2]  }
0x4: {  	s13 =	rddreg [dreg:$0x3]  }
0x5: {  	s11 =	rddreg [dreg:$0x4]  }
0x6: {  	s6 =	rddreg [dreg:$0x5]  }
0x7: {  	s9 =	rddreg [dreg:$0x6]  }
0x8: {  	s8 =	rddreg [dreg:$0x7]  }
0x9: {  	s14 =	rddreg [dreg:$0x8]  }
0xa: {  	s1 =	rddreg [dreg:$0x9];
	s2 =	stileid.u32  }
0xb: {  	s4 =	rddreg [dreg:$0xa];
	s5 =	sshll.u32 s2, $0xA;
	s2 =	simm.s32 $0x0  }
0xc: {  	s15 =	simm.s32 $0x1A00;
	[smem:$0x7FF] =	sst s2  }
0xd: {  	s16 =	simm.s32 $0x2200;
	_ =	strace $0x80000047;
	[dreg:$0x15] =	wrdreg s15  }
0xe: {  	s0 =	srdreg.scid;
	s17 =	simm.s32 $0x2A00;
	[dreg:$0x16] =	wrdreg s16  }
0xf: {  	s18 =	simm.s32 $0x3A00;
	s0 =	sand.u32 $0x1, s0;
	[dreg:$0x17] =	wrdreg s17  }
0x10: {  	s19 =	simm.s32 $0x4200;
	s7 =	sshll.u32 s0, $0x9;
	[dreg:$0x18] =	wrdreg s18  }
0x11: {  	s5 =	sor.u32 s7, s5;
	[dreg:$0x19] =	wrdreg s19  }
0x12: {  	s17 =	simm.s32 $0xAA00;
	s7 =	sshll.u32 s5, $0x1;
	s5 =	sshrl.u32 s5, $0x3  }
0x13: {  	[smem:$0x7F3] =	sst s17;
	s7 =	sadd.s32 s7, s1;
	s3 =	sadd.s32 s3, s5  }
0x14: {  	[dreg:$0xc] =	wrdreg s3;
	s20 =	sadd.s32 $0x7800, s7  }
0x15: {  	s21 =	sadd.s32 $0xF800, s7;
	[dreg:$0xd] =	wrdreg s20  }
0x16: {  	s24 =	sadd.s32 $0x17800, s7;
	[dreg:$0xe] =	wrdreg s21  }
0x17: {  	s25 =	sadd.s32 $0x1F800, s7;
	[dreg:$0xf] =	wrdreg s24  }
0x18: {  	s26 =	sadd.s32 $0x27800, s7;
	[dreg:$0x10] =	wrdreg s25  }
0x19: {  	s5 =	sadd.s32 $0x2F800, s7;
	[dreg:$0x11] =	wrdreg s26  }
0x1a: {  	s10 =	sadd.s32 $0x37800, s7;
	[dreg:$0x12] =	wrdreg s5  }
0x1b: {  	p0 =	por $0x0, $0x0;
	s12 =	sadd.s32 $0x3F800, s7;
	[dreg:$0x13] =	wrdreg s10  }
0x1c: {  	s29 =	simm.s32 $0xA80;
	s7 =	simm.s32 $0x8A00;
	[dreg:$0x14] =	wrdreg s12  }
0x1d: {  	s31 =	simm.s32 $0xB00;
	s3 =	simm.s32 $0xCA00;
	[smem:$0x7F0] =	sst s7  }
0x1e: {  	s30 =	simm.s32 $0xC00;
	s0 =	ssub.s32 $0x2, s0;
	[smem:$0x7F6] =	sst s3  }
0x1f: {  	s19 =	sadd.s32 $0x3600, s1;
	s20 =	simm.s32 $0x4A00;
	s28 =	rddreg [dreg:$0xc]  }
0x20: {  	s16 =	sadd.s32 $0x7000, s1;
	s21 =	simm.s32 $0x5A00;
	[dreg:$0x1a] =	wrdreg s20  }
0x21: {  	s18 =	sadd.s32 $0x7200, s1;
	s24 =	simm.s32 $0x6200;
	[dreg:$0x1b] =	wrdreg s21  }
0x22: {  	s15 =	sadd.s32 $0x7400, s1;
	s25 =	simm.s32 $0x6A00;
	[dreg:$0x1c] =	wrdreg s24  }
0x23: {  	s17 =	simm.s32 $0x80;
	s26 =	simm.s32 $0x7A00;
	[dreg:$0x1d] =	wrdreg s25  }
0x24: {  	s5 =	simm.s32 $0x8200;
	s10 =	simm.s32 $0x9A00;
	[dreg:$0x1e] =	wrdreg s26  }
0x25: {  	s12 =	simm.s32 $0xA200;
	s3 =	simm.s32 $0x2;
	[dreg:$0x1f] =	wrdreg s5  }
0x26: {  	s7 =	simm.s32 $0xE200;
	s21 =	sadd.s32 $0x445000, s1;
	[smem:$0x7F1] =	sst s10  }
0x27: {  	s20 =	sadd.s32 $0x6E00, s1;
	s10 =	sadd.s32 $0x7600, s1;
	[smem:$0x7F2] =	sst s12  }
0x28: {  	s24 =	simm.s32 $0xBA00;
	s25 =	sshrl.u32 s0, $0x1;
	[smem:$0x7F8] =	sst s7  }
0x29: {  	s26 =	simm.s32 $0xC200;
	s5 =	simm.s32 $0xDA00;
	[smem:$0x7F4] =	sst s24  }
0x2a: {  	s12 =	simm.s32 $0xEA00;
	s0 =	ssub.s32 s0, s25;
	[smem:$0x7F5] =	sst s26  }
0x2b: {  	s1 =	simm.s32 $0xC80;
	[smem:$0x7F7] =	sst s5;
	s0 =	smax.u32 s0, $0x1  }
0x2c: {  	s7 =	simm.s32 $0xD00;
	[smem:$0x7F9] =	sst s12;
	p1 =	sne.s32 s0, $0x1  }
.Ltmp0:
0x2d: {  	s24 =	simm.s32 $0xFA00;
	s25 =	simm.s32 $0x10200;
	(pc) =	sbr.rel @!p1 .LBB2_5-.Ltmp0, $4  }
0x2e: {  	s26 =	simm.s32 $0x10A00;
	s5 =	simm.s32 $0xE00;
	[smem:$0x7FA] =	sst s24  }
0x2f: {  	s12 =	simm.s32 $0x1;
	s24 =	simm.s32 $0x100;
	[smem:$0x7FB] =	sst s25  }
0x30: {  	[smem:$0x7FC] =	sst s26;
	s25 =	simm.s32 $0x180;
	s0 =	sadd.s32 $0xFFFFFFFF, s0  }
0x31: {  	s26 =	simm.s32 $0xD80;
	[smem:$0x7FD] =	sst s0;
	s0 =	simm.s32 $0xE80  }
0x32: {  	[tilespmem:s2], [sflag:$0x2] =	stream.linear.gather [hbm4b:s28+s2], $0x200, $0x38;
	[tilespmem:$0x11200] =	vst v63  }
0x33: {  	_ =	swait.ge [sflag:s3], $0x200  }
0x34: {  	[sflag:s3] =	ssyncset.done $0x0  }
0x35: {  	s4 =	simm.s32 $0x200;
	[sflag:s3] =	ssyncadd.s32 $0xFFFFFE00  }
0x36: {  	[tilespmem:s4], [sflag:$0x1] =	stream.indirect.gather [hbm4b:s23+s17], $0x1, s2, s17, $0xb8;
	[tilespmem:$0x11200] =	vst v63  }
0x37: {  	s4 =	simm.s32 $0x280  }
0x38: {  	[tilespmem:s4], [sflag:$0x1] =	stream.indirect.gather [hbm4b:s23+s17], $0x1, s17, s17, $0xb8;
	[tilespmem:$0x11200] =	vst v63  }
0x39: {  	s4 =	simm.s32 $0x300  }
0x3a: {  	[tilespmem:s4], [sflag:$0x1] =	stream.indirect.gather [hbm4b:s23+s17], $0x1, s24, s17, $0xb8;
	[tilespmem:$0x11200] =	vst v63  }
0x3b: {  	[smem:$0x7EC] =	sst s18;
	s18 =	simm.s32 $0x380  }
0x3c: {  	[tilespmem:s18], [sflag:$0x1] =	stream.indirect.gather [hbm4b:s23+s17], $0x1, s25, s17, $0xb8;
	[tilespmem:$0x11200] =	vst v63  }
0x3d: {  	[smem:$0x7ED] =	sst s16;
	s16 =	simm.s32 $0x400  }
0x3e: {  	[tilespmem:s16], [sflag:$0x1] =	stream.indirect.gather [hbm4b:s22+s17], $0x1, s2, s17, $0xb8;
	[tilespmem:$0x11200] =	vst v63  }
0x3f: {  	[smem:$0x7EE] =	sst s15;
	s15 =	simm.s32 $0x480  }
0x40: {  	[tilespmem:s15], [sflag:$0x1] =	stream.indirect.gather [hbm4b:s22+s17], $0x1, s17, s17, $0xb8;
	[tilespmem:$0x11200] =	vst v63  }
0x41: {  	s23 =	simm.s32 $0x500  }
0x42: {  	[tilespmem:s23], [sflag:$0x1] =	stream.indirect.gather [hbm4b:s22+s17], $0x1, s24, s17, $0xb8;
	[tilespmem:$0x11200] =	vst v63  }
0x43: {  	s4 =	simm.s32 $0x580  }
0x44: {  	[tilespmem:s4], [sflag:$0x1] =	stream.indirect.gather [hbm4b:s22+s17], $0x1, s25, s17, $0xb8;
	[tilespmem:$0x11200] =	vst v63  }
0x45: {  	[smem:$0x7EF] =	sst s10;
	s10 =	simm.s32 $0x600  }
0x46: {  	[tilespmem:s10], [sflag:$0x1] =	stream.indirect.gather [hbm4b:s13+s17], $0x1, s2, s17, $0xb8;
	[tilespmem:$0x11200] =	vst v63  }
0x47: {  	s23 =	simm.s32 $0x680  }
0x48: {  	[tilespmem:s23], [sflag:$0x1] =	stream.indirect.gather [hbm4b:s13+s17], $0x1, s17, s17, $0xb8;
	[tilespmem:$0x11200] =	vst v63  }
0x49: {  	s23 =	simm.s32 $0x700  }
0x4a: {  	[tilespmem:s23], [sflag:$0x1] =	stream.indirect.gather [hbm4b:s13+s17], $0x1, s24, s17, $0xb8;
	[tilespmem:$0x11200] =	vst v63  }
0x4b: {  	s23 =	simm.s32 $0x780  }
0x4c: {  	[tilespmem:s23], [sflag:$0x1] =	stream.indirect.gather [hbm4b:s13+s17], $0x1, s25, s17, $0xb8;
	[tilespmem:$0x11200] =	vst v63  }
0x4d: {  	s22 =	simm.s32 $0x800  }
0x4e: {  	[tilespmem:s22], [sflag:$0x1] =	stream.indirect.gather [hbm4b:s11+s17], $0x1, s2, s17, $0xb8;
	[tilespmem:$0x11200] =	vst v63  }
0x4f: {  	s13 =	smov.u32 s6;
	s6 =	simm.s32 $0x880  }
0x50: {  	[tilespmem:s6], [sflag:$0x1] =	stream.indirect.gather [hbm4b:s11+s17], $0x1, s17, s17, $0xb8;
	[tilespmem:$0x11200] =	vst v63  }
0x51: {  	s23 =	simm.s32 $0x900  }
0x52: {  	[tilespmem:s23], [sflag:$0x1] =	stream.indirect.gather [hbm4b:s11+s17], $0x1, s24, s17, $0xb8;
	[tilespmem:$0x11200] =	vst v63  }
0x53: {  	s22 =	smov.u32 s14;
	s14 =	smov.u32 s8;
	s8 =	simm.s32 $0x980  }
0x54: {  	[tilespmem:s8], [sflag:$0x1] =	stream.indirect.gather [hbm4b:s11+s17], $0x1, s25, s17, $0xb8;
	[tilespmem:$0x11200] =	vst v63  }
0x55: {  	s23 =	simm.s32 $0xA00  }
0x56: {  	[tilespmem:s23], [sflag:$0x1] =	stream.indirect.gather [hbm4b:s13+s17], $0x1, s2, s17, $0xb8;
	[tilespmem:$0x11200] =	vst v63  }
0x57: {  	_ = 	snop  }
0x58: {  	[tilespmem:s29], [sflag:$0x1] =	stream.indirect.gather [hbm4b:s13+s17], $0x1, s17, s17, $0xb8;
	[tilespmem:$0x11200] =	vst v63  }
0x59: {  	_ = 	snop  }
0x5a: {  	[tilespmem:s31], [sflag:$0x1] =	stream.indirect.gather [hbm4b:s13+s17], $0x1, s24, s17, $0xb8;
	[tilespmem:$0x11200] =	vst v63  }
0x5b: {  	s31 =	simm.s32 $0xB80  }
0x5c: {  	[tilespmem:s31], [sflag:$0x1] =	stream.indirect.gather [hbm4b:s13+s17], $0x1, s25, s17, $0xb8;
	[tilespmem:$0x11200] =	vst v63  }
0x5d: {  	_ = 	snop  }
0x5e: {  	[tilespmem:s30], [sflag:$0x1] =	stream.indirect.gather [hbm4b:s9+s17], $0x1, s2, s17, $0xb8;
	[tilespmem:$0x11200] =	vst v63  }
0x5f: {  	_ = 	snop  }
0x60: {  	[tilespmem:s1], [sflag:$0x1] =	stream.indirect.gather [hbm4b:s9+s17], $0x1, s17, s17, $0xb8;
	[tilespmem:$0x11200] =	vst v63  }
0x61: {  	_ = 	snop  }
0x62: {  	[tilespmem:s7], [sflag:$0x1] =	stream.indirect.gather [hbm4b:s9+s17], $0x1, s24, s17, $0xb8;
	[tilespmem:$0x11200] =	vst v63  }
0x63: {  	_ = 	snop  }
0x64: {  	[tilespmem:s26], [sflag:$0x1] =	stream.indirect.gather [hbm4b:s9+s17], $0x1, s25, s17, $0xb8;
	[tilespmem:$0x11200] =	vst v63  }
0x65: {  	_ = 	snop  }
0x66: {  	[tilespmem:s5], [sflag:$0x1] =	stream.indirect.gather [hbm4b:s14+s17], $0x1, s2, s17, $0xb8;
	[tilespmem:$0x11200] =	vst v63  }
0x67: {  	_ = 	snop  }
0x68: {  	[tilespmem:s0], [sflag:$0x1] =	stream.indirect.gather [hbm4b:s14+s17], $0x1, s17, s17, $0xb8;
	[tilespmem:$0x11200] =	vst v63  }
0x69: {  	s30 =	simm.s32 $0xF00  }
0x6a: {  	[tilespmem:s30], [sflag:$0x1] =	stream.indirect.gather [hbm4b:s14+s17], $0x1, s24, s17, $0xb8;
	[tilespmem:$0x11200] =	vst v63  }
0x6b: {  	s13 =	simm.s32 $0xF80  }
0x6c: {  	[tilespmem:s13], [sflag:$0x1] =	stream.indirect.gather [hbm4b:s14+s17], $0x1, s25, s17, $0xb8;
	[tilespmem:$0x11200] =	vst v63  }
0x6d: {  	s7 =	simm.s32 $0x1000  }
0x6e: {  	[tilespmem:s7], [sflag:$0x1] =	stream.indirect.gather [hbm4b:s22+s17], $0x1, s2, s17, $0xb8;
	[tilespmem:$0x11200] =	vst v63  }
0x6f: {  	s9 =	simm.s32 $0x1080  }
0x70: {  	[tilespmem:s9], [sflag:$0x1] =	stream.indirect.gather [hbm4b:s22+s17], $0x1, s17, s17, $0xb8;
	[tilespmem:$0x11200] =	vst v63  }
0x71: {  	s14 =	simm.s32 $0x1100  }
0x72: {  	[tilespmem:s14], [sflag:$0x1] =	stream.indirect.gather [hbm4b:s22+s17], $0x1, s24, s17, $0xb8;
	[tilespmem:$0x11200] =	vst v63  }
0x73: {  	s11 =	simm.s32 $0x1180  }
0x74: {  	[tilespmem:s11], [sflag:$0x1] =	stream.indirect.gather [hbm4b:s22+s17], $0x1, s25, s17, $0xb8;
	[tilespmem:$0x11200] =	vst v63  }
0x75: {  	_ =	swait.ge [sflag:s12], $0x80  }
0x76: {  	[sflag:s12] =	ssyncset.done $0x0  }
0x77: {  	[sflag:s12] =	ssyncadd.s32 $0xFFFFFF80  }
0x78: {  	_ =	swait.ge [sflag:s12], $0x80  }
0x79: {  	[sflag:s12] =	ssyncset.done $0x0  }
0x7a: {  	[sflag:s12] =	ssyncadd.s32 $0xFFFFFF80  }
0x7b: {  	_ =	swait.ge [sflag:s12], $0x80  }
0x7c: {  	[sflag:s12] =	ssyncset.done $0x0  }
0x7d: {  	[sflag:s12] =	ssyncadd.s32 $0xFFFFFF80  }
0x7e: {  	_ =	swait.ge [sflag:s12], $0x80  }
0x7f: {  	[sflag:s12] =	ssyncset.done $0x0  }
0x80: {  	[sflag:s12] =	ssyncadd.s32 $0xFFFFFF80  }
0x81: {  	_ =	swait.ge [sflag:s12], $0x80  }
0x82: {  	[sflag:s12] =	ssyncset.done $0x0  }
0x83: {  	[sflag:s12] =	ssyncadd.s32 $0xFFFFFF80  }
0x84: {  	_ =	swait.ge [sflag:s12], $0x80  }
0x85: {  	[sflag:s12] =	ssyncset.done $0x0  }
0x86: {  	[sflag:s12] =	ssyncadd.s32 $0xFFFFFF80  }
0x87: {  	_ =	swait.ge [sflag:s12], $0x80  }
0x88: {  	[sflag:s12] =	ssyncset.done $0x0  }
0x89: {  	[sflag:s12] =	ssyncadd.s32 $0xFFFFFF80  }
0x8a: {  	_ =	swait.ge [sflag:s12], $0x80  }
0x8b: {  	[sflag:s12] =	ssyncset.done $0x0  }
0x8c: {  	[sflag:s12] =	ssyncadd.s32 $0xFFFFFF80  }
0x8d: {  	_ =	swait.ge [sflag:s12], $0x80  }
0x8e: {  	[sflag:s12] =	ssyncset.done $0x0  }
0x8f: {  	[sflag:s12] =	ssyncadd.s32 $0xFFFFFF80  }
0x90: {  	_ =	swait.ge [sflag:s12], $0x80  }
0x91: {  	[sflag:s12] =	ssyncset.done $0x0  }
0x92: {  	[sflag:s12] =	ssyncadd.s32 $0xFFFFFF80  }
0x93: {  	_ =	swait.ge [sflag:s12], $0x80  }
0x94: {  	[sflag:s12] =	ssyncset.done $0x0  }
0x95: {  	[sflag:s12] =	ssyncadd.s32 $0xFFFFFF80  }
0x96: {  	_ =	swait.ge [sflag:s12], $0x80  }
0x97: {  	[sflag:s12] =	ssyncset.done $0x0  }
0x98: {  	[sflag:s12] =	ssyncadd.s32 $0xFFFFFF80  }
0x99: {  	_ =	swait.ge [sflag:s12], $0x80  }
0x9a: {  	[sflag:s12] =	ssyncset.done $0x0  }
0x9b: {  	[sflag:s12] =	ssyncadd.s32 $0xFFFFFF80  }
0x9c: {  	_ =	swait.ge [sflag:s12], $0x80  }
0x9d: {  	[sflag:s12] =	ssyncset.done $0x0  }
0x9e: {  	[sflag:s12] =	ssyncadd.s32 $0xFFFFFF80  }
0x9f: {  	_ =	swait.ge [sflag:s12], $0x80  }
0xa0: {  	[sflag:s12] =	ssyncset.done $0x0  }
0xa1: {  	[sflag:s12] =	ssyncadd.s32 $0xFFFFFF80  }
0xa2: {  	_ =	swait.ge [sflag:s12], $0x80  }
0xa3: {  	[sflag:s12] =	ssyncset.done $0x0  }
0xa4: {  	[sflag:s12] =	ssyncadd.s32 $0xFFFFFF80  }
0xa5: {  	_ =	swait.ge [sflag:s12], $0x80  }
0xa6: {  	[sflag:s12] =	ssyncset.done $0x0  }
0xa7: {  	[sflag:s12] =	ssyncadd.s32 $0xFFFFFF80  }
0xa8: {  	_ =	swait.ge [sflag:s12], $0x80  }
0xa9: {  	[sflag:s12] =	ssyncset.done $0x0  }
0xaa: {  	[sflag:s12] =	ssyncadd.s32 $0xFFFFFF80  }
0xab: {  	_ =	swait.ge [sflag:s12], $0x80  }
0xac: {  	[sflag:s12] =	ssyncset.done $0x0  }
0xad: {  	[sflag:s12] =	ssyncadd.s32 $0xFFFFFF80  }
0xae: {  	_ =	swait.ge [sflag:s12], $0x80  }
0xaf: {  	[sflag:s12] =	ssyncset.done $0x0  }
0xb0: {  	[sflag:s12] =	ssyncadd.s32 $0xFFFFFF80  }
0xb1: {  	_ =	swait.ge [sflag:s12], $0x80  }
0xb2: {  	[sflag:s12] =	ssyncset.done $0x0  }
0xb3: {  	[sflag:s12] =	ssyncadd.s32 $0xFFFFFF80  }
0xb4: {  	_ =	swait.ge [sflag:s12], $0x80  }
0xb5: {  	[sflag:s12] =	ssyncset.done $0x0  }
0xb6: {  	[sflag:s12] =	ssyncadd.s32 $0xFFFFFF80  }
0xb7: {  	_ =	swait.ge [sflag:s12], $0x80  }
0xb8: {  	[sflag:s12] =	ssyncset.done $0x0  }
0xb9: {  	[sflag:s12] =	ssyncadd.s32 $0xFFFFFF80  }
0xba: {  	_ =	swait.ge [sflag:s12], $0x80  }
0xbb: {  	[sflag:s12] =	ssyncset.done $0x0  }
0xbc: {  	[sflag:s12] =	ssyncadd.s32 $0xFFFFFF80  }
0xbd: {  	_ =	swait.ge [sflag:s12], $0x80  }
0xbe: {  	[sflag:s12] =	ssyncset.done $0x0  }
0xbf: {  	[sflag:s12] =	ssyncadd.s32 $0xFFFFFF80  }
0xc0: {  	_ =	swait.ge [sflag:s12], $0x80  }
0xc1: {  	[sflag:s12] =	ssyncset.done $0x0  }
0xc2: {  	[sflag:s12] =	ssyncadd.s32 $0xFFFFFF80  }
0xc3: {  	_ =	swait.ge [sflag:s12], $0x80  }
0xc4: {  	[sflag:s12] =	ssyncset.done $0x0  }
0xc5: {  	[sflag:s12] =	ssyncadd.s32 $0xFFFFFF80  }
0xc6: {  	_ =	swait.ge [sflag:s12], $0x80  }
0xc7: {  	[sflag:s12] =	ssyncset.done $0x0  }
0xc8: {  	[sflag:s12] =	ssyncadd.s32 $0xFFFFFF80  }
0xc9: {  	_ =	swait.ge [sflag:s12], $0x80  }
0xca: {  	[sflag:s12] =	ssyncset.done $0x0  }
0xcb: {  	[sflag:s12] =	ssyncadd.s32 $0xFFFFFF80  }
0xcc: {  	_ =	swait.ge [sflag:s12], $0x80  }
0xcd: {  	[sflag:s12] =	ssyncset.done $0x0  }
0xce: {  	[sflag:s12] =	ssyncadd.s32 $0xFFFFFF80  }
0xcf: {  	_ =	swait.ge [sflag:s12], $0x80  }
0xd0: {  	[sflag:s12] =	ssyncset.done $0x0  }
0xd1: {  	[sflag:s12] =	ssyncadd.s32 $0xFFFFFF80  }
0xd2: {  	_ =	swait.ge [sflag:s12], $0x80  }
0xd3: {  	[sflag:s12] =	ssyncset.done $0x0  }
0xd4: {  	s1 =	simm.s32 $0x1200;
	s5 =	simm.s32 $0x200;
	[sflag:s12] =	ssyncadd.s32 $0xFFFFFF80  }
0xd5: {  	[tilespmem:s1], [sflag:$0x1] =	stream.indirect.gather [hbm4b:s21+s17], $0x10, s5, s17, $0xb8;
	[tilespmem:$0x11200] =	vst v63  }
0xd6: {  	s22 =	simm.s32 $0x280;
	s28 =	rddreg [dreg:$0x15]  }
0xd7: {  	[tilespmem:s28], [sflag:$0x1] =	stream.indirect.gather [hbm4b:s21+s17], $0x10, s22, s17, $0xb8;
	[tilespmem:$0x11200] =	vst v63  }
0xd8: {  	s26 =	rddreg [dreg:$0x16];
	s22 =	simm.s32 $0x300  }
0xd9: {  	[tilespmem:s26], [sflag:$0x1] =	stream.indirect.gather [hbm4b:s21+s17], $0x10, s22, s17, $0xb8;
	[tilespmem:$0x11200] =	vst v63  }
0xda: {  	s28 =	rddreg [dreg:$0x17]  }
0xdb: {  	[tilespmem:s28], [sflag:$0x1] =	stream.indirect.gather [hbm4b:s21+s17], $0x10, s18, s17, $0xb8;
	[tilespmem:$0x11200] =	vst v63  }
0xdc: {  	s22 =	simm.s32 $0x3200  }
0xdd: {  	[tilespmem:s22], [sflag:$0x1] =	stream.indirect.gather [hbm4b:s19+s17], $0x10, s16, s17, $0xb8;
	[tilespmem:$0x11200] =	vst v63  }
0xde: {  	s26 =	rddreg [dreg:$0x18]  }
0xdf: {  	[tilespmem:s26], [sflag:$0x1] =	stream.indirect.gather [hbm4b:s19+s17], $0x10, s15, s17, $0xb8;
	[tilespmem:$0x11200] =	vst v63  }
0xe0: {  	s28 =	rddreg [dreg:$0x19];
	s22 =	simm.s32 $0x500  }
0xe1: {  	[tilespmem:s28], [sflag:$0x1] =	stream.indirect.gather [hbm4b:s19+s17], $0x10, s22, s17, $0xb8;
	[tilespmem:$0x11200] =	vst v63  }
0xe2: {  	s26 =	rddreg [dreg:$0x1a]  }
0xe3: {  	[tilespmem:s26], [sflag:$0x1] =	stream.indirect.gather [hbm4b:s19+s17], $0x10, s4, s17, $0xb8;
	[tilespmem:$0x11200] =	vst v63  }
0xe4: {  	s18 =	sld [smem:$0x7EC];
	s22 =	simm.s32 $0x5200  }
0xe5: {  	[tilespmem:s22], [sflag:$0x1] =	stream.indirect.gather [hbm4b:s20+s17], $0x10, s10, s17, $0xb8;
	[tilespmem:$0x11200] =	vst v63  }
0xe6: {  	s26 =	rddreg [dreg:$0x1b];
	s22 =	simm.s32 $0x680  }
0xe7: {  	[tilespmem:s26], [sflag:$0x1] =	stream.indirect.gather [hbm4b:s20+s17], $0x10, s22, s17, $0xb8;
	[tilespmem:$0x11200] =	vst v63  }
0xe8: {  	s28 =	rddreg [dreg:$0x1c];
	s22 =	simm.s32 $0x700  }
0xe9: {  	[tilespmem:s28], [sflag:$0x1] =	stream.indirect.gather [hbm4b:s20+s17], $0x10, s22, s17, $0xb8;
	[tilespmem:$0x11200] =	vst v63  }
0xea: {  	s26 =	rddreg [dreg:$0x1d];
	s22 =	simm.s32 $0x780  }
0xeb: {  	[tilespmem:s26], [sflag:$0x1] =	stream.indirect.gather [hbm4b:s20+s17], $0x10, s22, s17, $0xb8;
	[tilespmem:$0x11200] =	vst v63  }
0xec: {  	s28 =	simm.s32 $0x800;
	s26 =	rddreg [dreg:$0x1e];
	s22 =	simm.s32 $0x7200  }
0xed: {  	[tilespmem:s22], [sflag:$0x1] =	stream.indirect.gather [hbm4b:s18+s17], $0x10, s28, s17, $0xb8;
	[tilespmem:$0x11200] =	vst v63  }
0xee: {  	s28 =	rddreg [dreg:$0x1f]  }
0xef: {  	[tilespmem:s26], [sflag:$0x1] =	stream.indirect.gather [hbm4b:s18+s17], $0x10, s6, s17, $0xb8;
	[tilespmem:$0x11200] =	vst v63  }
0xf0: {  	s26 =	sld [smem:$0x7F0];
	s6 =	simm.s32 $0x900  }
0xf1: {  	[tilespmem:s28], [sflag:$0x1] =	stream.indirect.gather [hbm4b:s18+s17], $0x10, s6, s17, $0xb8;
	[tilespmem:$0x11200] =	vst v63  }
0xf2: {  	s16 =	sld [smem:$0x7ED]  }
0xf3: {  	[tilespmem:s26], [sflag:$0x1] =	stream.indirect.gather [hbm4b:s18+s17], $0x10, s8, s17, $0xb8;
	[tilespmem:$0x11200] =	vst v63  }
0xf4: {  	s6 =	simm.s32 $0x9200;
	s26 =	sld [smem:$0x7F1];
	s8 =	simm.s32 $0xA00  }
0xf5: {  	[tilespmem:s6], [sflag:$0x1] =	stream.indirect.gather [hbm4b:s16+s17], $0x10, s8, s17, $0xb8;
	[tilespmem:$0x11200] =	vst v63  }
0xf6: {  	s28 =	sld [smem:$0x7F2]  }
0xf7: {  	[tilespmem:s26], [sflag:$0x1] =	stream.indirect.gather [hbm4b:s16+s17], $0x10, s29, s17, $0xb8;
	[tilespmem:$0x11200] =	vst v63  }
0xf8: {  	s0 =	simm.s32 $0xB00;
	s8 =	sld [smem:$0x7F3]  }
0xf9: {  	[tilespmem:s28], [sflag:$0x1] =	stream.indirect.gather [hbm4b:s16+s17], $0x10, s0, s17, $0xb8;
	[tilespmem:$0x11200] =	vst v63  }
0xfa: {  	s15 =	sld [smem:$0x7EE]  }
0xfb: {  	[tilespmem:s8], [sflag:$0x1] =	stream.indirect.gather [hbm4b:s16+s17], $0x10, s31, s17, $0xb8;
	[tilespmem:$0x11200] =	vst v63  }
0xfc: {  	s1 =	simm.s32 $0xC00;
	s0 =	sld [smem:$0x7F4];
	s8 =	simm.s32 $0xB200  }
0xfd: {  	[tilespmem:s8], [sflag:$0x1] =	stream.indirect.gather [hbm4b:s15+s17], $0x10, s1, s17, $0xb8;
	[tilespmem:$0x11200] =	vst v63  }
0xfe: {  	s30 =	simm.s32 $0xC80;
	s28 =	sld [smem:$0x7F5]  }
0xff: {  	[tilespmem:s0], [sflag:$0x1] =	stream.indirect.gather [hbm4b:s15+s17], $0x10, s30, s17, $0xb8;
	[tilespmem:$0x11200] =	vst v63  }
0x100: {  	s23 =	simm.s32 $0xD00;
	s1 =	sld [smem:$0x7F6]  }
0x101: {  	[tilespmem:s28], [sflag:$0x1] =	stream.indirect.gather [hbm4b:s15+s17], $0x10, s23, s17, $0xb8;
	[tilespmem:$0x11200] =	vst v63  }
0x102: {  	s5 =	simm.s32 $0xD80;
	s10 =	sld [smem:$0x7EF]  }
0x103: {  	[tilespmem:s1], [sflag:$0x1] =	stream.indirect.gather [hbm4b:s15+s17], $0x10, s5, s17, $0xb8;
	[tilespmem:$0x11200] =	vst v63  }
0x104: {  	s25 =	simm.s32 $0xE00;
	s23 =	simm.s32 $0xD200;
	s5 =	sld [smem:$0x7F7]  }
0x105: {  	[tilespmem:s23], [sflag:$0x1] =	stream.indirect.gather [hbm4b:s10+s17], $0x10, s25, s17, $0xb8;
	[tilespmem:$0x11200] =	vst v63  }
0x106: {  	s24 =	simm.s32 $0xE80;
	s28 =	sld [smem:$0x7F8]  }
0x107: {  	[tilespmem:s5], [sflag:$0x1] =	stream.indirect.gather [hbm4b:s10+s17], $0x10, s24, s17, $0xb8;
	[tilespmem:$0x11200] =	vst v63  }
0x108: {  	s25 =	simm.s32 $0xF00;
	s24 =	sld [smem:$0x7F9]  }
0x109: {  	[tilespmem:s28], [sflag:$0x1] =	stream.indirect.gather [hbm4b:s10+s17], $0x10, s25, s17, $0xb8;
	[tilespmem:$0x11200] =	vst v63  }
0x10a: {  	s4 =	rddreg [dreg:$0xa]  }
0x10b: {  	[tilespmem:s24], [sflag:$0x1] =	stream.indirect.gather [hbm4b:s10+s17], $0x10, s13, s17, $0xb8;
	[tilespmem:$0x11200] =	vst v63  }
0x10c: {  	s30 =	sld [smem:$0x7FA];
	s1 =	simm.s32 $0xF200  }
0x10d: {  	[tilespmem:s1], [sflag:$0x1] =	stream.indirect.gather [hbm4b:s4+s17], $0x10, s7, s17, $0xb8;
	[tilespmem:$0x11200] =	vst v63  }
0x10e: {  	s28 =	sld [smem:$0x7FB]  }
0x10f: {  	[tilespmem:s30], [sflag:$0x1] =	stream.indirect.gather [hbm4b:s4+s17], $0x10, s9, s17, $0xb8;
	[tilespmem:$0x11200] =	vst v63  }
0x110: {  	s31 =	sld [smem:$0x7FC]  }
0x111: {  	[tilespmem:s28], [sflag:$0x1] =	stream.indirect.gather [hbm4b:s4+s17], $0x10, s14, s17, $0xb8;
	[tilespmem:$0x11200] =	vst v63  }
0x112: {  	_ = 	snop  }
0x113: {  	[tilespmem:s31], [sflag:$0x1] =	stream.indirect.gather [hbm4b:s4+s17], $0x10, s11, s17, $0xb8;
	[tilespmem:$0x11200] =	vst v63  }
0x114: {  	_ =	swait.ge [sflag:s12], $0x800  }
0x115: {  	[sflag:s12] =	ssyncset.done $0x0  }
0x116: {  	[sflag:s12] =	ssyncadd.s32 $0xFFFFF800  }
0x117: {  	_ =	swait.ge [sflag:s12], $0x800  }
0x118: {  	[sflag:s12] =	ssyncset.done $0x0  }
0x119: {  	[sflag:s12] =	ssyncadd.s32 $0xFFFFF800  }
0x11a: {  	_ =	swait.ge [sflag:s12], $0x800  }
0x11b: {  	[sflag:s12] =	ssyncset.done $0x0  }
0x11c: {  	[sflag:s12] =	ssyncadd.s32 $0xFFFFF800  }
0x11d: {  	_ =	swait.ge [sflag:s12], $0x800  }
0x11e: {  	[sflag:s12] =	ssyncset.done $0x0  }
0x11f: {  	[sflag:s12] =	ssyncadd.s32 $0xFFFFF800  }
0x120: {  	_ =	swait.ge [sflag:s12], $0x800  }
0x121: {  	[sflag:s12] =	ssyncset.done $0x0  }
0x122: {  	[sflag:s12] =	ssyncadd.s32 $0xFFFFF800  }
0x123: {  	_ =	swait.ge [sflag:s12], $0x800  }
0x124: {  	[sflag:s12] =	ssyncset.done $0x0  }
0x125: {  	[sflag:s12] =	ssyncadd.s32 $0xFFFFF800  }
0x126: {  	_ =	swait.ge [sflag:s12], $0x800  }
0x127: {  	[sflag:s12] =	ssyncset.done $0x0  }
0x128: {  	[sflag:s12] =	ssyncadd.s32 $0xFFFFF800  }
0x129: {  	_ =	swait.ge [sflag:s12], $0x800  }
0x12a: {  	[sflag:s12] =	ssyncset.done $0x0  }
0x12b: {  	[sflag:s12] =	ssyncadd.s32 $0xFFFFF800  }
0x12c: {  	_ =	swait.ge [sflag:s12], $0x800  }
0x12d: {  	[sflag:s12] =	ssyncset.done $0x0  }
0x12e: {  	[sflag:s12] =	ssyncadd.s32 $0xFFFFF800  }
0x12f: {  	_ =	swait.ge [sflag:s12], $0x800  }
0x130: {  	[sflag:s12] =	ssyncset.done $0x0  }
0x131: {  	[sflag:s12] =	ssyncadd.s32 $0xFFFFF800  }
0x132: {  	_ =	swait.ge [sflag:s12], $0x800  }
0x133: {  	[sflag:s12] =	ssyncset.done $0x0  }
0x134: {  	[sflag:s12] =	ssyncadd.s32 $0xFFFFF800  }
0x135: {  	_ =	swait.ge [sflag:s12], $0x800  }
0x136: {  	[sflag:s12] =	ssyncset.done $0x0  }
0x137: {  	[sflag:s12] =	ssyncadd.s32 $0xFFFFF800  }
0x138: {  	_ =	swait.ge [sflag:s12], $0x800  }
0x139: {  	[sflag:s12] =	ssyncset.done $0x0  }
0x13a: {  	[sflag:s12] =	ssyncadd.s32 $0xFFFFF800  }
0x13b: {  	_ =	swait.ge [sflag:s12], $0x800  }
0x13c: {  	[sflag:s12] =	ssyncset.done $0x0  }
0x13d: {  	[sflag:s12] =	ssyncadd.s32 $0xFFFFF800  }
0x13e: {  	_ =	swait.ge [sflag:s12], $0x800  }
0x13f: {  	[sflag:s12] =	ssyncset.done $0x0  }
0x140: {  	[sflag:s12] =	ssyncadd.s32 $0xFFFFF800  }
0x141: {  	_ =	swait.ge [sflag:s12], $0x800  }
0x142: {  	[sflag:s12] =	ssyncset.done $0x0  }
0x143: {  	[sflag:s12] =	ssyncadd.s32 $0xFFFFF800  }
0x144: {  	_ =	swait.ge [sflag:s12], $0x800  }
0x145: {  	[sflag:s12] =	ssyncset.done $0x0  }
0x146: {  	[sflag:s12] =	ssyncadd.s32 $0xFFFFF800  }
0x147: {  	_ =	swait.ge [sflag:s12], $0x800  }
0x148: {  	[sflag:s12] =	ssyncset.done $0x0  }
0x149: {  	[sflag:s12] =	ssyncadd.s32 $0xFFFFF800  }
0x14a: {  	_ =	swait.ge [sflag:s12], $0x800  }
0x14b: {  	[sflag:s12] =	ssyncset.done $0x0  }
0x14c: {  	[sflag:s12] =	ssyncadd.s32 $0xFFFFF800  }
0x14d: {  	_ =	swait.ge [sflag:s12], $0x800  }
0x14e: {  	[sflag:s12] =	ssyncset.done $0x0  }
0x14f: {  	[sflag:s12] =	ssyncadd.s32 $0xFFFFF800  }
0x150: {  	_ =	swait.ge [sflag:s12], $0x800  }
0x151: {  	[sflag:s12] =	ssyncset.done $0x0  }
0x152: {  	[sflag:s12] =	ssyncadd.s32 $0xFFFFF800  }
0x153: {  	_ =	swait.ge [sflag:s12], $0x800  }
0x154: {  	[sflag:s12] =	ssyncset.done $0x0  }
0x155: {  	[sflag:s12] =	ssyncadd.s32 $0xFFFFF800  }
0x156: {  	_ =	swait.ge [sflag:s12], $0x800  }
0x157: {  	[sflag:s12] =	ssyncset.done $0x0  }
0x158: {  	[sflag:s12] =	ssyncadd.s32 $0xFFFFF800  }
0x159: {  	_ =	swait.ge [sflag:s12], $0x800  }
0x15a: {  	[sflag:s12] =	ssyncset.done $0x0  }
0x15b: {  	[sflag:s12] =	ssyncadd.s32 $0xFFFFF800  }
0x15c: {  	_ =	swait.ge [sflag:s12], $0x800  }
0x15d: {  	[sflag:s12] =	ssyncset.done $0x0  }
0x15e: {  	[sflag:s12] =	ssyncadd.s32 $0xFFFFF800  }
0x15f: {  	_ =	swait.ge [sflag:s12], $0x800  }
0x160: {  	[sflag:s12] =	ssyncset.done $0x0  }
0x161: {  	[sflag:s12] =	ssyncadd.s32 $0xFFFFF800  }
0x162: {  	_ =	swait.ge [sflag:s12], $0x800  }
0x163: {  	[sflag:s12] =	ssyncset.done $0x0  }
0x164: {  	[sflag:s12] =	ssyncadd.s32 $0xFFFFF800  }
0x165: {  	_ =	swait.ge [sflag:s12], $0x800  }
0x166: {  	[sflag:s12] =	ssyncset.done $0x0  }
0x167: {  	[sflag:s12] =	ssyncadd.s32 $0xFFFFF800  }
0x168: {  	_ =	swait.ge [sflag:s12], $0x800  }
0x169: {  	[sflag:s12] =	ssyncset.done $0x0  }
0x16a: {  	[sflag:s12] =	ssyncadd.s32 $0xFFFFF800  }
0x16b: {  	_ =	swait.ge [sflag:s12], $0x800  }
0x16c: {  	[sflag:s12] =	ssyncset.done $0x0  }
0x16d: {  	[sflag:s12] =	ssyncadd.s32 $0xFFFFF800  }
0x16e: {  	_ =	swait.ge [sflag:s12], $0x800  }
0x16f: {  	[sflag:s12] =	ssyncset.done $0x0  }
0x170: {  	[sflag:s12] =	ssyncadd.s32 $0xFFFFF800  }
0x171: {  	_ =	swait.ge [sflag:s12], $0x800  }
0x172: {  	[sflag:s12] =	ssyncset.done $0x0  }
0x173: {  	s5 =	simm.s32 $0x1200;
	s0 =	rddreg [dreg:$0xd];
	[sflag:s12] =	ssyncadd.s32 $0xFFFFF800  }
0x174: {  	[hbm4b:s0+s2] =	stream.linear.scatter [tilespmem:s5], [sflag:$0x2], $0x2000, $0x38;
	[tilespmem:$0x11200] =	vst v63  }
0x175: {  	_ =	swait.ge [sflag:s3], $0x2000  }
0x176: {  	[sflag:s3] =	ssyncset.done $0x0  }
0x177: {  	s9 =	simm.s32 $0x3200;
	s7 =	rddreg [dreg:$0xe];
	[sflag:s3] =	ssyncadd.s32 $0xFFFFE000  }
0x178: {  	[hbm4b:s7+s2] =	stream.linear.scatter [tilespmem:s9], [sflag:$0x2], $0x2000, $0x38;
	[tilespmem:$0x11200] =	vst v63  }
0x179: {  	_ =	swait.ge [sflag:s3], $0x2000  }
0x17a: {  	[sflag:s3] =	ssyncset.done $0x0  }
0x17b: {  	s13 =	simm.s32 $0x5200;
	s11 =	rddreg [dreg:$0xf];
	[sflag:s3] =	ssyncadd.s32 $0xFFFFE000  }
0x17c: {  	[hbm4b:s11+s2] =	stream.linear.scatter [tilespmem:s13], [sflag:$0x2], $0x2000, $0x38;
	[tilespmem:$0x11200] =	vst v63  }
0x17d: {  	_ =	swait.ge [sflag:s3], $0x2000  }
0x17e: {  	[sflag:s3] =	ssyncset.done $0x0  }
0x17f: {  	s14 =	rddreg [dreg:$0x10];
	[sflag:s3] =	ssyncadd.s32 $0xFFFFE000  }
0x180: {  	[hbm4b:s14+s2] =	stream.linear.scatter [tilespmem:s22], [sflag:$0x2], $0x2000, $0x38;
	[tilespmem:$0x11200] =	vst v63  }
0x181: {  	_ =	swait.ge [sflag:s3], $0x2000  }
0x182: {  	[sflag:s3] =	ssyncset.done $0x0  }
0x183: {  	s22 =	rddreg [dreg:$0x11];
	[sflag:s3] =	ssyncadd.s32 $0xFFFFE000  }
0x184: {  	[hbm4b:s22+s2] =	stream.linear.scatter [tilespmem:s6], [sflag:$0x2], $0x2000, $0x38;
	[tilespmem:$0x11200] =	vst v63  }
0x185: {  	_ =	swait.ge [sflag:s3], $0x2000  }
0x186: {  	[sflag:s3] =	ssyncset.done $0x0  }
0x187: {  	s24 =	rddreg [dreg:$0x12];
	[sflag:s3] =	ssyncadd.s32 $0xFFFFE000  }
0x188: {  	[hbm4b:s24+s2] =	stream.linear.scatter [tilespmem:s8], [sflag:$0x2], $0x2000, $0x38;
	[tilespmem:$0x11200] =	vst v63  }
0x189: {  	_ =	swait.ge [sflag:s3], $0x2000  }
0x18a: {  	[sflag:s3] =	ssyncset.done $0x0  }
0x18b: {  	s25 =	rddreg [dreg:$0x13];
	[sflag:s3] =	ssyncadd.s32 $0xFFFFE000  }
0x18c: {  	[hbm4b:s25+s2] =	stream.linear.scatter [tilespmem:s23], [sflag:$0x2], $0x2000, $0x38;
	[tilespmem:$0x11200] =	vst v63  }
0x18d: {  	_ =	swait.ge [sflag:s3], $0x2000  }
0x18e: {  	s31 =	sld [smem:$0x7FD];
	_ =	sdelay $0x2  }
0x18f: {  	p0 =	por $0x1, $0x1;
	s29 =	simm.s32 $0x1200;
	p1 =	sne.s32 s31, $0x1  }
.Ltmp1:
0x190: {  	s11 =	simm.s32 $0x180;
	[sflag:s3] =	ssyncset.done $0x0;
	(pc) =	sbr.rel @!p1 .LBB2_6-.Ltmp1, $4  }
0x191: {  	s24 =	smov.u32 s21;
	s30 =	rddreg [dreg:$0x14];
	[sflag:s3] =	ssyncadd.s32 $0xFFFFE000  }
0x192: {  	[hbm4b:s30+s2] =	stream.linear.scatter [tilespmem:s1], [sflag:$0x2], $0x2000, $0x38;
	[tilespmem:$0x11200] =	vst v63  }
0x193: {  	s21 =	smov.u32 s19;
	s25 =	simm.s32 $0x100;
	_ =	swait.ge [sflag:s3], $0x2000  }
0x194: {  	s26 =	sadd.s32 $0xFFFFFFFF, s31;
	s28 =	rddreg [dreg:$0xc];
	[sflag:s3] =	ssyncset.done $0x0  }
0x195: {  	s31 =	simm.s32 $0x280  }
0x196: {  	s22 =	simm.s32 $0x680;
	s23 =	simm.s32 $0x800;
	s30 =	simm.s32 $0xD00  }
.LBB2_3:
0x197: {  	[sflag:s3] =	ssyncadd.s32 $0xFFFFE000  }
0x198: {  	[tilespmem:s2], [sflag:$0x2] =	stream.linear.gather [hbm4b:s28+s2], $0x200, $0x38;
	[tilespmem:$0x11200] =	vst v63  }
0x199: {  	_ =	swait.ge [sflag:s3], $0x200  }
0x19a: {  	[sflag:s3] =	ssyncset.done $0x0  }
0x19b: {  	[sflag:s3] =	ssyncadd.s32 $0xFFFFFE00  }
0x19c: {  	s7 =	simm.s32 $0x200;
	s0 =	rddreg [dreg:$0x1]  }
0x19d: {  	[tilespmem:s7], [sflag:$0x1] =	stream.indirect.gather [hbm4b:s0+s17], $0x1, s2, s17, $0xb8;
	[tilespmem:$0x11200] =	vst v63  }
0x19e: {  	_ = 	snop  }
0x19f: {  	[tilespmem:s31], [sflag:$0x1] =	stream.indirect.gather [hbm4b:s0+s17], $0x1, s17, s17, $0xb8;
	[tilespmem:$0x11200] =	vst v63  }
0x1a0: {  	s1 =	simm.s32 $0x300  }
0x1a1: {  	[tilespmem:s1], [sflag:$0x1] =	stream.indirect.gather [hbm4b:s0+s17], $0x1, s25, s17, $0xb8;
	[tilespmem:$0x11200] =	vst v63  }
0x1a2: {  	s18 =	simm.s32 $0x380  }
0x1a3: {  	[tilespmem:s18], [sflag:$0x1] =	stream.indirect.gather [hbm4b:s0+s17], $0x1, s11, s17, $0xb8;
	[tilespmem:$0x11200] =	vst v63  }
0x1a4: {  	s16 =	simm.s32 $0x400;
	s4 =	rddreg [dreg:$0x2]  }
0x1a5: {  	[tilespmem:s16], [sflag:$0x1] =	stream.indirect.gather [hbm4b:s4+s17], $0x1, s2, s17, $0xb8;
	[tilespmem:$0x11200] =	vst v63  }
0x1a6: {  	s15 =	simm.s32 $0x480  }
0x1a7: {  	[tilespmem:s15], [sflag:$0x1] =	stream.indirect.gather [hbm4b:s4+s17], $0x1, s17, s17, $0xb8;
	[tilespmem:$0x11200] =	vst v63  }
0x1a8: {  	s13 =	simm.s32 $0x500  }
0x1a9: {  	[tilespmem:s13], [sflag:$0x1] =	stream.indirect.gather [hbm4b:s4+s17], $0x1, s25, s17, $0xb8;
	[tilespmem:$0x11200] =	vst v63  }
0x1aa: {  	s0 =	simm.s32 $0x580  }
0x1ab: {  	[tilespmem:s0], [sflag:$0x1] =	stream.indirect.gather [hbm4b:s4+s17], $0x1, s11, s17, $0xb8;
	[tilespmem:$0x11200] =	vst v63  }
0x1ac: {  	s10 =	simm.s32 $0x600;
	s5 =	rddreg [dreg:$0x3]  }
0x1ad: {  	[tilespmem:s10], [sflag:$0x1] =	stream.indirect.gather [hbm4b:s5+s17], $0x1, s2, s17, $0xb8;
	[tilespmem:$0x11200] =	vst v63  }
0x1ae: {  	_ = 	snop  }
0x1af: {  	[tilespmem:s22], [sflag:$0x1] =	stream.indirect.gather [hbm4b:s5+s17], $0x1, s17, s17, $0xb8;
	[tilespmem:$0x11200] =	vst v63  }
0x1b0: {  	s4 =	simm.s32 $0x700  }
0x1b1: {  	[tilespmem:s4], [sflag:$0x1] =	stream.indirect.gather [hbm4b:s5+s17], $0x1, s25, s17, $0xb8;
	[tilespmem:$0x11200] =	vst v63  }
0x1b2: {  	s9 =	simm.s32 $0x780  }
0x1b3: {  	[tilespmem:s9], [sflag:$0x1] =	stream.indirect.gather [hbm4b:s5+s17], $0x1, s11, s17, $0xb8;
	[tilespmem:$0x11200] =	vst v63  }
0x1b4: {  	s14 =	rddreg [dreg:$0x4]  }
0x1b5: {  	[tilespmem:s23], [sflag:$0x1] =	stream.indirect.gather [hbm4b:s14+s17], $0x1, s2, s17, $0xb8;
	[tilespmem:$0x11200] =	vst v63  }
0x1b6: {  	s8 =	simm.s32 $0x880  }
0x1b7: {  	[tilespmem:s8], [sflag:$0x1] =	stream.indirect.gather [hbm4b:s14+s17], $0x1, s17, s17, $0xb8;
	[tilespmem:$0x11200] =	vst v63  }
0x1b8: {  	s19 =	simm.s32 $0x900  }
0x1b9: {  	[tilespmem:s19], [sflag:$0x1] =	stream.indirect.gather [hbm4b:s14+s17], $0x1, s25, s17, $0xb8;
	[tilespmem:$0x11200] =	vst v63  }
0x1ba: {  	s6 =	simm.s32 $0x980  }
0x1bb: {  	[tilespmem:s6], [sflag:$0x1] =	stream.indirect.gather [hbm4b:s14+s17], $0x1, s11, s17, $0xb8;
	[tilespmem:$0x11200] =	vst v63  }
0x1bc: {  	s8 =	simm.s32 $0xA00;
	s19 =	rddreg [dreg:$0x5]  }
0x1bd: {  	[tilespmem:s8], [sflag:$0x1] =	stream.indirect.gather [hbm4b:s19+s17], $0x1, s2, s17, $0xb8;
	[tilespmem:$0x11200] =	vst v63  }
0x1be: {  	s5 =	simm.s32 $0xA80  }
0x1bf: {  	[tilespmem:s5], [sflag:$0x1] =	stream.indirect.gather [hbm4b:s19+s17], $0x1, s17, s17, $0xb8;
	[tilespmem:$0x11200] =	vst v63  }
0x1c0: {  	s6 =	simm.s32 $0xB00  }
0x1c1: {  	[tilespmem:s6], [sflag:$0x1] =	stream.indirect.gather [hbm4b:s19+s17], $0x1, s25, s17, $0xb8;
	[tilespmem:$0x11200] =	vst v63  }
0x1c2: {  	s8 =	simm.s32 $0xB80  }
0x1c3: {  	[tilespmem:s8], [sflag:$0x1] =	stream.indirect.gather [hbm4b:s19+s17], $0x1, s11, s17, $0xb8;
	[tilespmem:$0x11200] =	vst v63  }
0x1c4: {  	s19 =	rddreg [dreg:$0x6];
	s8 =	simm.s32 $0xC00  }
0x1c5: {  	[tilespmem:s8], [sflag:$0x1] =	stream.indirect.gather [hbm4b:s19+s17], $0x1, s2, s17, $0xb8;
	[tilespmem:$0x11200] =	vst v63  }
0x1c6: {  	s14 =	simm.s32 $0xC80  }
0x1c7: {  	[tilespmem:s14], [sflag:$0x1] =	stream.indirect.gather [hbm4b:s19+s17], $0x1, s17, s17, $0xb8;
	[tilespmem:$0x11200] =	vst v63  }
0x1c8: {  	_ = 	snop  }
0x1c9: {  	[tilespmem:s30], [sflag:$0x1] =	stream.indirect.gather [hbm4b:s19+s17], $0x1, s25, s17, $0xb8;
	[tilespmem:$0x11200] =	vst v63  }
0x1ca: {  	s28 =	simm.s32 $0xD80  }
0x1cb: {  	[tilespmem:s28], [sflag:$0x1] =	stream.indirect.gather [hbm4b:s19+s17], $0x1, s11, s17, $0xb8;
	[tilespmem:$0x11200] =	vst v63  }
0x1cc: {  	s28 =	rddreg [dreg:$0x7];
	s19 =	simm.s32 $0xE00  }
0x1cd: {  	[tilespmem:s19], [sflag:$0x1] =	stream.indirect.gather [hbm4b:s28+s17], $0x1, s2, s17, $0xb8;
	[tilespmem:$0x11200] =	vst v63  }
0x1ce: {  	s19 =	simm.s32 $0xE80  }
0x1cf: {  	[tilespmem:s19], [sflag:$0x1] =	stream.indirect.gather [hbm4b:s28+s17], $0x1, s17, s17, $0xb8;
	[tilespmem:$0x11200] =	vst v63  }
0x1d0: {  	s19 =	simm.s32 $0xF00  }
0x1d1: {  	[tilespmem:s19], [sflag:$0x1] =	stream.indirect.gather [hbm4b:s28+s17], $0x1, s25, s17, $0xb8;
	[tilespmem:$0x11200] =	vst v63  }
0x1d2: {  	s19 =	simm.s32 $0xF80  }
0x1d3: {  	[tilespmem:s19], [sflag:$0x1] =	stream.indirect.gather [hbm4b:s28+s17], $0x1, s11, s17, $0xb8;
	[tilespmem:$0x11200] =	vst v63  }
0x1d4: {  	s19 =	simm.s32 $0x1000;
	s28 =	rddreg [dreg:$0x8]  }
0x1d5: {  	[tilespmem:s19], [sflag:$0x1] =	stream.indirect.gather [hbm4b:s28+s17], $0x1, s2, s17, $0xb8;
	[tilespmem:$0x11200] =	vst v63  }
0x1d6: {  	s19 =	simm.s32 $0x1080  }
0x1d7: {  	[tilespmem:s19], [sflag:$0x1] =	stream.indirect.gather [hbm4b:s28+s17], $0x1, s17, s17, $0xb8;
	[tilespmem:$0x11200] =	vst v63  }
0x1d8: {  	s19 =	simm.s32 $0x1100  }
0x1d9: {  	[tilespmem:s19], [sflag:$0x1] =	stream.indirect.gather [hbm4b:s28+s17], $0x1, s25, s17, $0xb8;
	[tilespmem:$0x11200] =	vst v63  }
0x1da: {  	s19 =	simm.s32 $0x1180  }
0x1db: {  	[tilespmem:s19], [sflag:$0x1] =	stream.indirect.gather [hbm4b:s28+s17], $0x1, s11, s17, $0xb8;
	[tilespmem:$0x11200] =	vst v63  }
0x1dc: {  	_ =	swait.ge [sflag:s12], $0x80  }
0x1dd: {  	[sflag:s12] =	ssyncset.done $0x0  }
0x1de: {  	[sflag:s12] =	ssyncadd.s32 $0xFFFFFF80  }
0x1df: {  	_ =	swait.ge [sflag:s12], $0x80  }
0x1e0: {  	[sflag:s12] =	ssyncset.done $0x0  }
0x1e1: {  	[sflag:s12] =	ssyncadd.s32 $0xFFFFFF80  }
0x1e2: {  	_ =	swait.ge [sflag:s12], $0x80  }
0x1e3: {  	[sflag:s12] =	ssyncset.done $0x0  }
0x1e4: {  	[sflag:s12] =	ssyncadd.s32 $0xFFFFFF80  }
0x1e5: {  	_ =	swait.ge [sflag:s12], $0x80  }
0x1e6: {  	[sflag:s12] =	ssyncset.done $0x0  }
0x1e7: {  	[sflag:s12] =	ssyncadd.s32 $0xFFFFFF80  }
0x1e8: {  	_ =	swait.ge [sflag:s12], $0x80  }
0x1e9: {  	[sflag:s12] =	ssyncset.done $0x0  }
0x1ea: {  	[sflag:s12] =	ssyncadd.s32 $0xFFFFFF80  }
0x1eb: {  	_ =	swait.ge [sflag:s12], $0x80  }
0x1ec: {  	[sflag:s12] =	ssyncset.done $0x0  }
0x1ed: {  	[sflag:s12] =	ssyncadd.s32 $0xFFFFFF80  }
0x1ee: {  	_ =	swait.ge [sflag:s12], $0x80  }
0x1ef: {  	[sflag:s12] =	ssyncset.done $0x0  }
0x1f0: {  	[sflag:s12] =	ssyncadd.s32 $0xFFFFFF80  }
0x1f1: {  	_ =	swait.ge [sflag:s12], $0x80  }
0x1f2: {  	[sflag:s12] =	ssyncset.done $0x0  }
0x1f3: {  	[sflag:s12] =	ssyncadd.s32 $0xFFFFFF80  }
0x1f4: {  	_ =	swait.ge [sflag:s12], $0x80  }
0x1f5: {  	[sflag:s12] =	ssyncset.done $0x0  }
0x1f6: {  	[sflag:s12] =	ssyncadd.s32 $0xFFFFFF80  }
0x1f7: {  	_ =	swait.ge [sflag:s12], $0x80  }
0x1f8: {  	[sflag:s12] =	ssyncset.done $0x0  }
0x1f9: {  	[sflag:s12] =	ssyncadd.s32 $0xFFFFFF80  }
0x1fa: {  	_ =	swait.ge [sflag:s12], $0x80  }
0x1fb: {  	[sflag:s12] =	ssyncset.done $0x0  }
0x1fc: {  	[sflag:s12] =	ssyncadd.s32 $0xFFFFFF80  }
0x1fd: {  	_ =	swait.ge [sflag:s12], $0x80  }
0x1fe: {  	[sflag:s12] =	ssyncset.done $0x0  }
0x1ff: {  	[sflag:s12] =	ssyncadd.s32 $0xFFFFFF80  }
0x200: {  	_ =	swait.ge [sflag:s12], $0x80  }
0x201: {  	[sflag:s12] =	ssyncset.done $0x0  }
0x202: {  	[sflag:s12] =	ssyncadd.s32 $0xFFFFFF80  }
0x203: {  	_ =	swait.ge [sflag:s12], $0x80  }
0x204: {  	[sflag:s12] =	ssyncset.done $0x0  }
0x205: {  	[sflag:s12] =	ssyncadd.s32 $0xFFFFFF80  }
0x206: {  	_ =	swait.ge [sflag:s12], $0x80  }
0x207: {  	[sflag:s12] =	ssyncset.done $0x0  }
0x208: {  	[sflag:s12] =	ssyncadd.s32 $0xFFFFFF80  }
0x209: {  	_ =	swait.ge [sflag:s12], $0x80  }
0x20a: {  	[sflag:s12] =	ssyncset.done $0x0  }
0x20b: {  	[sflag:s12] =	ssyncadd.s32 $0xFFFFFF80  }
0x20c: {  	_ =	swait.ge [sflag:s12], $0x80  }
0x20d: {  	[sflag:s12] =	ssyncset.done $0x0  }
0x20e: {  	[sflag:s12] =	ssyncadd.s32 $0xFFFFFF80  }
0x20f: {  	_ =	swait.ge [sflag:s12], $0x80  }
0x210: {  	[sflag:s12] =	ssyncset.done $0x0  }
0x211: {  	[sflag:s12] =	ssyncadd.s32 $0xFFFFFF80  }
0x212: {  	_ =	swait.ge [sflag:s12], $0x80  }
0x213: {  	[sflag:s12] =	ssyncset.done $0x0  }
0x214: {  	[sflag:s12] =	ssyncadd.s32 $0xFFFFFF80  }
0x215: {  	_ =	swait.ge [sflag:s12], $0x80  }
0x216: {  	[sflag:s12] =	ssyncset.done $0x0  }
0x217: {  	[sflag:s12] =	ssyncadd.s32 $0xFFFFFF80  }
0x218: {  	_ =	swait.ge [sflag:s12], $0x80  }
0x219: {  	[sflag:s12] =	ssyncset.done $0x0  }
0x21a: {  	[sflag:s12] =	ssyncadd.s32 $0xFFFFFF80  }
0x21b: {  	_ =	swait.ge [sflag:s12], $0x80  }
0x21c: {  	[sflag:s12] =	ssyncset.done $0x0  }
0x21d: {  	[sflag:s12] =	ssyncadd.s32 $0xFFFFFF80  }
0x21e: {  	_ =	swait.ge [sflag:s12], $0x80  }
0x21f: {  	[sflag:s12] =	ssyncset.done $0x0  }
0x220: {  	[sflag:s12] =	ssyncadd.s32 $0xFFFFFF80  }
0x221: {  	_ =	swait.ge [sflag:s12], $0x80  }
0x222: {  	[sflag:s12] =	ssyncset.done $0x0  }
0x223: {  	[sflag:s12] =	ssyncadd.s32 $0xFFFFFF80  }
0x224: {  	_ =	swait.ge [sflag:s12], $0x80  }
0x225: {  	[sflag:s12] =	ssyncset.done $0x0  }
0x226: {  	[sflag:s12] =	ssyncadd.s32 $0xFFFFFF80  }
0x227: {  	_ =	swait.ge [sflag:s12], $0x80  }
0x228: {  	[sflag:s12] =	ssyncset.done $0x0  }
0x229: {  	[sflag:s12] =	ssyncadd.s32 $0xFFFFFF80  }
0x22a: {  	_ =	swait.ge [sflag:s12], $0x80  }
0x22b: {  	[sflag:s12] =	ssyncset.done $0x0  }
0x22c: {  	[sflag:s12] =	ssyncadd.s32 $0xFFFFFF80  }
0x22d: {  	_ =	swait.ge [sflag:s12], $0x80  }
0x22e: {  	[sflag:s12] =	ssyncset.done $0x0  }
0x22f: {  	[sflag:s12] =	ssyncadd.s32 $0xFFFFFF80  }
0x230: {  	_ =	swait.ge [sflag:s12], $0x80  }
0x231: {  	[sflag:s12] =	ssyncset.done $0x0  }
0x232: {  	[sflag:s12] =	ssyncadd.s32 $0xFFFFFF80  }
0x233: {  	_ =	swait.ge [sflag:s12], $0x80  }
0x234: {  	[sflag:s12] =	ssyncset.done $0x0  }
0x235: {  	[sflag:s12] =	ssyncadd.s32 $0xFFFFFF80  }
0x236: {  	_ =	swait.ge [sflag:s12], $0x80  }
0x237: {  	[sflag:s12] =	ssyncset.done $0x0  }
0x238: {  	[sflag:s12] =	ssyncadd.s32 $0xFFFFFF80  }
0x239: {  	_ =	swait.ge [sflag:s12], $0x80  }
0x23a: {  	[sflag:s12] =	ssyncset.done $0x0  }
0x23b: {  	[sflag:s12] =	ssyncadd.s32 $0xFFFFFF80  }
0x23c: {  	[tilespmem:s29], [sflag:$0x1] =	stream.indirect.gather [hbm4b:s24+s17], $0x10, s7, s17, $0xb8;
	[tilespmem:$0x11200] =	vst v63  }
0x23d: {  	s28 =	rddreg [dreg:$0x15]  }
0x23e: {  	[tilespmem:s28], [sflag:$0x1] =	stream.indirect.gather [hbm4b:s24+s17], $0x10, s31, s17, $0xb8;
	[tilespmem:$0x11200] =	vst v63  }
0x23f: {  	s29 =	rddreg [dreg:$0x16]  }
0x240: {  	[tilespmem:s29], [sflag:$0x1] =	stream.indirect.gather [hbm4b:s24+s17], $0x10, s1, s17, $0xb8;
	[tilespmem:$0x11200] =	vst v63  }
0x241: {  	s28 =	rddreg [dreg:$0x17]  }
0x242: {  	[tilespmem:s28], [sflag:$0x1] =	stream.indirect.gather [hbm4b:s24+s17], $0x10, s18, s17, $0xb8;
	[tilespmem:$0x11200] =	vst v63  }
0x243: {  	s1 =	simm.s32 $0x3200  }
0x244: {  	[tilespmem:s1], [sflag:$0x1] =	stream.indirect.gather [hbm4b:s21+s17], $0x10, s16, s17, $0xb8;
	[tilespmem:$0x11200] =	vst v63  }
0x245: {  	s28 =	rddreg [dreg:$0x18]  }
0x246: {  	[tilespmem:s28], [sflag:$0x1] =	stream.indirect.gather [hbm4b:s21+s17], $0x10, s15, s17, $0xb8;
	[tilespmem:$0x11200] =	vst v63  }
0x247: {  	s29 =	rddreg [dreg:$0x19]  }
0x248: {  	[tilespmem:s29], [sflag:$0x1] =	stream.indirect.gather [hbm4b:s21+s17], $0x10, s13, s17, $0xb8;
	[tilespmem:$0x11200] =	vst v63  }
0x249: {  	s28 =	rddreg [dreg:$0x1a]  }
0x24a: {  	[tilespmem:s28], [sflag:$0x1] =	stream.indirect.gather [hbm4b:s21+s17], $0x10, s0, s17, $0xb8;
	[tilespmem:$0x11200] =	vst v63  }
0x24b: {  	s18 =	sld [smem:$0x7EC];
	s0 =	simm.s32 $0x5200  }
0x24c: {  	[tilespmem:s0], [sflag:$0x1] =	stream.indirect.gather [hbm4b:s20+s17], $0x10, s10, s17, $0xb8;
	[tilespmem:$0x11200] =	vst v63  }
0x24d: {  	s28 =	rddreg [dreg:$0x1b]  }
0x24e: {  	[tilespmem:s28], [sflag:$0x1] =	stream.indirect.gather [hbm4b:s20+s17], $0x10, s22, s17, $0xb8;
	[tilespmem:$0x11200] =	vst v63  }
0x24f: {  	s29 =	rddreg [dreg:$0x1c]  }
0x250: {  	[tilespmem:s29], [sflag:$0x1] =	stream.indirect.gather [hbm4b:s20+s17], $0x10, s4, s17, $0xb8;
	[tilespmem:$0x11200] =	vst v63  }
0x251: {  	s28 =	rddreg [dreg:$0x1d]  }
0x252: {  	[tilespmem:s28], [sflag:$0x1] =	stream.indirect.gather [hbm4b:s20+s17], $0x10, s9, s17, $0xb8;
	[tilespmem:$0x11200] =	vst v63  }
0x253: {  	s7 =	simm.s32 $0x7200;
	s29 =	rddreg [dreg:$0x1f]  }
0x254: {  	[tilespmem:s7], [sflag:$0x1] =	stream.indirect.gather [hbm4b:s18+s17], $0x10, s23, s17, $0xb8;
	[tilespmem:$0x11200] =	vst v63  }
0x255: {  	s13 =	simm.s32 $0x880;
	s28 =	rddreg [dreg:$0x1e]  }
0x256: {  	[tilespmem:s28], [sflag:$0x1] =	stream.indirect.gather [hbm4b:s18+s17], $0x10, s13, s17, $0xb8;
	[tilespmem:$0x11200] =	vst v63  }
0x257: {  	s28 =	sld [smem:$0x7F0];
	s13 =	simm.s32 $0x900  }
0x258: {  	[tilespmem:s29], [sflag:$0x1] =	stream.indirect.gather [hbm4b:s18+s17], $0x10, s13, s17, $0xb8;
	[tilespmem:$0x11200] =	vst v63  }
0x259: {  	s16 =	sld [smem:$0x7ED];
	s13 =	simm.s32 $0x980  }
0x25a: {  	[tilespmem:s28], [sflag:$0x1] =	stream.indirect.gather [hbm4b:s18+s17], $0x10, s13, s17, $0xb8;
	[tilespmem:$0x11200] =	vst v63  }
0x25b: {  	s9 =	simm.s32 $0xA00;
	s28 =	sld [smem:$0x7F1];
	s13 =	simm.s32 $0x9200  }
0x25c: {  	[tilespmem:s13], [sflag:$0x1] =	stream.indirect.gather [hbm4b:s16+s17], $0x10, s9, s17, $0xb8;
	[tilespmem:$0x11200] =	vst v63  }
0x25d: {  	s29 =	sld [smem:$0x7F2]  }
0x25e: {  	[tilespmem:s28], [sflag:$0x1] =	stream.indirect.gather [hbm4b:s16+s17], $0x10, s5, s17, $0xb8;
	[tilespmem:$0x11200] =	vst v63  }
0x25f: {  	s28 =	sld [smem:$0x7F3]  }
0x260: {  	[tilespmem:s29], [sflag:$0x1] =	stream.indirect.gather [hbm4b:s16+s17], $0x10, s6, s17, $0xb8;
	[tilespmem:$0x11200] =	vst v63  }
0x261: {  	s15 =	sld [smem:$0x7EE];
	s6 =	simm.s32 $0xB80  }
0x262: {  	[tilespmem:s28], [sflag:$0x1] =	stream.indirect.gather [hbm4b:s16+s17], $0x10, s6, s17, $0xb8;
	[tilespmem:$0x11200] =	vst v63  }
0x263: {  	s28 =	sld [smem:$0x7F4];
	s6 =	simm.s32 $0xB200  }
0x264: {  	[tilespmem:s6], [sflag:$0x1] =	stream.indirect.gather [hbm4b:s15+s17], $0x10, s8, s17, $0xb8;
	[tilespmem:$0x11200] =	vst v63  }
0x265: {  	s29 =	sld [smem:$0x7F5]  }
0x266: {  	[tilespmem:s28], [sflag:$0x1] =	stream.indirect.gather [hbm4b:s15+s17], $0x10, s14, s17, $0xb8;
	[tilespmem:$0x11200] =	vst v63  }
0x267: {  	s28 =	sld [smem:$0x7F6]  }
0x268: {  	[tilespmem:s29], [sflag:$0x1] =	stream.indirect.gather [hbm4b:s15+s17], $0x10, s30, s17, $0xb8;
	[tilespmem:$0x11200] =	vst v63  }
0x269: {  	s10 =	sld [smem:$0x7EF];
	s9 =	simm.s32 $0xD80  }
0x26a: {  	[tilespmem:s28], [sflag:$0x1] =	stream.indirect.gather [hbm4b:s15+s17], $0x10, s9, s17, $0xb8;
	[tilespmem:$0x11200] =	vst v63  }
0x26b: {  	s8 =	simm.s32 $0xD200;
	s14 =	simm.s32 $0xE00;
	s28 =	sld [smem:$0x7F7]  }
0x26c: {  	[tilespmem:s8], [sflag:$0x1] =	stream.indirect.gather [hbm4b:s10+s17], $0x10, s14, s17, $0xb8;
	[tilespmem:$0x11200] =	vst v63  }
0x26d: {  	s29 =	sld [smem:$0x7F8];
	s9 =	simm.s32 $0xE80  }
0x26e: {  	[tilespmem:s28], [sflag:$0x1] =	stream.indirect.gather [hbm4b:s10+s17], $0x10, s9, s17, $0xb8;
	[tilespmem:$0x11200] =	vst v63  }
0x26f: {  	s14 =	simm.s32 $0xF00;
	s28 =	sld [smem:$0x7F9]  }
0x270: {  	[tilespmem:s29], [sflag:$0x1] =	stream.indirect.gather [hbm4b:s10+s17], $0x10, s14, s17, $0xb8;
	[tilespmem:$0x11200] =	vst v63  }
0x271: {  	s4 =	rddreg [dreg:$0xa];
	s9 =	simm.s32 $0xF80  }
0x272: {  	[tilespmem:s28], [sflag:$0x1] =	stream.indirect.gather [hbm4b:s10+s17], $0x10, s9, s17, $0xb8;
	[tilespmem:$0x11200] =	vst v63  }
0x273: {  	s14 =	simm.s32 $0x1000;
	s28 =	sld [smem:$0x7FA];
	s9 =	simm.s32 $0xF200  }
0x274: {  	[tilespmem:s9], [sflag:$0x1] =	stream.indirect.gather [hbm4b:s4+s17], $0x10, s14, s17, $0xb8;
	[tilespmem:$0x11200] =	vst v63  }
0x275: {  	s29 =	sld [smem:$0x7FB];
	s14 =	simm.s32 $0x1080  }
0x276: {  	[tilespmem:s28], [sflag:$0x1] =	stream.indirect.gather [hbm4b:s4+s17], $0x10, s14, s17, $0xb8;
	[tilespmem:$0x11200] =	vst v63  }
0x277: {  	s28 =	sld [smem:$0x7FC];
	s14 =	simm.s32 $0x1100  }
0x278: {  	[tilespmem:s29], [sflag:$0x1] =	stream.indirect.gather [hbm4b:s4+s17], $0x10, s14, s17, $0xb8;
	[tilespmem:$0x11200] =	vst v63  }
0x279: {  	_ = 	snop  }
0x27a: {  	[tilespmem:s28], [sflag:$0x1] =	stream.indirect.gather [hbm4b:s4+s17], $0x10, s19, s17, $0xb8;
	[tilespmem:$0x11200] =	vst v63  }
0x27b: {  	_ =	swait.ge [sflag:s12], $0x800  }
0x27c: {  	[sflag:s12] =	ssyncset.done $0x0  }
0x27d: {  	[sflag:s12] =	ssyncadd.s32 $0xFFFFF800  }
0x27e: {  	_ =	swait.ge [sflag:s12], $0x800  }
0x27f: {  	[sflag:s12] =	ssyncset.done $0x0  }
0x280: {  	[sflag:s12] =	ssyncadd.s32 $0xFFFFF800  }
0x281: {  	_ =	swait.ge [sflag:s12], $0x800  }
0x282: {  	[sflag:s12] =	ssyncset.done $0x0  }
0x283: {  	[sflag:s12] =	ssyncadd.s32 $0xFFFFF800  }
0x284: {  	_ =	swait.ge [sflag:s12], $0x800  }
0x285: {  	[sflag:s12] =	ssyncset.done $0x0  }
0x286: {  	[sflag:s12] =	ssyncadd.s32 $0xFFFFF800  }
0x287: {  	_ =	swait.ge [sflag:s12], $0x800  }
0x288: {  	[sflag:s12] =	ssyncset.done $0x0  }
0x289: {  	[sflag:s12] =	ssyncadd.s32 $0xFFFFF800  }
0x28a: {  	_ =	swait.ge [sflag:s12], $0x800  }
0x28b: {  	[sflag:s12] =	ssyncset.done $0x0  }
0x28c: {  	[sflag:s12] =	ssyncadd.s32 $0xFFFFF800  }
0x28d: {  	_ =	swait.ge [sflag:s12], $0x800  }
0x28e: {  	[sflag:s12] =	ssyncset.done $0x0  }
0x28f: {  	[sflag:s12] =	ssyncadd.s32 $0xFFFFF800  }
0x290: {  	_ =	swait.ge [sflag:s12], $0x800  }
0x291: {  	[sflag:s12] =	ssyncset.done $0x0  }
0x292: {  	[sflag:s12] =	ssyncadd.s32 $0xFFFFF800  }
0x293: {  	_ =	swait.ge [sflag:s12], $0x800  }
0x294: {  	[sflag:s12] =	ssyncset.done $0x0  }
0x295: {  	[sflag:s12] =	ssyncadd.s32 $0xFFFFF800  }
0x296: {  	_ =	swait.ge [sflag:s12], $0x800  }
0x297: {  	[sflag:s12] =	ssyncset.done $0x0  }
0x298: {  	[sflag:s12] =	ssyncadd.s32 $0xFFFFF800  }
0x299: {  	_ =	swait.ge [sflag:s12], $0x800  }
0x29a: {  	[sflag:s12] =	ssyncset.done $0x0  }
0x29b: {  	[sflag:s12] =	ssyncadd.s32 $0xFFFFF800  }
0x29c: {  	_ =	swait.ge [sflag:s12], $0x800  }
0x29d: {  	[sflag:s12] =	ssyncset.done $0x0  }
0x29e: {  	[sflag:s12] =	ssyncadd.s32 $0xFFFFF800  }
0x29f: {  	_ =	swait.ge [sflag:s12], $0x800  }
0x2a0: {  	[sflag:s12] =	ssyncset.done $0x0  }
0x2a1: {  	[sflag:s12] =	ssyncadd.s32 $0xFFFFF800  }
0x2a2: {  	_ =	swait.ge [sflag:s12], $0x800  }
0x2a3: {  	[sflag:s12] =	ssyncset.done $0x0  }
0x2a4: {  	[sflag:s12] =	ssyncadd.s32 $0xFFFFF800  }
0x2a5: {  	_ =	swait.ge [sflag:s12], $0x800  }
0x2a6: {  	[sflag:s12] =	ssyncset.done $0x0  }
0x2a7: {  	[sflag:s12] =	ssyncadd.s32 $0xFFFFF800  }
0x2a8: {  	_ =	swait.ge [sflag:s12], $0x800  }
0x2a9: {  	[sflag:s12] =	ssyncset.done $0x0  }
0x2aa: {  	[sflag:s12] =	ssyncadd.s32 $0xFFFFF800  }
0x2ab: {  	_ =	swait.ge [sflag:s12], $0x800  }
0x2ac: {  	[sflag:s12] =	ssyncset.done $0x0  }
0x2ad: {  	[sflag:s12] =	ssyncadd.s32 $0xFFFFF800  }
0x2ae: {  	_ =	swait.ge [sflag:s12], $0x800  }
0x2af: {  	[sflag:s12] =	ssyncset.done $0x0  }
0x2b0: {  	[sflag:s12] =	ssyncadd.s32 $0xFFFFF800  }
0x2b1: {  	_ =	swait.ge [sflag:s12], $0x800  }
0x2b2: {  	[sflag:s12] =	ssyncset.done $0x0  }
0x2b3: {  	[sflag:s12] =	ssyncadd.s32 $0xFFFFF800  }
0x2b4: {  	_ =	swait.ge [sflag:s12], $0x800  }
0x2b5: {  	[sflag:s12] =	ssyncset.done $0x0  }
0x2b6: {  	[sflag:s12] =	ssyncadd.s32 $0xFFFFF800  }
0x2b7: {  	_ =	swait.ge [sflag:s12], $0x800  }
0x2b8: {  	[sflag:s12] =	ssyncset.done $0x0  }
0x2b9: {  	[sflag:s12] =	ssyncadd.s32 $0xFFFFF800  }
0x2ba: {  	_ =	swait.ge [sflag:s12], $0x800  }
0x2bb: {  	[sflag:s12] =	ssyncset.done $0x0  }
0x2bc: {  	[sflag:s12] =	ssyncadd.s32 $0xFFFFF800  }
0x2bd: {  	_ =	swait.ge [sflag:s12], $0x800  }
0x2be: {  	[sflag:s12] =	ssyncset.done $0x0  }
0x2bf: {  	[sflag:s12] =	ssyncadd.s32 $0xFFFFF800  }
0x2c0: {  	_ =	swait.ge [sflag:s12], $0x800  }
0x2c1: {  	[sflag:s12] =	ssyncset.done $0x0  }
0x2c2: {  	[sflag:s12] =	ssyncadd.s32 $0xFFFFF800  }
0x2c3: {  	_ =	swait.ge [sflag:s12], $0x800  }
0x2c4: {  	[sflag:s12] =	ssyncset.done $0x0  }
0x2c5: {  	[sflag:s12] =	ssyncadd.s32 $0xFFFFF800  }
0x2c6: {  	_ =	swait.ge [sflag:s12], $0x800  }
0x2c7: {  	[sflag:s12] =	ssyncset.done $0x0  }
0x2c8: {  	[sflag:s12] =	ssyncadd.s32 $0xFFFFF800  }
0x2c9: {  	_ =	swait.ge [sflag:s12], $0x800  }
0x2ca: {  	[sflag:s12] =	ssyncset.done $0x0  }
0x2cb: {  	[sflag:s12] =	ssyncadd.s32 $0xFFFFF800  }
0x2cc: {  	_ =	swait.ge [sflag:s12], $0x800  }
0x2cd: {  	[sflag:s12] =	ssyncset.done $0x0  }
0x2ce: {  	[sflag:s12] =	ssyncadd.s32 $0xFFFFF800  }
0x2cf: {  	_ =	swait.ge [sflag:s12], $0x800  }
0x2d0: {  	[sflag:s12] =	ssyncset.done $0x0  }
0x2d1: {  	[sflag:s12] =	ssyncadd.s32 $0xFFFFF800  }
0x2d2: {  	_ =	swait.ge [sflag:s12], $0x800  }
0x2d3: {  	[sflag:s12] =	ssyncset.done $0x0  }
0x2d4: {  	[sflag:s12] =	ssyncadd.s32 $0xFFFFF800  }
0x2d5: {  	_ =	swait.ge [sflag:s12], $0x800  }
0x2d6: {  	[sflag:s12] =	ssyncset.done $0x0  }
0x2d7: {  	[sflag:s12] =	ssyncadd.s32 $0xFFFFF800  }
0x2d8: {  	_ =	swait.ge [sflag:s12], $0x800  }
0x2d9: {  	[sflag:s12] =	ssyncset.done $0x0  }
0x2da: {  	s29 =	simm.s32 $0x1200;
	s28 =	rddreg [dreg:$0xd];
	[sflag:s12] =	ssyncadd.s32 $0xFFFFF800  }
0x2db: {  	[hbm4b:s28+s2] =	stream.linear.scatter [tilespmem:s29], [sflag:$0x2], $0x2000, $0x38;
	[tilespmem:$0x11200] =	vst v63  }
0x2dc: {  	_ =	swait.ge [sflag:s3], $0x2000  }
0x2dd: {  	[sflag:s3] =	ssyncset.done $0x0  }
0x2de: {  	s28 =	rddreg [dreg:$0xe];
	[sflag:s3] =	ssyncadd.s32 $0xFFFFE000  }
0x2df: {  	[hbm4b:s28+s2] =	stream.linear.scatter [tilespmem:s1], [sflag:$0x2], $0x2000, $0x38;
	[tilespmem:$0x11200] =	vst v63  }
0x2e0: {  	_ =	swait.ge [sflag:s3], $0x2000  }
0x2e1: {  	[sflag:s3] =	ssyncset.done $0x0  }
0x2e2: {  	s28 =	rddreg [dreg:$0xf];
	[sflag:s3] =	ssyncadd.s32 $0xFFFFE000  }
0x2e3: {  	[hbm4b:s28+s2] =	stream.linear.scatter [tilespmem:s0], [sflag:$0x2], $0x2000, $0x38;
	[tilespmem:$0x11200] =	vst v63  }
0x2e4: {  	_ =	swait.ge [sflag:s3], $0x2000  }
0x2e5: {  	[sflag:s3] =	ssyncset.done $0x0  }
0x2e6: {  	s28 =	rddreg [dreg:$0x10];
	[sflag:s3] =	ssyncadd.s32 $0xFFFFE000  }
0x2e7: {  	[hbm4b:s28+s2] =	stream.linear.scatter [tilespmem:s7], [sflag:$0x2], $0x2000, $0x38;
	[tilespmem:$0x11200] =	vst v63  }
0x2e8: {  	_ =	swait.ge [sflag:s3], $0x2000  }
0x2e9: {  	[sflag:s3] =	ssyncset.done $0x0  }
0x2ea: {  	s28 =	rddreg [dreg:$0x11];
	[sflag:s3] =	ssyncadd.s32 $0xFFFFE000  }
0x2eb: {  	[hbm4b:s28+s2] =	stream.linear.scatter [tilespmem:s13], [sflag:$0x2], $0x2000, $0x38;
	[tilespmem:$0x11200] =	vst v63  }
0x2ec: {  	_ =	swait.ge [sflag:s3], $0x2000  }
0x2ed: {  	[sflag:s3] =	ssyncset.done $0x0  }
0x2ee: {  	s28 =	rddreg [dreg:$0x12];
	[sflag:s3] =	ssyncadd.s32 $0xFFFFE000  }
0x2ef: {  	[hbm4b:s28+s2] =	stream.linear.scatter [tilespmem:s6], [sflag:$0x2], $0x2000, $0x38;
	[tilespmem:$0x11200] =	vst v63  }
0x2f0: {  	_ =	swait.ge [sflag:s3], $0x2000  }
0x2f1: {  	[sflag:s3] =	ssyncset.done $0x0  }
0x2f2: {  	s28 =	rddreg [dreg:$0x13];
	[sflag:s3] =	ssyncadd.s32 $0xFFFFE000  }
0x2f3: {  	[hbm4b:s28+s2] =	stream.linear.scatter [tilespmem:s8], [sflag:$0x2], $0x2000, $0x38;
	[tilespmem:$0x11200] =	vst v63  }
0x2f4: {  	p1 =	sne.s32 s26, $0x1;
	_ =	swait.ge [sflag:s3], $0x2000  }
.Ltmp2:
0x2f5: {  	[sflag:s3] =	ssyncset.done $0x0;
	(pc) =	sbr.rel @p1 .LBB2_3-.Ltmp2, $4  }
0x2f6: {  	s28 =	rddreg [dreg:$0x14];
	[sflag:s3] =	ssyncadd.s32 $0xFFFFE000  }
0x2f7: {  	[hbm4b:s28+s2] =	stream.linear.scatter [tilespmem:s9], [sflag:$0x2], $0x2000, $0x38;
	[tilespmem:$0x11200] =	vst v63  }
0x2f8: {  	_ =	swait.ge [sflag:s3], $0x2000  }
0x2f9: {  	s26 =	sadd.s32 $0xFFFFFFFF, s26;
	s28 =	rddreg [dreg:$0xc];
	[sflag:s3] =	ssyncset.done $0x0  }
0x2fa: {  	s14 =	rddreg [dreg:$0x8]  }
0x2fb: {  	s8 =	rddreg [dreg:$0x7]  }
0x2fc: {  	s9 =	rddreg [dreg:$0x6]  }
0x2fd: {  	s0 =	simm.s32 $0xE80;
	s6 =	rddreg [dreg:$0x5]  }
0x2fe: {  	s5 =	simm.s32 $0xE00;
	s7 =	simm.s32 $0xD00;
	s11 =	rddreg [dreg:$0x4]  }
0x2ff: {  	s26 =	simm.s32 $0xD80;
	s1 =	simm.s32 $0xC80;
	s13 =	rddreg [dreg:$0x3]  }
0x300: {  	s30 =	simm.s32 $0xC00;
	s31 =	simm.s32 $0xB00;
	s22 =	rddreg [dreg:$0x2]  }
0x301: {  	s29 =	simm.s32 $0xA80;
	s23 =	rddreg [dreg:$0x1];
	s19 =	smov.u32 s21  }
0x302: {  	s21 =	smov.u32 s24;
	s24 =	simm.s32 $0x100;
	s25 =	simm.s32 $0x180  }
.LBB2_5:
0x303: {  	[sflag:s3] =	ssyncadd.s32 @p0 $0xFFFFE000  }
0x304: {  	[tilespmem:s2], [sflag:$0x2] =	stream.linear.gather [hbm4b:s28+s2], $0x200, $0x38;
	[tilespmem:$0x11200] =	vst v63  }
0x305: {  	_ =	swait.ge [sflag:s3], $0x200  }
0x306: {  	[sflag:s3] =	ssyncset.done $0x0  }
0x307: {  	s28 =	simm.s32 $0x200;
	[sflag:s3] =	ssyncadd.s32 $0xFFFFFE00  }
0x308: {  	[tilespmem:s28], [sflag:$0x1] =	stream.indirect.gather [hbm4b:s23+s17], $0x1, s2, s17, $0xb8;
	[tilespmem:$0x11200] =	vst v63  }
0x309: {  	s28 =	simm.s32 $0x280  }
0x30a: {  	[tilespmem:s28], [sflag:$0x1] =	stream.indirect.gather [hbm4b:s23+s17], $0x1, s17, s17, $0xb8;
	[tilespmem:$0x11200] =	vst v63  }
0x30b: {  	s28 =	simm.s32 $0x300  }
0x30c: {  	[tilespmem:s28], [sflag:$0x1] =	stream.indirect.gather [hbm4b:s23+s17], $0x1, s24, s17, $0xb8;
	[tilespmem:$0x11200] =	vst v63  }
0x30d: {  	s28 =	simm.s32 $0x380  }
0x30e: {  	[tilespmem:s28], [sflag:$0x1] =	stream.indirect.gather [hbm4b:s23+s17], $0x1, s25, s17, $0xb8;
	[tilespmem:$0x11200] =	vst v63  }
0x30f: {  	s23 =	simm.s32 $0x400  }
0x310: {  	[tilespmem:s23], [sflag:$0x1] =	stream.indirect.gather [hbm4b:s22+s17], $0x1, s2, s17, $0xb8;
	[tilespmem:$0x11200] =	vst v63  }
0x311: {  	s23 =	simm.s32 $0x480  }
0x312: {  	[tilespmem:s23], [sflag:$0x1] =	stream.indirect.gather [hbm4b:s22+s17], $0x1, s17, s17, $0xb8;
	[tilespmem:$0x11200] =	vst v63  }
0x313: {  	s23 =	simm.s32 $0x500  }
0x314: {  	[tilespmem:s23], [sflag:$0x1] =	stream.indirect.gather [hbm4b:s22+s17], $0x1, s24, s17, $0xb8;
	[tilespmem:$0x11200] =	vst v63  }
0x315: {  	s23 =	simm.s32 $0x580  }
0x316: {  	[tilespmem:s23], [sflag:$0x1] =	stream.indirect.gather [hbm4b:s22+s17], $0x1, s25, s17, $0xb8;
	[tilespmem:$0x11200] =	vst v63  }
0x317: {  	s23 =	simm.s32 $0x600  }
0x318: {  	[tilespmem:s23], [sflag:$0x1] =	stream.indirect.gather [hbm4b:s13+s17], $0x1, s2, s17, $0xb8;
	[tilespmem:$0x11200] =	vst v63  }
0x319: {  	s22 =	simm.s32 $0x680  }
0x31a: {  	[tilespmem:s22], [sflag:$0x1] =	stream.indirect.gather [hbm4b:s13+s17], $0x1, s17, s17, $0xb8;
	[tilespmem:$0x11200] =	vst v63  }
0x31b: {  	s22 =	simm.s32 $0x700  }
0x31c: {  	[tilespmem:s22], [sflag:$0x1] =	stream.indirect.gather [hbm4b:s13+s17], $0x1, s24, s17, $0xb8;
	[tilespmem:$0x11200] =	vst v63  }
0x31d: {  	s22 =	simm.s32 $0x780  }
0x31e: {  	[tilespmem:s22], [sflag:$0x1] =	stream.indirect.gather [hbm4b:s13+s17], $0x1, s25, s17, $0xb8;
	[tilespmem:$0x11200] =	vst v63  }
0x31f: {  	s13 =	simm.s32 $0x800  }
0x320: {  	[tilespmem:s13], [sflag:$0x1] =	stream.indirect.gather [hbm4b:s11+s17], $0x1, s2, s17, $0xb8;
	[tilespmem:$0x11200] =	vst v63  }
0x321: {  	s13 =	simm.s32 $0x880  }
0x322: {  	[tilespmem:s13], [sflag:$0x1] =	stream.indirect.gather [hbm4b:s11+s17], $0x1, s17, s17, $0xb8;
	[tilespmem:$0x11200] =	vst v63  }
0x323: {  	s13 =	simm.s32 $0x900  }
0x324: {  	[tilespmem:s13], [sflag:$0x1] =	stream.indirect.gather [hbm4b:s11+s17], $0x1, s24, s17, $0xb8;
	[tilespmem:$0x11200] =	vst v63  }
0x325: {  	s13 =	simm.s32 $0x980  }
0x326: {  	[tilespmem:s13], [sflag:$0x1] =	stream.indirect.gather [hbm4b:s11+s17], $0x1, s25, s17, $0xb8;
	[tilespmem:$0x11200] =	vst v63  }
0x327: {  	s11 =	simm.s32 $0xA00  }
0x328: {  	[tilespmem:s11], [sflag:$0x1] =	stream.indirect.gather [hbm4b:s6+s17], $0x1, s2, s17, $0xb8;
	[tilespmem:$0x11200] =	vst v63  }
0x329: {  	_ = 	snop  }
0x32a: {  	[tilespmem:s29], [sflag:$0x1] =	stream.indirect.gather [hbm4b:s6+s17], $0x1, s17, s17, $0xb8;
	[tilespmem:$0x11200] =	vst v63  }
0x32b: {  	_ = 	snop  }
0x32c: {  	[tilespmem:s31], [sflag:$0x1] =	stream.indirect.gather [hbm4b:s6+s17], $0x1, s24, s17, $0xb8;
	[tilespmem:$0x11200] =	vst v63  }
0x32d: {  	s29 =	simm.s32 $0xB80  }
0x32e: {  	[tilespmem:s29], [sflag:$0x1] =	stream.indirect.gather [hbm4b:s6+s17], $0x1, s25, s17, $0xb8;
	[tilespmem:$0x11200] =	vst v63  }
0x32f: {  	_ = 	snop  }
0x330: {  	[tilespmem:s30], [sflag:$0x1] =	stream.indirect.gather [hbm4b:s9+s17], $0x1, s2, s17, $0xb8;
	[tilespmem:$0x11200] =	vst v63  }
0x331: {  	_ = 	snop  }
0x332: {  	[tilespmem:s1], [sflag:$0x1] =	stream.indirect.gather [hbm4b:s9+s17], $0x1, s17, s17, $0xb8;
	[tilespmem:$0x11200] =	vst v63  }
0x333: {  	_ = 	snop  }
0x334: {  	[tilespmem:s7], [sflag:$0x1] =	stream.indirect.gather [hbm4b:s9+s17], $0x1, s24, s17, $0xb8;
	[tilespmem:$0x11200] =	vst v63  }
0x335: {  	_ = 	snop  }
0x336: {  	[tilespmem:s26], [sflag:$0x1] =	stream.indirect.gather [hbm4b:s9+s17], $0x1, s25, s17, $0xb8;
	[tilespmem:$0x11200] =	vst v63  }
0x337: {  	_ = 	snop  }
0x338: {  	[tilespmem:s5], [sflag:$0x1] =	stream.indirect.gather [hbm4b:s8+s17], $0x1, s2, s17, $0xb8;
	[tilespmem:$0x11200] =	vst v63  }
0x339: {  	_ = 	snop  }
0x33a: {  	[tilespmem:s0], [sflag:$0x1] =	stream.indirect.gather [hbm4b:s8+s17], $0x1, s17, s17, $0xb8;
	[tilespmem:$0x11200] =	vst v63  }
0x33b: {  	s31 =	simm.s32 $0xF00  }
0x33c: {  	[tilespmem:s31], [sflag:$0x1] =	stream.indirect.gather [hbm4b:s8+s17], $0x1, s24, s17, $0xb8;
	[tilespmem:$0x11200] =	vst v63  }
0x33d: {  	s26 =	simm.s32 $0xF80  }
0x33e: {  	[tilespmem:s26], [sflag:$0x1] =	stream.indirect.gather [hbm4b:s8+s17], $0x1, s25, s17, $0xb8;
	[tilespmem:$0x11200] =	vst v63  }
0x33f: {  	s30 =	simm.s32 $0x1000  }
0x340: {  	[tilespmem:s30], [sflag:$0x1] =	stream.indirect.gather [hbm4b:s14+s17], $0x1, s2, s17, $0xb8;
	[tilespmem:$0x11200] =	vst v63  }
0x341: {  	s8 =	simm.s32 $0x1080  }
0x342: {  	[tilespmem:s8], [sflag:$0x1] =	stream.indirect.gather [hbm4b:s14+s17], $0x1, s17, s17, $0xb8;
	[tilespmem:$0x11200] =	vst v63  }
0x343: {  	s9 =	simm.s32 $0x1100  }
0x344: {  	[tilespmem:s9], [sflag:$0x1] =	stream.indirect.gather [hbm4b:s14+s17], $0x1, s24, s17, $0xb8;
	[tilespmem:$0x11200] =	vst v63  }
0x345: {  	s24 =	simm.s32 $0x1180  }
0x346: {  	[tilespmem:s24], [sflag:$0x1] =	stream.indirect.gather [hbm4b:s14+s17], $0x1, s25, s17, $0xb8;
	[tilespmem:$0x11200] =	vst v63  }
0x347: {  	_ =	swait.ge [sflag:s12], $0x80  }
0x348: {  	[sflag:s12] =	ssyncset.done $0x0  }
0x349: {  	[sflag:s12] =	ssyncadd.s32 $0xFFFFFF80  }
0x34a: {  	_ =	swait.ge [sflag:s12], $0x80  }
0x34b: {  	[sflag:s12] =	ssyncset.done $0x0  }
0x34c: {  	[sflag:s12] =	ssyncadd.s32 $0xFFFFFF80  }
0x34d: {  	_ =	swait.ge [sflag:s12], $0x80  }
0x34e: {  	[sflag:s12] =	ssyncset.done $0x0  }
0x34f: {  	[sflag:s12] =	ssyncadd.s32 $0xFFFFFF80  }
0x350: {  	_ =	swait.ge [sflag:s12], $0x80  }
0x351: {  	[sflag:s12] =	ssyncset.done $0x0  }
0x352: {  	[sflag:s12] =	ssyncadd.s32 $0xFFFFFF80  }
0x353: {  	_ =	swait.ge [sflag:s12], $0x80  }
0x354: {  	[sflag:s12] =	ssyncset.done $0x0  }
0x355: {  	[sflag:s12] =	ssyncadd.s32 $0xFFFFFF80  }
0x356: {  	_ =	swait.ge [sflag:s12], $0x80  }
0x357: {  	[sflag:s12] =	ssyncset.done $0x0  }
0x358: {  	[sflag:s12] =	ssyncadd.s32 $0xFFFFFF80  }
0x359: {  	_ =	swait.ge [sflag:s12], $0x80  }
0x35a: {  	[sflag:s12] =	ssyncset.done $0x0  }
0x35b: {  	[sflag:s12] =	ssyncadd.s32 $0xFFFFFF80  }
0x35c: {  	_ =	swait.ge [sflag:s12], $0x80  }
0x35d: {  	[sflag:s12] =	ssyncset.done $0x0  }
0x35e: {  	[sflag:s12] =	ssyncadd.s32 $0xFFFFFF80  }
0x35f: {  	_ =	swait.ge [sflag:s12], $0x80  }
0x360: {  	[sflag:s12] =	ssyncset.done $0x0  }
0x361: {  	[sflag:s12] =	ssyncadd.s32 $0xFFFFFF80  }
0x362: {  	_ =	swait.ge [sflag:s12], $0x80  }
0x363: {  	[sflag:s12] =	ssyncset.done $0x0  }
0x364: {  	[sflag:s12] =	ssyncadd.s32 $0xFFFFFF80  }
0x365: {  	_ =	swait.ge [sflag:s12], $0x80  }
0x366: {  	[sflag:s12] =	ssyncset.done $0x0  }
0x367: {  	[sflag:s12] =	ssyncadd.s32 $0xFFFFFF80  }
0x368: {  	_ =	swait.ge [sflag:s12], $0x80  }
0x369: {  	[sflag:s12] =	ssyncset.done $0x0  }
0x36a: {  	[sflag:s12] =	ssyncadd.s32 $0xFFFFFF80  }
0x36b: {  	_ =	swait.ge [sflag:s12], $0x80  }
0x36c: {  	[sflag:s12] =	ssyncset.done $0x0  }
0x36d: {  	[sflag:s12] =	ssyncadd.s32 $0xFFFFFF80  }
0x36e: {  	_ =	swait.ge [sflag:s12], $0x80  }
0x36f: {  	[sflag:s12] =	ssyncset.done $0x0  }
0x370: {  	[sflag:s12] =	ssyncadd.s32 $0xFFFFFF80  }
0x371: {  	_ =	swait.ge [sflag:s12], $0x80  }
0x372: {  	[sflag:s12] =	ssyncset.done $0x0  }
0x373: {  	[sflag:s12] =	ssyncadd.s32 $0xFFFFFF80  }
0x374: {  	_ =	swait.ge [sflag:s12], $0x80  }
0x375: {  	[sflag:s12] =	ssyncset.done $0x0  }
0x376: {  	[sflag:s12] =	ssyncadd.s32 $0xFFFFFF80  }
0x377: {  	_ =	swait.ge [sflag:s12], $0x80  }
0x378: {  	[sflag:s12] =	ssyncset.done $0x0  }
0x379: {  	[sflag:s12] =	ssyncadd.s32 $0xFFFFFF80  }
0x37a: {  	_ =	swait.ge [sflag:s12], $0x80  }
0x37b: {  	[sflag:s12] =	ssyncset.done $0x0  }
0x37c: {  	[sflag:s12] =	ssyncadd.s32 $0xFFFFFF80  }
0x37d: {  	_ =	swait.ge [sflag:s12], $0x80  }
0x37e: {  	[sflag:s12] =	ssyncset.done $0x0  }
0x37f: {  	[sflag:s12] =	ssyncadd.s32 $0xFFFFFF80  }
0x380: {  	_ =	swait.ge [sflag:s12], $0x80  }
0x381: {  	[sflag:s12] =	ssyncset.done $0x0  }
0x382: {  	[sflag:s12] =	ssyncadd.s32 $0xFFFFFF80  }
0x383: {  	_ =	swait.ge [sflag:s12], $0x80  }
0x384: {  	[sflag:s12] =	ssyncset.done $0x0  }
0x385: {  	[sflag:s12] =	ssyncadd.s32 $0xFFFFFF80  }
0x386: {  	_ =	swait.ge [sflag:s12], $0x80  }
0x387: {  	[sflag:s12] =	ssyncset.done $0x0  }
0x388: {  	[sflag:s12] =	ssyncadd.s32 $0xFFFFFF80  }
0x389: {  	_ =	swait.ge [sflag:s12], $0x80  }
0x38a: {  	[sflag:s12] =	ssyncset.done $0x0  }
0x38b: {  	[sflag:s12] =	ssyncadd.s32 $0xFFFFFF80  }
0x38c: {  	_ =	swait.ge [sflag:s12], $0x80  }
0x38d: {  	[sflag:s12] =	ssyncset.done $0x0  }
0x38e: {  	[sflag:s12] =	ssyncadd.s32 $0xFFFFFF80  }
0x38f: {  	_ =	swait.ge [sflag:s12], $0x80  }
0x390: {  	[sflag:s12] =	ssyncset.done $0x0  }
0x391: {  	[sflag:s12] =	ssyncadd.s32 $0xFFFFFF80  }
0x392: {  	_ =	swait.ge [sflag:s12], $0x80  }
0x393: {  	[sflag:s12] =	ssyncset.done $0x0  }
0x394: {  	[sflag:s12] =	ssyncadd.s32 $0xFFFFFF80  }
0x395: {  	_ =	swait.ge [sflag:s12], $0x80  }
0x396: {  	[sflag:s12] =	ssyncset.done $0x0  }
0x397: {  	[sflag:s12] =	ssyncadd.s32 $0xFFFFFF80  }
0x398: {  	_ =	swait.ge [sflag:s12], $0x80  }
0x399: {  	[sflag:s12] =	ssyncset.done $0x0  }
0x39a: {  	[sflag:s12] =	ssyncadd.s32 $0xFFFFFF80  }
0x39b: {  	_ =	swait.ge [sflag:s12], $0x80  }
0x39c: {  	[sflag:s12] =	ssyncset.done $0x0  }
0x39d: {  	[sflag:s12] =	ssyncadd.s32 $0xFFFFFF80  }
0x39e: {  	_ =	swait.ge [sflag:s12], $0x80  }
0x39f: {  	[sflag:s12] =	ssyncset.done $0x0  }
0x3a0: {  	[sflag:s12] =	ssyncadd.s32 $0xFFFFFF80  }
0x3a1: {  	_ =	swait.ge [sflag:s12], $0x80  }
0x3a2: {  	[sflag:s12] =	ssyncset.done $0x0  }
0x3a3: {  	[sflag:s12] =	ssyncadd.s32 $0xFFFFFF80  }
0x3a4: {  	_ =	swait.ge [sflag:s12], $0x80  }
0x3a5: {  	[sflag:s12] =	ssyncset.done $0x0  }
0x3a6: {  	s1 =	simm.s32 $0x200;
	s24 =	simm.s32 $0x1200;
	[sflag:s12] =	ssyncadd.s32 $0xFFFFFF80  }
0x3a7: {  	[tilespmem:s24], [sflag:$0x1] =	stream.indirect.gather [hbm4b:s21+s17], $0x10, s1, s17, $0xb8;
	[tilespmem:$0x11200] =	vst v63  }
0x3a8: {  	s8 =	simm.s32 $0x280;
	s25 =	rddreg [dreg:$0x15]  }
0x3a9: {  	[tilespmem:s25], [sflag:$0x1] =	stream.indirect.gather [hbm4b:s21+s17], $0x10, s8, s17, $0xb8;
	[tilespmem:$0x11200] =	vst v63  }
0x3aa: {  	s5 =	rddreg [dreg:$0x16];
	s25 =	simm.s32 $0x300  }
0x3ab: {  	[tilespmem:s5], [sflag:$0x1] =	stream.indirect.gather [hbm4b:s21+s17], $0x10, s25, s17, $0xb8;
	[tilespmem:$0x11200] =	vst v63  }
0x3ac: {  	s9 =	rddreg [dreg:$0x17]  }
0x3ad: {  	[tilespmem:s9], [sflag:$0x1] =	stream.indirect.gather [hbm4b:s21+s17], $0x10, s28, s17, $0xb8;
	[tilespmem:$0x11200] =	vst v63  }
0x3ae: {  	s5 =	simm.s32 $0x400;
	s21 =	simm.s32 $0x3200  }
0x3af: {  	[tilespmem:s21], [sflag:$0x1] =	stream.indirect.gather [hbm4b:s19+s17], $0x10, s5, s17, $0xb8;
	[tilespmem:$0x11200] =	vst v63  }
0x3b0: {  	s1 =	rddreg [dreg:$0x18];
	s9 =	simm.s32 $0x480  }
0x3b1: {  	[tilespmem:s1], [sflag:$0x1] =	stream.indirect.gather [hbm4b:s19+s17], $0x10, s9, s17, $0xb8;
	[tilespmem:$0x11200] =	vst v63  }
0x3b2: {  	s8 =	rddreg [dreg:$0x19];
	s28 =	simm.s32 $0x500  }
0x3b3: {  	[tilespmem:s8], [sflag:$0x1] =	stream.indirect.gather [hbm4b:s19+s17], $0x10, s28, s17, $0xb8;
	[tilespmem:$0x11200] =	vst v63  }
0x3b4: {  	s25 =	rddreg [dreg:$0x1a];
	s5 =	simm.s32 $0x580  }
0x3b5: {  	[tilespmem:s25], [sflag:$0x1] =	stream.indirect.gather [hbm4b:s19+s17], $0x10, s5, s17, $0xb8;
	[tilespmem:$0x11200] =	vst v63  }
0x3b6: {  	s23 =	simm.s32 $0x600;
	s9 =	simm.s32 $0x5200  }
0x3b7: {  	[tilespmem:s9], [sflag:$0x1] =	stream.indirect.gather [hbm4b:s20+s17], $0x10, s23, s17, $0xb8;
	[tilespmem:$0x11200] =	vst v63  }
0x3b8: {  	s6 =	rddreg [dreg:$0x1b];
	s19 =	simm.s32 $0x680  }
0x3b9: {  	[tilespmem:s6], [sflag:$0x1] =	stream.indirect.gather [hbm4b:s20+s17], $0x10, s19, s17, $0xb8;
	[tilespmem:$0x11200] =	vst v63  }
0x3ba: {  	s8 =	rddreg [dreg:$0x1c];
	s25 =	simm.s32 $0x700  }
0x3bb: {  	[tilespmem:s8], [sflag:$0x1] =	stream.indirect.gather [hbm4b:s20+s17], $0x10, s25, s17, $0xb8;
	[tilespmem:$0x11200] =	vst v63  }
0x3bc: {  	s23 =	rddreg [dreg:$0x1d]  }
0x3bd: {  	[tilespmem:s23], [sflag:$0x1] =	stream.indirect.gather [hbm4b:s20+s17], $0x10, s22, s17, $0xb8;
	[tilespmem:$0x11200] =	vst v63  }
0x3be: {  	s28 =	rddreg [dreg:$0x1e];
	s5 =	simm.s32 $0x800;
	s8 =	simm.s32 $0x7200  }
0x3bf: {  	[tilespmem:s8], [sflag:$0x1] =	stream.indirect.gather [hbm4b:s18+s17], $0x10, s5, s17, $0xb8;
	[tilespmem:$0x11200] =	vst v63  }
0x3c0: {  	s6 =	rddreg [dreg:$0x1f];
	s19 =	simm.s32 $0x880  }
0x3c1: {  	[tilespmem:s28], [sflag:$0x1] =	stream.indirect.gather [hbm4b:s18+s17], $0x10, s19, s17, $0xb8;
	[tilespmem:$0x11200] =	vst v63  }
0x3c2: {  	s20 =	sld [smem:$0x7F0];
	s22 =	simm.s32 $0x900  }
0x3c3: {  	[tilespmem:s6], [sflag:$0x1] =	stream.indirect.gather [hbm4b:s18+s17], $0x10, s22, s17, $0xb8;
	[tilespmem:$0x11200] =	vst v63  }
0x3c4: {  	_ = 	snop  }
0x3c5: {  	[tilespmem:s20], [sflag:$0x1] =	stream.indirect.gather [hbm4b:s18+s17], $0x10, s13, s17, $0xb8;
	[tilespmem:$0x11200] =	vst v63  }
0x3c6: {  	s23 =	sld [smem:$0x7F1];
	s13 =	simm.s32 $0x9200  }
0x3c7: {  	[tilespmem:s13], [sflag:$0x1] =	stream.indirect.gather [hbm4b:s16+s17], $0x10, s11, s17, $0xb8;
	[tilespmem:$0x11200] =	vst v63  }
0x3c8: {  	s25 =	sld [smem:$0x7F2];
	s28 =	simm.s32 $0xA80  }
0x3c9: {  	[tilespmem:s23], [sflag:$0x1] =	stream.indirect.gather [hbm4b:s16+s17], $0x10, s28, s17, $0xb8;
	[tilespmem:$0x11200] =	vst v63  }
0x3ca: {  	s7 =	simm.s32 $0xB00;
	s5 =	sld [smem:$0x7F3]  }
0x3cb: {  	[tilespmem:s25], [sflag:$0x1] =	stream.indirect.gather [hbm4b:s16+s17], $0x10, s7, s17, $0xb8;
	[tilespmem:$0x11200] =	vst v63  }
0x3cc: {  	_ = 	snop  }
0x3cd: {  	[tilespmem:s5], [sflag:$0x1] =	stream.indirect.gather [hbm4b:s16+s17], $0x10, s29, s17, $0xb8;
	[tilespmem:$0x11200] =	vst v63  }
0x3ce: {  	s6 =	sld [smem:$0x7F4];
	s11 =	simm.s32 $0xC00;
	s7 =	simm.s32 $0xB200  }
0x3cf: {  	[tilespmem:s7], [sflag:$0x1] =	stream.indirect.gather [hbm4b:s15+s17], $0x10, s11, s17, $0xb8;
	[tilespmem:$0x11200] =	vst v63  }
0x3d0: {  	s18 =	simm.s32 $0xC80;
	s16 =	sld [smem:$0x7F5]  }
0x3d1: {  	[tilespmem:s6], [sflag:$0x1] =	stream.indirect.gather [hbm4b:s15+s17], $0x10, s18, s17, $0xb8;
	[tilespmem:$0x11200] =	vst v63  }
0x3d2: {  	s19 =	sld [smem:$0x7F6];
	s20 =	simm.s32 $0xD00  }
0x3d3: {  	[tilespmem:s16], [sflag:$0x1] =	stream.indirect.gather [hbm4b:s15+s17], $0x10, s20, s17, $0xb8;
	[tilespmem:$0x11200] =	vst v63  }
0x3d4: {  	s22 =	simm.s32 $0xD80  }
0x3d5: {  	[tilespmem:s19], [sflag:$0x1] =	stream.indirect.gather [hbm4b:s15+s17], $0x10, s22, s17, $0xb8;
	[tilespmem:$0x11200] =	vst v63  }
0x3d6: {  	s23 =	sld [smem:$0x7F7];
	s25 =	simm.s32 $0xE00;
	s6 =	simm.s32 $0xD200  }
0x3d7: {  	[tilespmem:s6], [sflag:$0x1] =	stream.indirect.gather [hbm4b:s10+s17], $0x10, s25, s17, $0xb8;
	[tilespmem:$0x11200] =	vst v63  }
0x3d8: {  	s28 =	sld [smem:$0x7F8];
	s29 =	simm.s32 $0xE80  }
0x3d9: {  	[tilespmem:s23], [sflag:$0x1] =	stream.indirect.gather [hbm4b:s10+s17], $0x10, s29, s17, $0xb8;
	[tilespmem:$0x11200] =	vst v63  }
0x3da: {  	s5 =	sld [smem:$0x7F9]  }
0x3db: {  	[tilespmem:s28], [sflag:$0x1] =	stream.indirect.gather [hbm4b:s10+s17], $0x10, s31, s17, $0xb8;
	[tilespmem:$0x11200] =	vst v63  }
0x3dc: {  	_ = 	snop  }
0x3dd: {  	[tilespmem:s5], [sflag:$0x1] =	stream.indirect.gather [hbm4b:s10+s17], $0x10, s26, s17, $0xb8;
	[tilespmem:$0x11200] =	vst v63  }
0x3de: {  	s11 =	sld [smem:$0x7FA];
	s15 =	simm.s32 $0xF200  }
0x3df: {  	[tilespmem:s15], [sflag:$0x1] =	stream.indirect.gather [hbm4b:s4+s17], $0x10, s30, s17, $0xb8;
	[tilespmem:$0x11200] =	vst v63  }
0x3e0: {  	s18 =	simm.s32 $0x1080;
	s16 =	sld [smem:$0x7FB]  }
0x3e1: {  	[tilespmem:s11], [sflag:$0x1] =	stream.indirect.gather [hbm4b:s4+s17], $0x10, s18, s17, $0xb8;
	[tilespmem:$0x11200] =	vst v63  }
0x3e2: {  	s20 =	simm.s32 $0x1100;
	s19 =	sld [smem:$0x7FC]  }
0x3e3: {  	[tilespmem:s16], [sflag:$0x1] =	stream.indirect.gather [hbm4b:s4+s17], $0x10, s20, s17, $0xb8;
	[tilespmem:$0x11200] =	vst v63  }
0x3e4: {  	s14 =	simm.s32 $0x1180  }
0x3e5: {  	[tilespmem:s19], [sflag:$0x1] =	stream.indirect.gather [hbm4b:s4+s17], $0x10, s14, s17, $0xb8;
	[tilespmem:$0x11200] =	vst v63  }
0x3e6: {  	_ =	swait.ge [sflag:s12], $0x800  }
0x3e7: {  	[sflag:s12] =	ssyncset.done $0x0  }
0x3e8: {  	[sflag:s12] =	ssyncadd.s32 $0xFFFFF800  }
0x3e9: {  	_ =	swait.ge [sflag:s12], $0x800  }
0x3ea: {  	[sflag:s12] =	ssyncset.done $0x0  }
0x3eb: {  	[sflag:s12] =	ssyncadd.s32 $0xFFFFF800  }
0x3ec: {  	_ =	swait.ge [sflag:s12], $0x800  }
0x3ed: {  	[sflag:s12] =	ssyncset.done $0x0  }
0x3ee: {  	[sflag:s12] =	ssyncadd.s32 $0xFFFFF800  }
0x3ef: {  	_ =	swait.ge [sflag:s12], $0x800  }
0x3f0: {  	[sflag:s12] =	ssyncset.done $0x0  }
0x3f1: {  	[sflag:s12] =	ssyncadd.s32 $0xFFFFF800  }
0x3f2: {  	_ =	swait.ge [sflag:s12], $0x800  }
0x3f3: {  	[sflag:s12] =	ssyncset.done $0x0  }
0x3f4: {  	[sflag:s12] =	ssyncadd.s32 $0xFFFFF800  }
0x3f5: {  	_ =	swait.ge [sflag:s12], $0x800  }
0x3f6: {  	[sflag:s12] =	ssyncset.done $0x0  }
0x3f7: {  	[sflag:s12] =	ssyncadd.s32 $0xFFFFF800  }
0x3f8: {  	_ =	swait.ge [sflag:s12], $0x800  }
0x3f9: {  	[sflag:s12] =	ssyncset.done $0x0  }
0x3fa: {  	[sflag:s12] =	ssyncadd.s32 $0xFFFFF800  }
0x3fb: {  	_ =	swait.ge [sflag:s12], $0x800  }
0x3fc: {  	[sflag:s12] =	ssyncset.done $0x0  }
0x3fd: {  	[sflag:s12] =	ssyncadd.s32 $0xFFFFF800  }
0x3fe: {  	_ =	swait.ge [sflag:s12], $0x800  }
0x3ff: {  	[sflag:s12] =	ssyncset.done $0x0  }
0x400: {  	[sflag:s12] =	ssyncadd.s32 $0xFFFFF800  }
0x401: {  	_ =	swait.ge [sflag:s12], $0x800  }
0x402: {  	[sflag:s12] =	ssyncset.done $0x0  }
0x403: {  	[sflag:s12] =	ssyncadd.s32 $0xFFFFF800  }
0x404: {  	_ =	swait.ge [sflag:s12], $0x800  }
0x405: {  	[sflag:s12] =	ssyncset.done $0x0  }
0x406: {  	[sflag:s12] =	ssyncadd.s32 $0xFFFFF800  }
0x407: {  	_ =	swait.ge [sflag:s12], $0x800  }
0x408: {  	[sflag:s12] =	ssyncset.done $0x0  }
0x409: {  	[sflag:s12] =	ssyncadd.s32 $0xFFFFF800  }
0x40a: {  	_ =	swait.ge [sflag:s12], $0x800  }
0x40b: {  	[sflag:s12] =	ssyncset.done $0x0  }
0x40c: {  	[sflag:s12] =	ssyncadd.s32 $0xFFFFF800  }
0x40d: {  	_ =	swait.ge [sflag:s12], $0x800  }
0x40e: {  	[sflag:s12] =	ssyncset.done $0x0  }
0x40f: {  	[sflag:s12] =	ssyncadd.s32 $0xFFFFF800  }
0x410: {  	_ =	swait.ge [sflag:s12], $0x800  }
0x411: {  	[sflag:s12] =	ssyncset.done $0x0  }
0x412: {  	[sflag:s12] =	ssyncadd.s32 $0xFFFFF800  }
0x413: {  	_ =	swait.ge [sflag:s12], $0x800  }
0x414: {  	[sflag:s12] =	ssyncset.done $0x0  }
0x415: {  	[sflag:s12] =	ssyncadd.s32 $0xFFFFF800  }
0x416: {  	_ =	swait.ge [sflag:s12], $0x800  }
0x417: {  	[sflag:s12] =	ssyncset.done $0x0  }
0x418: {  	[sflag:s12] =	ssyncadd.s32 $0xFFFFF800  }
0x419: {  	_ =	swait.ge [sflag:s12], $0x800  }
0x41a: {  	[sflag:s12] =	ssyncset.done $0x0  }
0x41b: {  	[sflag:s12] =	ssyncadd.s32 $0xFFFFF800  }
0x41c: {  	_ =	swait.ge [sflag:s12], $0x800  }
0x41d: {  	[sflag:s12] =	ssyncset.done $0x0  }
0x41e: {  	[sflag:s12] =	ssyncadd.s32 $0xFFFFF800  }
0x41f: {  	_ =	swait.ge [sflag:s12], $0x800  }
0x420: {  	[sflag:s12] =	ssyncset.done $0x0  }
0x421: {  	[sflag:s12] =	ssyncadd.s32 $0xFFFFF800  }
0x422: {  	_ =	swait.ge [sflag:s12], $0x800  }
0x423: {  	[sflag:s12] =	ssyncset.done $0x0  }
0x424: {  	[sflag:s12] =	ssyncadd.s32 $0xFFFFF800  }
0x425: {  	_ =	swait.ge [sflag:s12], $0x800  }
0x426: {  	[sflag:s12] =	ssyncset.done $0x0  }
0x427: {  	[sflag:s12] =	ssyncadd.s32 $0xFFFFF800  }
0x428: {  	_ =	swait.ge [sflag:s12], $0x800  }
0x429: {  	[sflag:s12] =	ssyncset.done $0x0  }
0x42a: {  	[sflag:s12] =	ssyncadd.s32 $0xFFFFF800  }
0x42b: {  	_ =	swait.ge [sflag:s12], $0x800  }
0x42c: {  	[sflag:s12] =	ssyncset.done $0x0  }
0x42d: {  	[sflag:s12] =	ssyncadd.s32 $0xFFFFF800  }
0x42e: {  	_ =	swait.ge [sflag:s12], $0x800  }
0x42f: {  	[sflag:s12] =	ssyncset.done $0x0  }
0x430: {  	[sflag:s12] =	ssyncadd.s32 $0xFFFFF800  }
0x431: {  	_ =	swait.ge [sflag:s12], $0x800  }
0x432: {  	[sflag:s12] =	ssyncset.done $0x0  }
0x433: {  	[sflag:s12] =	ssyncadd.s32 $0xFFFFF800  }
0x434: {  	_ =	swait.ge [sflag:s12], $0x800  }
0x435: {  	[sflag:s12] =	ssyncset.done $0x0  }
0x436: {  	[sflag:s12] =	ssyncadd.s32 $0xFFFFF800  }
0x437: {  	_ =	swait.ge [sflag:s12], $0x800  }
0x438: {  	[sflag:s12] =	ssyncset.done $0x0  }
0x439: {  	[sflag:s12] =	ssyncadd.s32 $0xFFFFF800  }
0x43a: {  	_ =	swait.ge [sflag:s12], $0x800  }
0x43b: {  	[sflag:s12] =	ssyncset.done $0x0  }
0x43c: {  	[sflag:s12] =	ssyncadd.s32 $0xFFFFF800  }
0x43d: {  	_ =	swait.ge [sflag:s12], $0x800  }
0x43e: {  	[sflag:s12] =	ssyncset.done $0x0  }
0x43f: {  	[sflag:s12] =	ssyncadd.s32 $0xFFFFF800  }
0x440: {  	_ =	swait.ge [sflag:s12], $0x800  }
0x441: {  	[sflag:s12] =	ssyncset.done $0x0  }
0x442: {  	[sflag:s12] =	ssyncadd.s32 $0xFFFFF800  }
0x443: {  	_ =	swait.ge [sflag:s12], $0x800  }
0x444: {  	[sflag:s12] =	ssyncset.done $0x0  }
0x445: {  	s22 =	rddreg [dreg:$0xd];
	[sflag:s12] =	ssyncadd.s32 $0xFFFFF800  }
0x446: {  	[hbm4b:s22+s2] =	stream.linear.scatter [tilespmem:s24], [sflag:$0x2], $0x2000, $0x38;
	[tilespmem:$0x11200] =	vst v63  }
0x447: {  	_ =	swait.ge [sflag:s3], $0x2000  }
0x448: {  	[sflag:s3] =	ssyncset.done $0x0  }
0x449: {  	s23 =	rddreg [dreg:$0xe];
	[sflag:s3] =	ssyncadd.s32 $0xFFFFE000  }
0x44a: {  	[hbm4b:s23+s2] =	stream.linear.scatter [tilespmem:s21], [sflag:$0x2], $0x2000, $0x38;
	[tilespmem:$0x11200] =	vst v63  }
0x44b: {  	_ =	swait.ge [sflag:s3], $0x2000  }
0x44c: {  	[sflag:s3] =	ssyncset.done $0x0  }
0x44d: {  	s24 =	rddreg [dreg:$0xf];
	[sflag:s3] =	ssyncadd.s32 $0xFFFFE000  }
0x44e: {  	[hbm4b:s24+s2] =	stream.linear.scatter [tilespmem:s9], [sflag:$0x2], $0x2000, $0x38;
	[tilespmem:$0x11200] =	vst v63  }
0x44f: {  	_ =	swait.ge [sflag:s3], $0x2000  }
0x450: {  	[sflag:s3] =	ssyncset.done $0x0  }
0x451: {  	s25 =	rddreg [dreg:$0x10];
	[sflag:s3] =	ssyncadd.s32 $0xFFFFE000  }
0x452: {  	[hbm4b:s25+s2] =	stream.linear.scatter [tilespmem:s8], [sflag:$0x2], $0x2000, $0x38;
	[tilespmem:$0x11200] =	vst v63  }
0x453: {  	_ =	swait.ge [sflag:s3], $0x2000  }
0x454: {  	[sflag:s3] =	ssyncset.done $0x0  }
0x455: {  	s26 =	rddreg [dreg:$0x11];
	[sflag:s3] =	ssyncadd.s32 $0xFFFFE000  }
0x456: {  	[hbm4b:s26+s2] =	stream.linear.scatter [tilespmem:s13], [sflag:$0x2], $0x2000, $0x38;
	[tilespmem:$0x11200] =	vst v63  }
0x457: {  	_ =	swait.ge [sflag:s3], $0x2000  }
0x458: {  	[sflag:s3] =	ssyncset.done $0x0  }
0x459: {  	s28 =	rddreg [dreg:$0x12];
	[sflag:s3] =	ssyncadd.s32 $0xFFFFE000  }
0x45a: {  	[hbm4b:s28+s2] =	stream.linear.scatter [tilespmem:s7], [sflag:$0x2], $0x2000, $0x38;
	[tilespmem:$0x11200] =	vst v63  }
0x45b: {  	_ =	swait.ge [sflag:s3], $0x2000  }
0x45c: {  	[sflag:s3] =	ssyncset.done $0x0  }
0x45d: {  	s29 =	rddreg [dreg:$0x13];
	[sflag:s3] =	ssyncadd.s32 $0xFFFFE000  }
0x45e: {  	[hbm4b:s29+s2] =	stream.linear.scatter [tilespmem:s6], [sflag:$0x2], $0x2000, $0x38;
	[tilespmem:$0x11200] =	vst v63  }
0x45f: {  	_ =	swait.ge [sflag:s3], $0x2000  }
0x460: {  	[sflag:s3] =	ssyncset.done $0x0  }
0x461: {  	s30 =	rddreg [dreg:$0x14];
	[sflag:s3] =	ssyncadd.s32 $0xFFFFE000  }
0x462: {  	[hbm4b:s30+s2] =	stream.linear.scatter [tilespmem:s15], [sflag:$0x2], $0x2000, $0x38;
	[tilespmem:$0x11200] =	vst v63  }
0x463: {  	_ =	swait.ge [sflag:s3], $0x2000  }
0x464: {  	[sflag:s3] =	ssyncset.done $0x0  }
0x465: {  	[sflag:s3] =	ssyncadd.s32 $0xFFFFE000  }
0x466: {  	_ =	sfence.sel $0x180000  }
0x467: {  	[bflag:$0x0] =	sbarrier.arrive $0xFFFF  }
0x468: {  	_ =	strace $0x90000047  }
0x469: {  	s31 =	stileid.u32;
	[bflag:$0x2] =	sbarrier.arrive $0xFFFF  }
0x46a: {  	p0 =	sne.s32 s31, $0x0;
	s0 =	rddreg [dreg:$0xb]  }
0x46b: {  	s0 =	sadd.s32 @!p0 $0x100000, s0  }
0x46c: {  	[sflag:s0] =	ssyncadd.tile.s32 @!p0 $0x1;
	_ =	shalt  }
.LBB2_6:
0x46d: {  	s14 =	rddreg [dreg:$0x8]  }
0x46e: {  	s8 =	rddreg [dreg:$0x7]  }
0x46f: {  	s9 =	rddreg [dreg:$0x6]  }
0x470: {  	s0 =	simm.s32 $0xE80;
	s5 =	simm.s32 $0xE00;
	s6 =	rddreg [dreg:$0x5]  }
.Ltmp3:
0x471: {  	s7 =	simm.s32 $0xD00;
	s11 =	rddreg [dreg:$0x4];
	(pc) =	sbr.rel .LBB2_5-.Ltmp3, $4  }
0x472: {  	s26 =	simm.s32 $0xD80;
	s1 =	simm.s32 $0xC80;
	s13 =	rddreg [dreg:$0x3]  }
0x473: {  	s30 =	simm.s32 $0xC00;
	s31 =	simm.s32 $0xB00;
	s22 =	rddreg [dreg:$0x2]  }
0x474: {  	s29 =	simm.s32 $0xA80;
	s23 =	rddreg [dreg:$0x1];
	s19 =	smov.u32 s21  }
0x475: {  	s21 =	smov.u32 s24;
	s24 =	simm.s32 $0x100;
	s25 =	simm.s32 $0x180  }
.Lfunc_end2:
_tile_overlayer_lowered:
.L_overlay_start_2:
0x476: {  	(tag) =	ssettag $0x2  }
0x477: {  	s0 =	rddreg [dreg:$0x0];
	s2 =	stileid.u32  }
0x478: {  	s1 =	rddreg [dreg:$0x1];
	p0 =	sne.s32 s2, $0x0  }
0x479: {  	s3 =	rddreg [dreg:$0x2];
	[bflag:$0x3] =	sbarrier.arrive $0xFFFF;
	s2 =	simm.s32 @!p0 $0x1C02  }
0x47a: {  	[timem:s3], [sflag:s2] =	dma.local @!p0 [hbm:s0], s1  }
0x47b: {  	s0 =	simm.s32 @!p0 $0x2  }
0x47c: {  	_ =	swait.ge @!p0 [sflag:s0], s1  }
0x47d: {  	s1 =	ssub.s32 @!p0 $0x0, s1;
	[sflag:s0] =	ssyncset.done @!p0 $0x0  }
0x47e: {  	[sflag:s0] =	ssyncadd.s32 @!p0 s1  }
0x47f: {  	[bflag:$0x3] =	sbarrier.arrive $0xFFFF  }
0x480: {  	_ =	shalt  }

</sc_bundles>
